<compile_context>
chip_gen: v7x
topology: tpu7x:2x2x1
jax: 0.10.2.dev20260603
libtpu: 0.0.44.dev20260713+nightly
codegen_flags: <defaults>
</compile_context>

<pallas_src>
import functools

import jax
import jax.numpy as jnp
from jax import lax
from jax.experimental import pallas as pl
from jax.experimental.pallas import tpu as pltpu
from jax.experimental.pallas import tpu_sc as plsc

N = 10000
NP = 10240
DIN = 128
HID = 128
HEADS = 4
NC = 40
NCP = 128
E = 320000
E2 = E + N
CH = 128
NSUB = 16
NCORE = 2
E2P = 344064
ROWS_PER_SUB = NP // NSUB
F32 = jnp.float32


def _mmA(x_ref, w1_ref, asd_ref, h1_ref, aiaj_ref):
    hd = pl.program_id(1)
    hblk = jnp.dot(x_ref[...], w1_ref[...], preferred_element_type=F32)
    h1_ref[0] = hblk

    @pl.when(hd == 0)
    def _():
        aiaj_ref[...] = jnp.zeros_like(aiaj_ref)

    aiaj_ref[...] += jnp.dot(hblk, asd_ref[...], preferred_element_type=F32)


def _call_A(xp, W1, ASD):
    BN = 256
    return pl.pallas_call(
        _mmA,
        grid=(NP // BN, HEADS),
        in_specs=[
            pl.BlockSpec((BN, DIN), lambda n, h: (n, 0)),
            pl.BlockSpec((DIN, HID), lambda n, h: (0, h)),
            pl.BlockSpec((HID, 128), lambda n, h: (h, 0)),
        ],
        out_specs=[
            pl.BlockSpec((1, BN, HID), lambda n, h: (h, n, 0)),
            pl.BlockSpec((BN, 128), lambda n, h: (n, 0)),
        ],
        out_shape=[
            jax.ShapeDtypeStruct((HEADS, NP, HID), F32),
            jax.ShapeDtypeStruct((NP, 128), F32),
        ],
        compiler_params=pltpu.CompilerParams(
            dimension_semantics=("parallel", "arbitrary")),
    )(xp, W1, ASD)


def _mmC(acc_ref, dent_ref, b1_ref, w2e_ref, gz_ref):
    o = jnp.zeros_like(gz_ref)
    dent = dent_ref[...]
    for hd in range(HEADS):
        den = jnp.sum(dent[:, hd * NSUB:(hd + 1) * NSUB], axis=1, keepdims=True)
        h2 = acc_ref[hd] / (den + 1e-16) + b1_ref[...][hd:hd + 1, :]
        h2 = jnp.maximum(h2, 0.0)
        o += jnp.dot(h2, w2e_ref[hd], preferred_element_type=F32)
    gz_ref[...] = o


def _call_C(acc4, denT, b1r, W2e):
    BN = 256
    return pl.pallas_call(
        _mmC,
        grid=(NP // BN,),
        in_specs=[
            pl.BlockSpec((HEADS, BN, HID), lambda n: (0, n, 0)),
            pl.BlockSpec((BN, HEADS * NSUB), lambda n: (n, 0)),
            pl.BlockSpec((HEADS, HID), lambda n: (0, 0)),
            pl.BlockSpec((HEADS, HID, NCP), lambda n: (0, 0, 0)),
        ],
        out_specs=pl.BlockSpec((BN, NCP), lambda n: (n, 0)),
        out_shape=jax.ShapeDtypeStruct((NP, NCP), F32),
        compiler_params=pltpu.CompilerParams(
            dimension_semantics=("parallel",)),
    )(acc4, denT, b1r, W2e)


def _mmE(outp_ref, denpt_ref, b2_ref, out_ref):
    den = jnp.sum(denpt_ref[...], axis=1, keepdims=True) + 1e-16
    out_ref[...] = (outp_ref[0] + outp_ref[1]) / den + b2_ref[...]


def _call_E(outp, denpT, b2r):
    BN = 256
    return pl.pallas_call(
        _mmE,
        grid=(NP // BN,),
        in_specs=[
            pl.BlockSpec((NCORE, BN, NCP), lambda n: (0, n, 0)),
            pl.BlockSpec((BN, NCORE * NSUB), lambda n: (n, 0)),
            pl.BlockSpec((1, NCP), lambda n: (0, 0)),
        ],
        out_specs=pl.BlockSpec((BN, NCP), lambda n: (n, 0)),
        out_shape=jax.ShapeDtypeStruct((NP, NCP), F32),
        compiler_params=pltpu.CompilerParams(
            dimension_semantics=("parallel",)),
    )(outp, denpT, b2r)


def _zero_vmem(ref, nrows, width):
    zv = jnp.zeros((16,), F32)

    def body(r, _):
        for j in range(width // 16):
            ref[r, pl.ds(j * 16, 16)] = zv
        return 0

    lax.fori_loop(0, nrows, body, 0)


def _zero_vmem1d(ref, n):
    zv = jnp.zeros((16,), F32)

    def body(i, _):
        ref[pl.ds(i * 16, 16)] = zv
        return 0

    lax.fori_loop(0, n // 16, body, 0)


def _edge_chunk(srcP, dstP, table_hbm, ai_v, aj_v, dloc_v, src_v, dst_v,
                s_v, rows_v, sem, base, width):
    pltpu.sync_copy(srcP.at[pl.ds(base, CH)], src_v)
    pltpu.sync_copy(dstP.at[pl.ds(base, CH)], dst_v)
    gather = pltpu.async_copy(table_hbm.at[src_v], rows_v, sem)
    for g in range(CH // 16):
        sl = pl.ds(g * 16, 16)
        isrc = src_v[sl]
        idst = dst_v[sl]
        av = plsc.load_gather(ai_v, [isrc])
        bv = plsc.load_gather(aj_v, [idst])
        lg = av + bv
        s16 = jnp.exp(jnp.maximum(lg, 0.2 * lg))
        s_v[sl] = s16
        plsc.addupdate_scatter(dloc_v, [idst], s16)
    gather.wait()

    def mul_body(r, _):
        sval = plsc.load_gather(s_v, [jnp.zeros((16,), jnp.int32) + r])
        for j in range(width // 16):
            sl = pl.ds(j * 16, 16)
            rows_v[r, sl] = rows_v[r, sl] * sval
        return 0

    lax.fori_loop(0, CH, mul_body, 0)


def _sc_layer1(srcP, dstP, aiajT, h1f):
    mesh = plsc.VectorSubcoreMesh(core_axis_name="c", subcore_axis_name="s")
    nq = E2P // (NSUB * CH)

    @functools.partial(
        pl.kernel,
        mesh=mesh,
        compiler_params=pltpu.CompilerParams(needs_layout_passes=False),
        out_type=[
            jax.ShapeDtypeStruct((HEADS, NP, HID), F32),
            jax.ShapeDtypeStruct((HEADS, NSUB, NP), F32),
        ],
        scratch_types=[
            pltpu.VMEM_SHARED((NP, HID), F32),
            pltpu.VMEM((NP,), F32),
            pltpu.VMEM((NP,), F32),
            pltpu.VMEM((NP,), F32),
            pltpu.VMEM((CH,), jnp.int32),
            pltpu.VMEM((CH,), jnp.int32),
            pltpu.VMEM((CH,), F32),
            pltpu.VMEM((CH, HID), F32),
            pltpu.SemaphoreType.DMA,
        ],
    )
    def kern(srcP, dstP, aiajT, h1f, acc_out, den_out,
             acc_s, ai_v, aj_v, dloc_v, src_v, dst_v,
             s_v, rows_v, sem):
        cid = lax.axis_index("c")
        sid = lax.axis_index("s")
        rbase = sid * ROWS_PER_SUB
        for hh in range(2):
            head = 2 * cid + hh
            _zero_vmem(rows_v, CH, HID)
            for k in range(ROWS_PER_SUB // CH):
                pltpu.sync_copy(rows_v, acc_s.at[pl.ds(rbase + k * CH, CH)])
            _zero_vmem1d(dloc_v, NP)
            pltpu.sync_copy(aiajT.at[head], ai_v)
            pltpu.sync_copy(aiajT.at[HEADS + head], aj_v)
            plsc.subcore_barrier()

            def chunk(q, _):
                base = sid * (nq * CH) + q * CH
                _edge_chunk(srcP, dstP, h1f.at[head], ai_v, aj_v, dloc_v,
                            src_v, dst_v, s_v, rows_v, sem, base, HID)
                pltpu.sync_copy(rows_v, acc_s.at[dst_v], add=True)
                return 0

            lax.fori_loop(0, nq, chunk, 0)
            plsc.subcore_barrier()
            pltpu.sync_copy(acc_s.at[pl.ds(rbase, ROWS_PER_SUB)],
                            acc_out.at[head, pl.ds(rbase, ROWS_PER_SUB)])
            pltpu.sync_copy(dloc_v, den_out.at[head, sid])

    return kern(srcP, dstP, aiajT, h1f)


def _sc_layer2(srcP, dstP, aiaj2T, gz):
    mesh = plsc.VectorSubcoreMesh(core_axis_name="c", subcore_axis_name="s")
    nq = E2P // (NCORE * NSUB * CH)

    @functools.partial(
        pl.kernel,
        mesh=mesh,
        compiler_params=pltpu.CompilerParams(needs_layout_passes=False),
        out_type=[
            jax.ShapeDtypeStruct((NCORE, NP, NCP), F32),
            jax.ShapeDtypeStruct((NCORE, NSUB, NP), F32),
        ],
        scratch_types=[
            pltpu.VMEM_SHARED((NP, NCP), F32),
            pltpu.VMEM((NP,), F32),
            pltpu.VMEM((NP,), F32),
            pltpu.VMEM((NP,), F32),
            pltpu.VMEM((CH,), jnp.int32),
            pltpu.VMEM((CH,), jnp.int32),
            pltpu.VMEM((CH,), F32),
            pltpu.VMEM((CH, NCP), F32),
            pltpu.SemaphoreType.DMA,
        ],
    )
    def kern(srcP, dstP, aiaj2T, gz, acc_out, den_out,
             acc_s, ai_v, aj_v, dloc_v, src_v, dst_v,
             s_v, rows_v, sem):
        cid = lax.axis_index("c")
        sid = lax.axis_index("s")
        rbase = sid * ROWS_PER_SUB
        _zero_vmem(rows_v, CH, NCP)
        for k in range(ROWS_PER_SUB // CH):
            pltpu.sync_copy(rows_v, acc_s.at[pl.ds(rbase + k * CH, CH)])
        _zero_vmem1d(dloc_v, NP)
        pltpu.sync_copy(aiaj2T.at[0], ai_v)
        pltpu.sync_copy(aiaj2T.at[1], aj_v)
        plsc.subcore_barrier()

        def chunk(q, _):
            base = (cid * NSUB + sid) * (nq * CH) + q * CH
            _edge_chunk(srcP, dstP, gz, ai_v, aj_v, dloc_v, src_v,
                        dst_v, s_v, rows_v, sem, base, NCP)
            pltpu.sync_copy(rows_v, acc_s.at[dst_v], add=True)
            return 0

        lax.fori_loop(0, nq, chunk, 0)
        plsc.subcore_barrier()
        pltpu.sync_copy(acc_s.at[pl.ds(rbase, ROWS_PER_SUB)],
                        acc_out.at[cid, pl.ds(rbase, ROWS_PER_SUB)])
        pltpu.sync_copy(dloc_v, den_out.at[cid, sid])

    return kern(srcP, dstP, aiaj2T, gz)


def kernel(x, edge_index, W1, a_src1, a_dst1, b1, W2, a_src2, a_dst2, b2):
    xp = jnp.pad(x, ((0, NP - N), (0, 0)))
    loop = jnp.arange(N, dtype=edge_index.dtype)
    src = jnp.concatenate([edge_index[0], loop])
    dst = jnp.concatenate([edge_index[1], loop])
    srcP = jnp.pad(src, (0, E2P - E2))
    dstP = jnp.pad(dst, (0, E2P - E2), constant_values=NP - 1)

    ASD = jnp.zeros((HEADS * HID, 128), F32)
    for hd in range(HEADS):
        ASD = ASD.at[hd * HID:(hd + 1) * HID, hd].set(a_src1[hd])
        ASD = ASD.at[hd * HID:(hd + 1) * HID, HEADS + hd].set(a_dst1[hd])

    va = W2 @ a_src2[0]
    vb = W2 @ a_dst2[0]
    W2e = jnp.concatenate(
        [W2, va[:, None], vb[:, None],
         jnp.zeros((HEADS * HID, NCP - NC - 2), F32)], axis=1)
    W2e = W2e.reshape(HEADS, HID, NCP)
    b1r = b1.reshape(HEADS, HID)
    b2r = jnp.pad(b2, (0, NCP - NC))[None, :]

    h1, aiaj = _call_A(xp, W1, ASD)
    aiajT = jnp.transpose(aiaj[:, :2 * HEADS])
    acc4, den4 = _sc_layer1(srcP, dstP, aiajT, h1)

    denT = jnp.transpose(den4.reshape(HEADS * NSUB, NP))
    gz = _call_C(acc4, denT, b1r, W2e)
    aiaj2T = jnp.transpose(gz[:, NC:NC + 2])
    outp, denp = _sc_layer2(srcP, dstP, aiaj2T, gz)

    out = _call_E(outp, jnp.transpose(denp.reshape(NCORE * NSUB, NP)), b2r)
    return out[:N, :NC]

# --- scband reference (transcript-rebuilt; emitter-appended) ---
"""Pipeline reference for scband-gatclassifier-9801115369532 (READ-ONLY COPY).

The authoritative reference and input builder live on the scoring server;
editing this copy changes nothing except your own understanding.
"""

import jax, jax.numpy as jnp
import numpy as np

N = 10000
E = 320000
D_IN = 128
HID = 128
HEADS = 4
NC = 40


def _gat_layer(x, src, dst, W, a_src, a_dst, b, heads, out_ch, concat):
    n = x.shape[0]
    h = (x @ W).reshape(n, heads, out_ch)
    a_i = jnp.sum(h * a_src, axis=-1)
    a_j = jnp.sum(h * a_dst, axis=-1)
    alpha = jax.nn.leaky_relu(a_i[src] + a_j[dst], negative_slope=0.2)
    amax = jax.lax.stop_gradient(jax.ops.segment_max(alpha, dst, num_segments=n))
    e = jnp.exp(alpha - amax[dst])
    denom = jax.ops.segment_sum(e, dst, num_segments=n)
    coef = e / (denom[dst] + 1e-16)
    out = jax.ops.segment_sum(h[src] * coef[:, :, None], dst, num_segments=n)
    if concat:
        out = out.reshape(n, heads * out_ch)
    else:
        out = jnp.mean(out, axis=1)
    return out + b


def setup_inputs(seed: int = 0):
    key = jax.random.key(seed)
    ks = jax.random.split(key, 12)
    x = jax.random.normal(ks[0], (N, D_IN), dtype=jnp.float32)
    edge_index = jax.random.randint(ks[1], (2, E), 0, N, dtype=jnp.int32)
    s1 = 1.0 / np.sqrt(D_IN)
    W1 = jax.random.uniform(ks[2], (D_IN, HEADS * HID), minval=-s1, maxval=s1, dtype=jnp.float32)
    a_src1 = jax.random.normal(ks[3], (HEADS, HID), dtype=jnp.float32) * 0.1
    a_dst1 = jax.random.normal(ks[4], (HEADS, HID), dtype=jnp.float32) * 0.1
    b1 = jnp.zeros((HEADS * HID,), dtype=jnp.float32)
    s2 = 1.0 / np.sqrt(HEADS * HID)
    W2 = jax.random.uniform(ks[5], (HEADS * HID, NC), minval=-s2, maxval=s2, dtype=jnp.float32)
    a_src2 = jax.random.normal(ks[6], (1, NC), dtype=jnp.float32) * 0.1
    a_dst2 = jax.random.normal(ks[7], (1, NC), dtype=jnp.float32) * 0.1
    b2 = jnp.zeros((NC,), dtype=jnp.float32)
    return {"x": x, "edge_index": edge_index, "W1": W1, "a_src1": a_src1, "a_dst1": a_dst1, "b1": b1, "W2": W2, "a_src2": a_src2, "a_dst2": a_dst2, "b2": b2}


def reference(x, edge_index, W1, a_src1, a_dst1, b1, W2, a_src2, a_dst2, b2):
    n = x.shape[0]
    loop = jnp.arange(n, dtype=edge_index.dtype)
    src = jnp.concatenate([edge_index[0], loop])
    dst = jnp.concatenate([edge_index[1], loop])
    h = _gat_layer(x, src, dst, W1, a_src1, a_dst1, b1, HEADS, HID, True)
    h = jax.nn.relu(h)
    out = _gat_layer(h, src, dst, W2, a_src2, a_dst2, b2, 1, NC, False)
    return out

if __name__ == "__main__":
    import jax
    _d = setup_inputs()
    print(jax.jit(kernel)(*tuple(_d.values())))

</pallas_src>

<mosaic_0001>
#map = affine_map<(d0, d1) -> (0)>
#map1 = affine_map<(d0, d1) -> (0, 0)>
#map2 = affine_map<(d0, d1) -> (0, 0, 0)>
module attributes {stable_mosaic.version = 14 : i64} {
  func.func @kern(%arg0: i32, %arg1: i32, %arg2: memref<344064xi32, #tpu.memory_space<hbm>>, %arg3: memref<344064xi32, #tpu.memory_space<hbm>>, %arg4: memref<8x10240xf32, #tpu.memory_space<hbm>>, %arg5: memref<4x10240x128xf32, #tpu.memory_space<hbm>>, %arg6: memref<4x10240x128xf32, #tpu.memory_space<hbm>>, %arg7: memref<4x16x10240xf32, #tpu.memory_space<hbm>>, %arg8: memref<10240x128xf32, #tpu.memory_space<vmem_shared>>, %arg9: memref<10240xf32, #tpu.memory_space<vmem>>, %arg10: memref<10240xf32, #tpu.memory_space<vmem>>, %arg11: memref<10240xf32, #tpu.memory_space<vmem>>, %arg12: memref<128xi32, #tpu.memory_space<vmem>>, %arg13: memref<128xi32, #tpu.memory_space<vmem>>, %arg14: memref<128xf32, #tpu.memory_space<vmem>>, %arg15: memref<128x128xf32, #tpu.memory_space<vmem>>, %arg16: memref<!tpu.dma_semaphore, #tpu.memory_space<semaphore_mem>>) attributes {dimension_semantics = [#tpu.dimension_semantics<core_parallel>, #tpu.dimension_semantics<subcore_parallel>], iteration_bounds = array<i64: 2, 16>, scalar_prefetch = 0 : i64, scratch_operands = 9 : i64, tpu.core_type = #tpu.core_type<sc_vector_subcore>, window_params = [{transform_indices = #map}, {transform_indices = #map}, {transform_indices = #map1}, {transform_indices = #map2}, {transform_indices = #map2}, {transform_indices = #map2}]} {
    %mul3A = arith.constant 640 : i32
    %mul3A_0 = arith.muli %arg1, %mul3A : i32
    %mul3A_1 = arith.constant 2 : i32
    %mul3A_2 = arith.muli %mul3A_1, %arg0 : i32
    %add3A = arith.constant 0 : i32
    %add3A_3 = arith.addi %mul3A_2, %add3A : i32
    %broadcast_in_dim3A = arith.constant 0.000000e+00 : f32
    %broadcast_in_dim3A_4 = vector.broadcast %broadcast_in_dim3A : f32 to vector<16xf32>
    %scan3A = arith.constant 0 : i32
    %scan3A_5 = arith.constant 0 : i32
    %scan3A_6 = arith.constant 128 : i32
    %scan3A_7 = arith.addi %scan3A_5, %scan3A_6 : i32
    %scan3A_8 = arith.constant 1 : i32
    %scan3A_9 = scf.for %scan3A_83 = %scan3A_5 to %scan3A_7 step %scan3A_8 iter_args(%scan3A_84 = %scan3A) -> (i32)  : i32 {
      %swap3A = arith.index_cast %scan3A_83 : i32 to index
      %swap3A_85 = arith.constant 0 : index
      %swap3A_86 = tpu.vector_load %arg15[%swap3A, %swap3A_85] {strides = array<i32>} : memref<128x128xf32, #tpu.memory_space<vmem>>, vector<16xf32>,
      tpu.vector_store %arg15[%swap3A, %swap3A_85], %broadcast_in_dim3A_4 {strides = array<i32>} : memref<128x128xf32, #tpu.memory_space<vmem>>, vector<16xf32>,
      %swap3A_87 = arith.index_cast %scan3A_83 : i32 to index
      %swap3A_88 = arith.constant 16 : index
      %swap3A_89 = tpu.vector_load %arg15[%swap3A_87, %swap3A_88] {strides = array<i32>} : memref<128x128xf32, #tpu.memory_space<vmem>>, vector<16xf32>,
      tpu.vector_store %arg15[%swap3A_87, %swap3A_88], %broadcast_in_dim3A_4 {strides = array<i32>} : memref<128x128xf32, #tpu.memory_space<vmem>>, vector<16xf32>,
      %swap3A_90 = arith.index_cast %scan3A_83 : i32 to index
      %swap3A_91 = arith.constant 32 : index
      %swap3A_92 = tpu.vector_load %arg15[%swap3A_90, %swap3A_91] {strides = array<i32>} : memref<128x128xf32, #tpu.memory_space<vmem>>, vector<16xf32>,
      tpu.vector_store %arg15[%swap3A_90, %swap3A_91], %broadcast_in_dim3A_4 {strides = array<i32>} : memref<128x128xf32, #tpu.memory_space<vmem>>, vector<16xf32>,
      %swap3A_93 = arith.index_cast %scan3A_83 : i32 to index
      %swap3A_94 = arith.constant 48 : index
      %swap3A_95 = tpu.vector_load %arg15[%swap3A_93, %swap3A_94] {strides = array<i32>} : memref<128x128xf32, #tpu.memory_space<vmem>>, vector<16xf32>,
      tpu.vector_store %arg15[%swap3A_93, %swap3A_94], %broadcast_in_dim3A_4 {strides = array<i32>} : memref<128x128xf32, #tpu.memory_space<vmem>>, vector<16xf32>,
      %swap3A_96 = arith.index_cast %scan3A_83 : i32 to index
      %swap3A_97 = arith.constant 64 : index
      %swap3A_98 = tpu.vector_load %arg15[%swap3A_96, %swap3A_97] {strides = array<i32>} : memref<128x128xf32, #tpu.memory_space<vmem>>, vector<16xf32>,
      tpu.vector_store %arg15[%swap3A_96, %swap3A_97], %broadcast_in_dim3A_4 {strides = array<i32>} : memref<128x128xf32, #tpu.memory_space<vmem>>, vector<16xf32>,
      %swap3A_99 = arith.index_cast %scan3A_83 : i32 to index
      %swap3A_100 = arith.constant 80 : index
      %swap3A_101 = tpu.vector_load %arg15[%swap3A_99, %swap3A_100] {strides = array<i32>} : memref<128x128xf32, #tpu.memory_space<vmem>>, vector<16xf32>,
      tpu.vector_store %arg15[%swap3A_99, %swap3A_100], %broadcast_in_dim3A_4 {strides = array<i32>} : memref<128x128xf32, #tpu.memory_space<vmem>>, vector<16xf32>,
      %swap3A_102 = arith.index_cast %scan3A_83 : i32 to index
      %swap3A_103 = arith.constant 96 : index
      %swap3A_104 = tpu.vector_load %arg15[%swap3A_102, %swap3A_103] {strides = array<i32>} : memref<128x128xf32, #tpu.memory_space<vmem>>, vector<16xf32>,
      tpu.vector_store %arg15[%swap3A_102, %swap3A_103], %broadcast_in_dim3A_4 {strides = array<i32>} : memref<128x128xf32, #tpu.memory_space<vmem>>, vector<16xf32>,
      %swap3A_105 = arith.index_cast %scan3A_83 : i32 to index
      %swap3A_106 = arith.constant 112 : index
      %swap3A_107 = tpu.vector_load %arg15[%swap3A_105, %swap3A_106] {strides = array<i32>} : memref<128x128xf32, #tpu.memory_space<vmem>>, vector<16xf32>,
      tpu.vector_store %arg15[%swap3A_105, %swap3A_106], %broadcast_in_dim3A_4 {strides = array<i32>} : memref<128x128xf32, #tpu.memory_space<vmem>>, vector<16xf32>,
      %scan3A_108 = arith.constant 0 : i32
      scf.yield %scan3A_108 : i32
    }
    %scan3A_10 = arith.constant 128 : i32
    %add3A_11 = arith.constant 0 : i32
    %add3A_12 = arith.addi %mul3A_0, %add3A_11 : i32
    "tpu.region"() ({
      %run_scoped3A = tpu.sem_alloc : memref<!tpu.dma_semaphore, #tpu.memory_space<semaphore_mem>>
      %dma_start3A = arith.constant 0 : i32
      %dma_start3A_83 = tpu.memref_slice %arg8[%add3A_12, %dma_start3A] : memref<10240x128xf32, #tpu.memory_space<vmem_shared>> -> memref<128x128xf32, #tpu.memory_space<vmem_shared>>
      %dma_start3A_84 = arith.constant 0 : i32
      %dma_start3A_85 = tpu.memref_slice %arg8[%add3A_12, %dma_start3A_84] : memref<10240x128xf32, #tpu.memory_space<vmem_shared>> -> memref<128x128xf32, #tpu.memory_space<vmem_shared>>
      tpu.enqueue_dma source(%arg15 : memref<128x128xf32, #tpu.memory_space<vmem>>) target(%dma_start3A_85 : memref<128x128xf32, #tpu.memory_space<vmem_shared>>) target_semaphore(%run_scoped3A : memref<!tpu.dma_semaphore, #tpu.memory_space<semaphore_mem>>)
      %dma_wait3A = arith.constant 0 : i32
      %dma_wait3A_86 = tpu.memref_slice %arg8[%add3A_12, %dma_wait3A] : memref<10240x128xf32, #tpu.memory_space<vmem_shared>> -> memref<128x128xf32, #tpu.memory_space<vmem_shared>>
      %dma_wait3A_87 = arith.constant 0 : i32
      %dma_wait3A_88 = tpu.memref_slice %arg8[%add3A_12, %dma_wait3A_87] : memref<10240x128xf32, #tpu.memory_space<vmem_shared>> -> memref<128x128xf32, #tpu.memory_space<vmem_shared>>
      tpu.wait_dma2 semaphore(%run_scoped3A : memref<!tpu.dma_semaphore, #tpu.memory_space<semaphore_mem>>) src(%arg15 : memref<128x128xf32, #tpu.memory_space<vmem>>) dst(%dma_wait3A_88 : memref<128x128xf32, #tpu.memory_space<vmem_shared>>)
      tpu.yield
    }) : () -> ()
    %add3A_13 = arith.constant 128 : i32
    %add3A_14 = arith.addi %mul3A_0, %add3A_13 : i32
    "tpu.region"() ({
      %run_scoped3A = tpu.sem_alloc : memref<!tpu.dma_semaphore, #tpu.memory_space<semaphore_mem>>
      %dma_start3A = arith.constant 0 : i32
      %dma_start3A_83 = tpu.memref_slice %arg8[%add3A_14, %dma_start3A] : memref<10240x128xf32, #tpu.memory_space<vmem_shared>> -> memref<128x128xf32, #tpu.memory_space<vmem_shared>>
      %dma_start3A_84 = arith.constant 0 : i32
      %dma_start3A_85 = tpu.memref_slice %arg8[%add3A_14, %dma_start3A_84] : memref<10240x128xf32, #tpu.memory_space<vmem_shared>> -> memref<128x128xf32, #tpu.memory_space<vmem_shared>>
      tpu.enqueue_dma source(%arg15 : memref<128x128xf32, #tpu.memory_space<vmem>>) target(%dma_start3A_85 : memref<128x128xf32, #tpu.memory_space<vmem_shared>>) target_semaphore(%run_scoped3A : memref<!tpu.dma_semaphore, #tpu.memory_space<semaphore_mem>>)
      %dma_wait3A = arith.constant 0 : i32
      %dma_wait3A_86 = tpu.memref_slice %arg8[%add3A_14, %dma_wait3A] : memref<10240x128xf32, #tpu.memory_space<vmem_shared>> -> memref<128x128xf32, #tpu.memory_space<vmem_shared>>
      %dma_wait3A_87 = arith.constant 0 : i32
      %dma_wait3A_88 = tpu.memref_slice %arg8[%add3A_14, %dma_wait3A_87] : memref<10240x128xf32, #tpu.memory_space<vmem_shared>> -> memref<128x128xf32, #tpu.memory_space<vmem_shared>>
      tpu.wait_dma2 semaphore(%run_scoped3A : memref<!tpu.dma_semaphore, #tpu.memory_space<semaphore_mem>>) src(%arg15 : memref<128x128xf32, #tpu.memory_space<vmem>>) dst(%dma_wait3A_88 : memref<128x128xf32, #tpu.memory_space<vmem_shared>>)
      tpu.yield
    }) : () -> ()
    %add3A_15 = arith.constant 256 : i32
    %add3A_16 = arith.addi %mul3A_0, %add3A_15 : i32
    "tpu.region"() ({
      %run_scoped3A = tpu.sem_alloc : memref<!tpu.dma_semaphore, #tpu.memory_space<semaphore_mem>>
      %dma_start3A = arith.constant 0 : i32
      %dma_start3A_83 = tpu.memref_slice %arg8[%add3A_16, %dma_start3A] : memref<10240x128xf32, #tpu.memory_space<vmem_shared>> -> memref<128x128xf32, #tpu.memory_space<vmem_shared>>
      %dma_start3A_84 = arith.constant 0 : i32
      %dma_start3A_85 = tpu.memref_slice %arg8[%add3A_16, %dma_start3A_84] : memref<10240x128xf32, #tpu.memory_space<vmem_shared>> -> memref<128x128xf32, #tpu.memory_space<vmem_shared>>
      tpu.enqueue_dma source(%arg15 : memref<128x128xf32, #tpu.memory_space<vmem>>) target(%dma_start3A_85 : memref<128x128xf32, #tpu.memory_space<vmem_shared>>) target_semaphore(%run_scoped3A : memref<!tpu.dma_semaphore, #tpu.memory_space<semaphore_mem>>)
      %dma_wait3A = arith.constant 0 : i32
      %dma_wait3A_86 = tpu.memref_slice %arg8[%add3A_16, %dma_wait3A] : memref<10240x128xf32, #tpu.memory_space<vmem_shared>> -> memref<128x128xf32, #tpu.memory_space<vmem_shared>>
      %dma_wait3A_87 = arith.constant 0 : i32
      %dma_wait3A_88 = tpu.memref_slice %arg8[%add3A_16, %dma_wait3A_87] : memref<10240x128xf32, #tpu.memory_space<vmem_shared>> -> memref<128x128xf32, #tpu.memory_space<vmem_shared>>
      tpu.wait_dma2 semaphore(%run_scoped3A : memref<!tpu.dma_semaphore, #tpu.memory_space<semaphore_mem>>) src(%arg15 : memref<128x128xf32, #tpu.memory_space<vmem>>) dst(%dma_wait3A_88 : memref<128x128xf32, #tpu.memory_space<vmem_shared>>)
      tpu.yield
    }) : () -> ()
    %add3A_17 = arith.constant 384 : i32
    %add3A_18 = arith.addi %mul3A_0, %add3A_17 : i32
    "tpu.region"() ({
      %run_scoped3A = tpu.sem_alloc : memref<!tpu.dma_semaphore, #tpu.memory_space<semaphore_mem>>
      %dma_start3A = arith.constant 0 : i32
      %dma_start3A_83 = tpu.memref_slice %arg8[%add3A_18, %dma_start3A] : memref<10240x128xf32, #tpu.memory_space<vmem_shared>> -> memref<128x128xf32, #tpu.memory_space<vmem_shared>>
      %dma_start3A_84 = arith.constant 0 : i32
      %dma_start3A_85 = tpu.memref_slice %arg8[%add3A_18, %dma_start3A_84] : memref<10240x128xf32, #tpu.memory_space<vmem_shared>> -> memref<128x128xf32, #tpu.memory_space<vmem_shared>>
      tpu.enqueue_dma source(%arg15 : memref<128x128xf32, #tpu.memory_space<vmem>>) target(%dma_start3A_85 : memref<128x128xf32, #tpu.memory_space<vmem_shared>>) target_semaphore(%run_scoped3A : memref<!tpu.dma_semaphore, #tpu.memory_space<semaphore_mem>>)
      %dma_wait3A = arith.constant 0 : i32
      %dma_wait3A_86 = tpu.memref_slice %arg8[%add3A_18, %dma_wait3A] : memref<10240x128xf32, #tpu.memory_space<vmem_shared>> -> memref<128x128xf32, #tpu.memory_space<vmem_shared>>
      %dma_wait3A_87 = arith.constant 0 : i32
      %dma_wait3A_88 = tpu.memref_slice %arg8[%add3A_18, %dma_wait3A_87] : memref<10240x128xf32, #tpu.memory_space<vmem_shared>> -> memref<128x128xf32, #tpu.memory_space<vmem_shared>>
      tpu.wait_dma2 semaphore(%run_scoped3A : memref<!tpu.dma_semaphore, #tpu.memory_space<semaphore_mem>>) src(%arg15 : memref<128x128xf32, #tpu.memory_space<vmem>>) dst(%dma_wait3A_88 : memref<128x128xf32, #tpu.memory_space<vmem_shared>>)
      tpu.yield
    }) : () -> ()
    %add3A_19 = arith.constant 512 : i32
    %add3A_20 = arith.addi %mul3A_0, %add3A_19 : i32
    "tpu.region"() ({
      %run_scoped3A = tpu.sem_alloc : memref<!tpu.dma_semaphore, #tpu.memory_space<semaphore_mem>>
      %dma_start3A = arith.constant 0 : i32
      %dma_start3A_83 = tpu.memref_slice %arg8[%add3A_20, %dma_start3A] : memref<10240x128xf32, #tpu.memory_space<vmem_shared>> -> memref<128x128xf32, #tpu.memory_space<vmem_shared>>
      %dma_start3A_84 = arith.constant 0 : i32
      %dma_start3A_85 = tpu.memref_slice %arg8[%add3A_20, %dma_start3A_84] : memref<10240x128xf32, #tpu.memory_space<vmem_shared>> -> memref<128x128xf32, #tpu.memory_space<vmem_shared>>
      tpu.enqueue_dma source(%arg15 : memref<128x128xf32, #tpu.memory_space<vmem>>) target(%dma_start3A_85 : memref<128x128xf32, #tpu.memory_space<vmem_shared>>) target_semaphore(%run_scoped3A : memref<!tpu.dma_semaphore, #tpu.memory_space<semaphore_mem>>)
      %dma_wait3A = arith.constant 0 : i32
      %dma_wait3A_86 = tpu.memref_slice %arg8[%add3A_20, %dma_wait3A] : memref<10240x128xf32, #tpu.memory_space<vmem_shared>> -> memref<128x128xf32, #tpu.memory_space<vmem_shared>>
      %dma_wait3A_87 = arith.constant 0 : i32
      %dma_wait3A_88 = tpu.memref_slice %arg8[%add3A_20, %dma_wait3A_87] : memref<10240x128xf32, #tpu.memory_space<vmem_shared>> -> memref<128x128xf32, #tpu.memory_space<vmem_shared>>
      tpu.wait_dma2 semaphore(%run_scoped3A : memref<!tpu.dma_semaphore, #tpu.memory_space<semaphore_mem>>) src(%arg15 : memref<128x128xf32, #tpu.memory_space<vmem>>) dst(%dma_wait3A_88 : memref<128x128xf32, #tpu.memory_space<vmem_shared>>)
      tpu.yield
    }) : () -> ()
    %broadcast_in_dim3A_21 = arith.constant 0.000000e+00 : f32
    %broadcast_in_dim3A_22 = vector.broadcast %broadcast_in_dim3A_21 : f32 to vector<16xf32>
    %scan3A_23 = arith.constant 0 : i32
    %scan3A_24 = arith.constant 0 : i32
    %scan3A_25 = arith.constant 640 : i32
    %scan3A_26 = arith.addi %scan3A_24, %scan3A_25 : i32
    %scan3A_27 = arith.constant 1 : i32
    %scan3A_28 = scf.for %scan3A_83 = %scan3A_24 to %scan3A_26 step %scan3A_27 iter_args(%scan3A_84 = %scan3A_23) -> (i32)  : i32 {
      %mul3A_85 = arith.constant 16 : i32
      %mul3A_86 = arith.muli %scan3A_83, %mul3A_85 : i32
      %swap3A = arith.index_cast %mul3A_86 : i32 to index
      %swap3A_87 = tpu.vector_load %arg11[%swap3A] {strides = array<i32>} : memref<10240xf32, #tpu.memory_space<vmem>>, vector<16xf32>,
      tpu.vector_store %arg11[%swap3A], %broadcast_in_dim3A_22 {strides = array<i32>} : memref<10240xf32, #tpu.memory_space<vmem>>, vector<16xf32>,
      %scan3A_88 = arith.constant 0 : i32
      scf.yield %scan3A_88 : i32
    }
    %scan3A_29 = arith.constant 640 : i32
    "tpu.region"() ({
      %run_scoped3A = tpu.sem_alloc : memref<!tpu.dma_semaphore, #tpu.memory_space<semaphore_mem>>
      %dma_start3A = arith.constant 0 : i32
      %dma_start3A_83 = tpu.memref_slice %arg4[%add3A_3, %dma_start3A] : memref<8x10240xf32, #tpu.memory_space<hbm>> -> memref<1x10240xf32, #tpu.memory_space<hbm>>
      %dma_start3A_84 = tpu.memref_squeeze %dma_start3A_83 : memref<1x10240xf32, #tpu.memory_space<hbm>> -> memref<10240xf32, #tpu.memory_space<hbm>>
      %dma_start3A_85 = arith.constant 0 : i32
      %dma_start3A_86 = tpu.memref_slice %arg4[%add3A_3, %dma_start3A_85] : memref<8x10240xf32, #tpu.memory_space<hbm>> -> memref<1x10240xf32, #tpu.memory_space<hbm>>
      %dma_start3A_87 = tpu.memref_squeeze %dma_start3A_86 : memref<1x10240xf32, #tpu.memory_space<hbm>> -> memref<10240xf32, #tpu.memory_space<hbm>>
      tpu.enqueue_dma source(%dma_start3A_87 : memref<10240xf32, #tpu.memory_space<hbm>>) target(%arg9 : memref<10240xf32, #tpu.memory_space<vmem>>) target_semaphore(%run_scoped3A : memref<!tpu.dma_semaphore, #tpu.memory_space<semaphore_mem>>)
      %dma_wait3A = arith.constant 0 : i32
      %dma_wait3A_88 = tpu.memref_slice %arg4[%add3A_3, %dma_wait3A] : memref<8x10240xf32, #tpu.memory_space<hbm>> -> memref<1x10240xf32, #tpu.memory_space<hbm>>
      %dma_wait3A_89 = tpu.memref_squeeze %dma_wait3A_88 : memref<1x10240xf32, #tpu.memory_space<hbm>> -> memref<10240xf32, #tpu.memory_space<hbm>>
      %dma_wait3A_90 = arith.constant 0 : i32
      %dma_wait3A_91 = tpu.memref_slice %arg4[%add3A_3, %dma_wait3A_90] : memref<8x10240xf32, #tpu.memory_space<hbm>> -> memref<1x10240xf32, #tpu.memory_space<hbm>>
      %dma_wait3A_92 = tpu.memref_squeeze %dma_wait3A_91 : memref<1x10240xf32, #tpu.memory_space<hbm>> -> memref<10240xf32, #tpu.memory_space<hbm>>
      tpu.wait_dma2 semaphore(%run_scoped3A : memref<!tpu.dma_semaphore, #tpu.memory_space<semaphore_mem>>) src(%dma_wait3A_92 : memref<10240xf32, #tpu.memory_space<hbm>>) dst(%arg9 : memref<10240xf32, #tpu.memory_space<vmem>>)
      tpu.yield
    }) : () -> ()
    %add3A_30 = arith.constant 4 : i32
    %add3A_31 = arith.addi %add3A_30, %add3A_3 : i32
    "tpu.region"() ({
      %run_scoped3A = tpu.sem_alloc : memref<!tpu.dma_semaphore, #tpu.memory_space<semaphore_mem>>
      %dma_start3A = arith.constant 0 : i32
      %dma_start3A_83 = tpu.memref_slice %arg4[%add3A_31, %dma_start3A] : memref<8x10240xf32, #tpu.memory_space<hbm>> -> memref<1x10240xf32, #tpu.memory_space<hbm>>
      %dma_start3A_84 = tpu.memref_squeeze %dma_start3A_83 : memref<1x10240xf32, #tpu.memory_space<hbm>> -> memref<10240xf32, #tpu.memory_space<hbm>>
      %dma_start3A_85 = arith.constant 0 : i32
      %dma_start3A_86 = tpu.memref_slice %arg4[%add3A_31, %dma_start3A_85] : memref<8x10240xf32, #tpu.memory_space<hbm>> -> memref<1x10240xf32, #tpu.memory_space<hbm>>
      %dma_start3A_87 = tpu.memref_squeeze %dma_start3A_86 : memref<1x10240xf32, #tpu.memory_space<hbm>> -> memref<10240xf32, #tpu.memory_space<hbm>>
      tpu.enqueue_dma source(%dma_start3A_87 : memref<10240xf32, #tpu.memory_space<hbm>>) target(%arg10 : memref<10240xf32, #tpu.memory_space<vmem>>) target_semaphore(%run_scoped3A : memref<!tpu.dma_semaphore, #tpu.memory_space<semaphore_mem>>)
      %dma_wait3A = arith.constant 0 : i32
      %dma_wait3A_88 = tpu.memref_slice %arg4[%add3A_31, %dma_wait3A] : memref<8x10240xf32, #tpu.memory_space<hbm>> -> memref<1x10240xf32, #tpu.memory_space<hbm>>
      %dma_wait3A_89 = tpu.memref_squeeze %dma_wait3A_88 : memref<1x10240xf32, #tpu.memory_space<hbm>> -> memref<10240xf32, #tpu.memory_space<hbm>>
      %dma_wait3A_90 = arith.constant 0 : i32
      %dma_wait3A_91 = tpu.memref_slice %arg4[%add3A_31, %dma_wait3A_90] : memref<8x10240xf32, #tpu.memory_space<hbm>> -> memref<1x10240xf32, #tpu.memory_space<hbm>>
      %dma_wait3A_92 = tpu.memref_squeeze %dma_wait3A_91 : memref<1x10240xf32, #tpu.memory_space<hbm>> -> memref<10240xf32, #tpu.memory_space<hbm>>
      tpu.wait_dma2 semaphore(%run_scoped3A : memref<!tpu.dma_semaphore, #tpu.memory_space<semaphore_mem>>) src(%dma_wait3A_92 : memref<10240xf32, #tpu.memory_space<hbm>>) dst(%arg10 : memref<10240xf32, #tpu.memory_space<vmem>>)
      tpu.yield
    }) : () -> ()
    %barrier3A = arith.constant 0 : index
    tpu.barrier barrier_id(%barrier3A)
    %scan3A_32 = arith.constant 0 : i32
    %scan3A_33 = arith.constant 0 : i32
    %scan3A_34 = arith.constant 168 : i32
    %scan3A_35 = arith.addi %scan3A_33, %scan3A_34 : i32
    %scan3A_36 = arith.constant 1 : i32
    %scan3A_37 = scf.for %scan3A_83 = %scan3A_33 to %scan3A_35 step %scan3A_36 iter_args(%scan3A_84 = %scan3A_32) -> (i32)  : i32 {
      %mul3A_85 = arith.constant 21504 : i32
      %mul3A_86 = arith.muli %arg1, %mul3A_85 : i32
      %mul3A_87 = arith.constant 128 : i32
      %mul3A_88 = arith.muli %scan3A_83, %mul3A_87 : i32
      %add3A_89 = arith.addi %mul3A_86, %mul3A_88 : i32
      "tpu.region"() ({
        %run_scoped3A = tpu.sem_alloc : memref<!tpu.dma_semaphore, #tpu.memory_space<semaphore_mem>>
        %dma_start3A_217 = tpu.memref_slice %arg2[%add3A_89] : memref<344064xi32, #tpu.memory_space<hbm>> -> memref<128xi32, #tpu.memory_space<hbm>>
        %dma_start3A_218 = tpu.memref_slice %arg2[%add3A_89] : memref<344064xi32, #tpu.memory_space<hbm>> -> memref<128xi32, #tpu.memory_space<hbm>>
        tpu.enqueue_dma source(%dma_start3A_218 : memref<128xi32, #tpu.memory_space<hbm>>) target(%arg12 : memref<128xi32, #tpu.memory_space<vmem>>) target_semaphore(%run_scoped3A : memref<!tpu.dma_semaphore, #tpu.memory_space<semaphore_mem>>)
        %dma_wait3A_219 = tpu.memref_slice %arg2[%add3A_89] : memref<344064xi32, #tpu.memory_space<hbm>> -> memref<128xi32, #tpu.memory_space<hbm>>
        %dma_wait3A_220 = tpu.memref_slice %arg2[%add3A_89] : memref<344064xi32, #tpu.memory_space<hbm>> -> memref<128xi32, #tpu.memory_space<hbm>>
        tpu.wait_dma2 semaphore(%run_scoped3A : memref<!tpu.dma_semaphore, #tpu.memory_space<semaphore_mem>>) src(%dma_wait3A_220 : memref<128xi32, #tpu.memory_space<hbm>>) dst(%arg12 : memref<128xi32, #tpu.memory_space<vmem>>)
        tpu.yield
      }) : () -> ()
      "tpu.region"() ({
        %run_scoped3A = tpu.sem_alloc : memref<!tpu.dma_semaphore, #tpu.memory_space<semaphore_mem>>
        %dma_start3A_217 = tpu.memref_slice %arg3[%add3A_89] : memref<344064xi32, #tpu.memory_space<hbm>> -> memref<128xi32, #tpu.memory_space<hbm>>
        %dma_start3A_218 = tpu.memref_slice %arg3[%add3A_89] : memref<344064xi32, #tpu.memory_space<hbm>> -> memref<128xi32, #tpu.memory_space<hbm>>
        tpu.enqueue_dma source(%dma_start3A_218 : memref<128xi32, #tpu.memory_space<hbm>>) target(%arg13 : memref<128xi32, #tpu.memory_space<vmem>>) target_semaphore(%run_scoped3A : memref<!tpu.dma_semaphore, #tpu.memory_space<semaphore_mem>>)
        %dma_wait3A_219 = tpu.memref_slice %arg3[%add3A_89] : memref<344064xi32, #tpu.memory_space<hbm>> -> memref<128xi32, #tpu.memory_space<hbm>>
        %dma_wait3A_220 = tpu.memref_slice %arg3[%add3A_89] : memref<344064xi32, #tpu.memory_space<hbm>> -> memref<128xi32, #tpu.memory_space<hbm>>
        tpu.wait_dma2 semaphore(%run_scoped3A : memref<!tpu.dma_semaphore, #tpu.memory_space<semaphore_mem>>) src(%dma_wait3A_220 : memref<128xi32, #tpu.memory_space<hbm>>) dst(%arg13 : memref<128xi32, #tpu.memory_space<vmem>>)
        tpu.yield
      }) : () -> ()
      %dma_start3A = arith.constant 0 : i32
      %dma_start3A_90 = arith.constant 0 : i32
      %dma_start3A_91 = tpu.memref_slice %arg5[%add3A_3, %dma_start3A, %dma_start3A_90] : memref<4x10240x128xf32, #tpu.memory_space<hbm>> -> memref<1x10240x128xf32, #tpu.memory_space<hbm>>
      %dma_start3A_92 = tpu.memref_squeeze %dma_start3A_91 : memref<1x10240x128xf32, #tpu.memory_space<hbm>> -> memref<10240x128xf32, #tpu.memory_space<hbm>>
      %dma_start3A_93 = arith.constant 0 : i32
      %dma_start3A_94 = arith.constant 0 : i32
      %dma_start3A_95 = tpu.memref_slice %dma_start3A_92[%dma_start3A_93, %dma_start3A_94] : memref<10240x128xf32, #tpu.memory_space<hbm>> -> memref<10240x128xf32, #tpu.memory_space<hbm>>
      tpu.enqueue_indirect_dma source(%dma_start3A_95 : memref<10240x128xf32, #tpu.memory_space<hbm>>) target(%arg15 : memref<128x128xf32, #tpu.memory_space<vmem>>) offsets(%arg12 : memref<128xi32, #tpu.memory_space<vmem>>) semaphore(%arg16 : memref<!tpu.dma_semaphore, #tpu.memory_space<semaphore_mem>>)
      %get3A = arith.constant 0 : index
      %get3A_96 = tpu.vector_load %arg12[%get3A] {strides = array<i32>} : memref<128xi32, #tpu.memory_space<vmem>>, vector<16xi32>,
      %get3A_97 = arith.constant 0 : index
      %get3A_98 = tpu.vector_load %arg13[%get3A_97] {strides = array<i32>} : memref<128xi32, #tpu.memory_space<vmem>>, vector<16xi32>,
      %gather3A = tpu.vector_load_idx %arg9[%get3A_96] : memref<10240xf32, #tpu.memory_space<vmem>>[vector<16xi32>], vector<16xf32>,
      %gather3A_99 = tpu.vector_load_idx %arg10[%get3A_98] : memref<10240xf32, #tpu.memory_space<vmem>>[vector<16xi32>], vector<16xf32>,
      %add3A_100 = arith.addf %gather3A, %gather3A_99 : vector<16xf32>
      %mul3A_101 = arith.constant 2.000000e-01 : f32
      %mul3A_102 = vector.broadcast %mul3A_101 : f32 to vector<16xf32>
      %mul3A_103 = arith.mulf %mul3A_102, %add3A_100 : vector<16xf32>
      %max3A = arith.maximumf %add3A_100, %mul3A_103 : vector<16xf32>
      %exp3A = math.exp %max3A : vector<16xf32>
      %swap3A = arith.constant 0 : index
      %swap3A_104 = tpu.vector_load %arg14[%swap3A] {strides = array<i32>} : memref<128xf32, #tpu.memory_space<vmem>>, vector<16xf32>,
      tpu.vector_store %arg14[%swap3A], %exp3A {strides = array<i32>} : memref<128xf32, #tpu.memory_space<vmem>>, vector<16xf32>,
      tpu.vector_store_idx %arg11[%get3A_98], %exp3A {add = true} : memref<10240xf32, #tpu.memory_space<vmem>>[vector<16xi32>], vector<16xf32>,
      %get3A_105 = arith.constant 16 : index
      %get3A_106 = tpu.vector_load %arg12[%get3A_105] {strides = array<i32>} : memref<128xi32, #tpu.memory_space<vmem>>, vector<16xi32>,
      %get3A_107 = arith.constant 16 : index
      %get3A_108 = tpu.vector_load %arg13[%get3A_107] {strides = array<i32>} : memref<128xi32, #tpu.memory_space<vmem>>, vector<16xi32>,
      %gather3A_109 = tpu.vector_load_idx %arg9[%get3A_106] : memref<10240xf32, #tpu.memory_space<vmem>>[vector<16xi32>], vector<16xf32>,
      %gather3A_110 = tpu.vector_load_idx %arg10[%get3A_108] : memref<10240xf32, #tpu.memory_space<vmem>>[vector<16xi32>], vector<16xf32>,
      %add3A_111 = arith.addf %gather3A_109, %gather3A_110 : vector<16xf32>
      %mul3A_112 = arith.constant 2.000000e-01 : f32
      %mul3A_113 = vector.broadcast %mul3A_112 : f32 to vector<16xf32>
      %mul3A_114 = arith.mulf %mul3A_113, %add3A_111 : vector<16xf32>
      %max3A_115 = arith.maximumf %add3A_111, %mul3A_114 : vector<16xf32>
      %exp3A_116 = math.exp %max3A_115 : vector<16xf32>
      %swap3A_117 = arith.constant 16 : index
      %swap3A_118 = tpu.vector_load %arg14[%swap3A_117] {strides = array<i32>} : memref<128xf32, #tpu.memory_space<vmem>>, vector<16xf32>,
      tpu.vector_store %arg14[%swap3A_117], %exp3A_116 {strides = array<i32>} : memref<128xf32, #tpu.memory_space<vmem>>, vector<16xf32>,
      tpu.vector_store_idx %arg11[%get3A_108], %exp3A_116 {add = true} : memref<10240xf32, #tpu.memory_space<vmem>>[vector<16xi32>], vector<16xf32>,
      %get3A_119 = arith.constant 32 : index
      %get3A_120 = tpu.vector_load %arg12[%get3A_119] {strides = array<i32>} : memref<128xi32, #tpu.memory_space<vmem>>, vector<16xi32>,
      %get3A_121 = arith.constant 32 : index
      %get3A_122 = tpu.vector_load %arg13[%get3A_121] {strides = array<i32>} : memref<128xi32, #tpu.memory_space<vmem>>, vector<16xi32>,
      %gather3A_123 = tpu.vector_load_idx %arg9[%get3A_120] : memref<10240xf32, #tpu.memory_space<vmem>>[vector<16xi32>], vector<16xf32>,
      %gather3A_124 = tpu.vector_load_idx %arg10[%get3A_122] : memref<10240xf32, #tpu.memory_space<vmem>>[vector<16xi32>], vector<16xf32>,
      %add3A_125 = arith.addf %gather3A_123, %gather3A_124 : vector<16xf32>
      %mul3A_126 = arith.constant 2.000000e-01 : f32
      %mul3A_127 = vector.broadcast %mul3A_126 : f32 to vector<16xf32>
      %mul3A_128 = arith.mulf %mul3A_127, %add3A_125 : vector<16xf32>
      %max3A_129 = arith.maximumf %add3A_125, %mul3A_128 : vector<16xf32>
      %exp3A_130 = math.exp %max3A_129 : vector<16xf32>
      %swap3A_131 = arith.constant 32 : index
      %swap3A_132 = tpu.vector_load %arg14[%swap3A_131] {strides = array<i32>} : memref<128xf32, #tpu.memory_space<vmem>>, vector<16xf32>,
      tpu.vector_store %arg14[%swap3A_131], %exp3A_130 {strides = array<i32>} : memref<128xf32, #tpu.memory_space<vmem>>, vector<16xf32>,
      tpu.vector_store_idx %arg11[%get3A_122], %exp3A_130 {add = true} : memref<10240xf32, #tpu.memory_space<vmem>>[vector<16xi32>], vector<16xf32>,
      %get3A_133 = arith.constant 48 : index
      %get3A_134 = tpu.vector_load %arg12[%get3A_133] {strides = array<i32>} : memref<128xi32, #tpu.memory_space<vmem>>, vector<16xi32>,
      %get3A_135 = arith.constant 48 : index
      %get3A_136 = tpu.vector_load %arg13[%get3A_135] {strides = array<i32>} : memref<128xi32, #tpu.memory_space<vmem>>, vector<16xi32>,
      %gather3A_137 = tpu.vector_load_idx %arg9[%get3A_134] : memref<10240xf32, #tpu.memory_space<vmem>>[vector<16xi32>], vector<16xf32>,
      %gather3A_138 = tpu.vector_load_idx %arg10[%get3A_136] : memref<10240xf32, #tpu.memory_space<vmem>>[vector<16xi32>], vector<16xf32>,
      %add3A_139 = arith.addf %gather3A_137, %gather3A_138 : vector<16xf32>
      %mul3A_140 = arith.constant 2.000000e-01 : f32
      %mul3A_141 = vector.broadcast %mul3A_140 : f32 to vector<16xf32>
      %mul3A_142 = arith.mulf %mul3A_141, %add3A_139 : vector<16xf32>
      %max3A_143 = arith.maximumf %add3A_139, %mul3A_142 : vector<16xf32>
      %exp3A_144 = math.exp %max3A_143 : vector<16xf32>
      %swap3A_145 = arith.constant 48 : index
      %swap3A_146 = tpu.vector_load %arg14[%swap3A_145] {strides = array<i32>} : memref<128xf32, #tpu.memory_space<vmem>>, vector<16xf32>,
      tpu.vector_store %arg14[%swap3A_145], %exp3A_144 {strides = array<i32>} : memref<128xf32, #tpu.memory_space<vmem>>, vector<16xf32>,
      tpu.vector_store_idx %arg11[%get3A_136], %exp3A_144 {add = true} : memref<10240xf32, #tpu.memory_space<vmem>>[vector<16xi32>], vector<16xf32>,
      %get3A_147 = arith.constant 64 : index
      %get3A_148 = tpu.vector_load %arg12[%get3A_147] {strides = array<i32>} : memref<128xi32, #tpu.memory_space<vmem>>, vector<16xi32>,
      %get3A_149 = arith.constant 64 : index
      %get3A_150 = tpu.vector_load %arg13[%get3A_149] {strides = array<i32>} : memref<128xi32, #tpu.memory_space<vmem>>, vector<16xi32>,
      %gather3A_151 = tpu.vector_load_idx %arg9[%get3A_148] : memref<10240xf32, #tpu.memory_space<vmem>>[vector<16xi32>], vector<16xf32>,
      %gather3A_152 = tpu.vector_load_idx %arg10[%get3A_150] : memref<10240xf32, #tpu.memory_space<vmem>>[vector<16xi32>], vector<16xf32>,
      %add3A_153 = arith.addf %gather3A_151, %gather3A_152 : vector<16xf32>
      %mul3A_154 = arith.constant 2.000000e-01 : f32
      %mul3A_155 = vector.broadcast %mul3A_154 : f32 to vector<16xf32>
      %mul3A_156 = arith.mulf %mul3A_155, %add3A_153 : vector<16xf32>
      %max3A_157 = arith.maximumf %add3A_153, %mul3A_156 : vector<16xf32>
      %exp3A_158 = math.exp %max3A_157 : vector<16xf32>
      %swap3A_159 = arith.constant 64 : index
      %swap3A_160 = tpu.vector_load %arg14[%swap3A_159] {strides = array<i32>} : memref<128xf32, #tpu.memory_space<vmem>>, vector<16xf32>,
      tpu.vector_store %arg14[%swap3A_159], %exp3A_158 {strides = array<i32>} : memref<128xf32, #tpu.memory_space<vmem>>, vector<16xf32>,
      tpu.vector_store_idx %arg11[%get3A_150], %exp3A_158 {add = true} : memref<10240xf32, #tpu.memory_space<vmem>>[vector<16xi32>], vector<16xf32>,
      %get3A_161 = arith.constant 80 : index
      %get3A_162 = tpu.vector_load %arg12[%get3A_161] {strides = array<i32>} : memref<128xi32, #tpu.memory_space<vmem>>, vector<16xi32>,
      %get3A_163 = arith.constant 80 : index
      %get3A_164 = tpu.vector_load %arg13[%get3A_163] {strides = array<i32>} : memref<128xi32, #tpu.memory_space<vmem>>, vector<16xi32>,
      %gather3A_165 = tpu.vector_load_idx %arg9[%get3A_162] : memref<10240xf32, #tpu.memory_space<vmem>>[vector<16xi32>], vector<16xf32>,
      %gather3A_166 = tpu.vector_load_idx %arg10[%get3A_164] : memref<10240xf32, #tpu.memory_space<vmem>>[vector<16xi32>], vector<16xf32>,
      %add3A_167 = arith.addf %gather3A_165, %gather3A_166 : vector<16xf32>
      %mul3A_168 = arith.constant 2.000000e-01 : f32
      %mul3A_169 = vector.broadcast %mul3A_168 : f32 to vector<16xf32>
      %mul3A_170 = arith.mulf %mul3A_169, %add3A_167 : vector<16xf32>
      %max3A_171 = arith.maximumf %add3A_167, %mul3A_170 : vector<16xf32>
      %exp3A_172 = math.exp %max3A_171 : vector<16xf32>
      %swap3A_173 = arith.constant 80 : index
      %swap3A_174 = tpu.vector_load %arg14[%swap3A_173] {strides = array<i32>} : memref<128xf32, #tpu.memory_space<vmem>>, vector<16xf32>,
      tpu.vector_store %arg14[%swap3A_173], %exp3A_172 {strides = array<i32>} : memref<128xf32, #tpu.memory_space<vmem>>, vector<16xf32>,
      tpu.vector_store_idx %arg11[%get3A_164], %exp3A_172 {add = true} : memref<10240xf32, #tpu.memory_space<vmem>>[vector<16xi32>], vector<16xf32>,
      %get3A_175 = arith.constant 96 : index
      %get3A_176 = tpu.vector_load %arg12[%get3A_175] {strides = array<i32>} : memref<128xi32, #tpu.memory_space<vmem>>, vector<16xi32>,
      %get3A_177 = arith.constant 96 : index
      %get3A_178 = tpu.vector_load %arg13[%get3A_177] {strides = array<i32>} : memref<128xi32, #tpu.memory_space<vmem>>, vector<16xi32>,
      %gather3A_179 = tpu.vector_load_idx %arg9[%get3A_176] : memref<10240xf32, #tpu.memory_space<vmem>>[vector<16xi32>], vector<16xf32>,
      %gather3A_180 = tpu.vector_load_idx %arg10[%get3A_178] : memref<10240xf32, #tpu.memory_space<vmem>>[vector<16xi32>], vector<16xf32>,
      %add3A_181 = arith.addf %gather3A_179, %gather3A_180 : vector<16xf32>
      %mul3A_182 = arith.constant 2.000000e-01 : f32
      %mul3A_183 = vector.broadcast %mul3A_182 : f32 to vector<16xf32>
      %mul3A_184 = arith.mulf %mul3A_183, %add3A_181 : vector<16xf32>
      %max3A_185 = arith.maximumf %add3A_181, %mul3A_184 : vector<16xf32>
      %exp3A_186 = math.exp %max3A_185 : vector<16xf32>
      %swap3A_187 = arith.constant 96 : index
      %swap3A_188 = tpu.vector_load %arg14[%swap3A_187] {strides = array<i32>} : memref<128xf32, #tpu.memory_space<vmem>>, vector<16xf32>,
      tpu.vector_store %arg14[%swap3A_187], %exp3A_186 {strides = array<i32>} : memref<128xf32, #tpu.memory_space<vmem>>, vector<16xf32>,
      tpu.vector_store_idx %arg11[%get3A_178], %exp3A_186 {add = true} : memref<10240xf32, #tpu.memory_space<vmem>>[vector<16xi32>], vector<16xf32>,
      %get3A_189 = arith.constant 112 : index
      %get3A_190 = tpu.vector_load %arg12[%get3A_189] {strides = array<i32>} : memref<128xi32, #tpu.memory_space<vmem>>, vector<16xi32>,
      %get3A_191 = arith.constant 112 : index
      %get3A_192 = tpu.vector_load %arg13[%get3A_191] {strides = array<i32>} : memref<128xi32, #tpu.memory_space<vmem>>, vector<16xi32>,
      %gather3A_193 = tpu.vector_load_idx %arg9[%get3A_190] : memref<10240xf32, #tpu.memory_space<vmem>>[vector<16xi32>], vector<16xf32>,
      %gather3A_194 = tpu.vector_load_idx %arg10[%get3A_192] : memref<10240xf32, #tpu.memory_space<vmem>>[vector<16xi32>], vector<16xf32>,
      %add3A_195 = arith.addf %gather3A_193, %gather3A_194 : vector<16xf32>
      %mul3A_196 = arith.constant 2.000000e-01 : f32
      %mul3A_197 = vector.broadcast %mul3A_196 : f32 to vector<16xf32>
      %mul3A_198 = arith.mulf %mul3A_197, %add3A_195 : vector<16xf32>
      %max3A_199 = arith.maximumf %add3A_195, %mul3A_198 : vector<16xf32>
      %exp3A_200 = math.exp %max3A_199 : vector<16xf32>
      %swap3A_201 = arith.constant 112 : index
      %swap3A_202 = tpu.vector_load %arg14[%swap3A_201] {strides = array<i32>} : memref<128xf32, #tpu.memory_space<vmem>>, vector<16xf32>,
      tpu.vector_store %arg14[%swap3A_201], %exp3A_200 {strides = array<i32>} : memref<128xf32, #tpu.memory_space<vmem>>, vector<16xf32>,
      tpu.vector_store_idx %arg11[%get3A_192], %exp3A_200 {add = true} : memref<10240xf32, #tpu.memory_space<vmem>>[vector<16xi32>], vector<16xf32>,
      %dma_wait3A = arith.constant 0 : i32
      %dma_wait3A_203 = arith.constant 0 : i32
      %dma_wait3A_204 = tpu.memref_slice %arg5[%add3A_3, %dma_wait3A, %dma_wait3A_203] : memref<4x10240x128xf32, #tpu.memory_space<hbm>> -> memref<1x10240x128xf32, #tpu.memory_space<hbm>>
      %dma_wait3A_205 = tpu.memref_squeeze %dma_wait3A_204 : memref<1x10240x128xf32, #tpu.memory_space<hbm>> -> memref<10240x128xf32, #tpu.memory_space<hbm>>
      %dma_wait3A_206 = arith.constant 0 : i32
      %dma_wait3A_207 = arith.constant 0 : i32
      %dma_wait3A_208 = tpu.memref_slice %dma_wait3A_205[%dma_wait3A_206, %dma_wait3A_207] : memref<10240x128xf32, #tpu.memory_space<hbm>> -> memref<10240x128xf32, #tpu.memory_space<hbm>>
      tpu.wait_indirect_dma semaphore(%arg16 : memref<!tpu.dma_semaphore, #tpu.memory_space<semaphore_mem>>) src(%dma_wait3A_208 : memref<10240x128xf32, #tpu.memory_space<hbm>>) dst(%arg15 : memref<128x128xf32, #tpu.memory_space<vmem>>)
      %scan3A_209 = arith.constant 0 : i32
      %scan3A_210 = arith.constant 0 : i32
      %scan3A_211 = arith.constant 128 : i32
      %scan3A_212 = arith.addi %scan3A_210, %scan3A_211 : i32
      %scan3A_213 = arith.constant 1 : i32
      %scan3A_214 = scf.for %scan3A_217 = %scan3A_210 to %scan3A_212 step %scan3A_213 iter_args(%scan3A_218 = %scan3A_209) -> (i32)  : i32 {
        %broadcast_in_dim3A_219 = arith.constant 0 : i32
        %broadcast_in_dim3A_220 = vector.broadcast %broadcast_in_dim3A_219 : i32 to vector<16xi32>
        %add3A_221 = vector.broadcast %scan3A_217 : i32 to vector<16xi32>
        %add3A_222 = arith.addi %broadcast_in_dim3A_220, %add3A_221 : vector<16xi32>
        %gather3A_223 = tpu.vector_load_idx %arg14[%add3A_222] : memref<128xf32, #tpu.memory_space<vmem>>[vector<16xi32>], vector<16xf32>,
        %get3A_224 = arith.index_cast %scan3A_217 : i32 to index
        %get3A_225 = arith.constant 0 : index
        %get3A_226 = tpu.vector_load %arg15[%get3A_224, %get3A_225] {strides = array<i32>} : memref<128x128xf32, #tpu.memory_space<vmem>>, vector<16xf32>,
        %mul3A_227 = arith.mulf %get3A_226, %gather3A_223 : vector<16xf32>
        %swap3A_228 = arith.index_cast %scan3A_217 : i32 to index
        %swap3A_229 = arith.constant 0 : index
        %swap3A_230 = tpu.vector_load %arg15[%swap3A_228, %swap3A_229] {strides = array<i32>} : memref<128x128xf32, #tpu.memory_space<vmem>>, vector<16xf32>,
        tpu.vector_store %arg15[%swap3A_228, %swap3A_229], %mul3A_227 {strides = array<i32>} : memref<128x128xf32, #tpu.memory_space<vmem>>, vector<16xf32>,
        %get3A_231 = arith.index_cast %scan3A_217 : i32 to index
        %get3A_232 = arith.constant 16 : index
        %get3A_233 = tpu.vector_load %arg15[%get3A_231, %get3A_232] {strides = array<i32>} : memref<128x128xf32, #tpu.memory_space<vmem>>, vector<16xf32>,
        %mul3A_234 = arith.mulf %get3A_233, %gather3A_223 : vector<16xf32>
        %swap3A_235 = arith.index_cast %scan3A_217 : i32 to index
        %swap3A_236 = arith.constant 16 : index
        %swap3A_237 = tpu.vector_load %arg15[%swap3A_235, %swap3A_236] {strides = array<i32>} : memref<128x128xf32, #tpu.memory_space<vmem>>, vector<16xf32>,
        tpu.vector_store %arg15[%swap3A_235, %swap3A_236], %mul3A_234 {strides = array<i32>} : memref<128x128xf32, #tpu.memory_space<vmem>>, vector<16xf32>,
        %get3A_238 = arith.index_cast %scan3A_217 : i32 to index
        %get3A_239 = arith.constant 32 : index
        %get3A_240 = tpu.vector_load %arg15[%get3A_238, %get3A_239] {strides = array<i32>} : memref<128x128xf32, #tpu.memory_space<vmem>>, vector<16xf32>,
        %mul3A_241 = arith.mulf %get3A_240, %gather3A_223 : vector<16xf32>
        %swap3A_242 = arith.index_cast %scan3A_217 : i32 to index
        %swap3A_243 = arith.constant 32 : index
        %swap3A_244 = tpu.vector_load %arg15[%swap3A_242, %swap3A_243] {strides = array<i32>} : memref<128x128xf32, #tpu.memory_space<vmem>>, vector<16xf32>,
        tpu.vector_store %arg15[%swap3A_242, %swap3A_243], %mul3A_241 {strides = array<i32>} : memref<128x128xf32, #tpu.memory_space<vmem>>, vector<16xf32>,
        %get3A_245 = arith.index_cast %scan3A_217 : i32 to index
        %get3A_246 = arith.constant 48 : index
        %get3A_247 = tpu.vector_load %arg15[%get3A_245, %get3A_246] {strides = array<i32>} : memref<128x128xf32, #tpu.memory_space<vmem>>, vector<16xf32>,
        %mul3A_248 = arith.mulf %get3A_247, %gather3A_223 : vector<16xf32>
        %swap3A_249 = arith.index_cast %scan3A_217 : i32 to index
        %swap3A_250 = arith.constant 48 : index
        %swap3A_251 = tpu.vector_load %arg15[%swap3A_249, %swap3A_250] {strides = array<i32>} : memref<128x128xf32, #tpu.memory_space<vmem>>, vector<16xf32>,
        tpu.vector_store %arg15[%swap3A_249, %swap3A_250], %mul3A_248 {strides = array<i32>} : memref<128x128xf32, #tpu.memory_space<vmem>>, vector<16xf32>,
        %get3A_252 = arith.index_cast %scan3A_217 : i32 to index
        %get3A_253 = arith.constant 64 : index
        %get3A_254 = tpu.vector_load %arg15[%get3A_252, %get3A_253] {strides = array<i32>} : memref<128x128xf32, #tpu.memory_space<vmem>>, vector<16xf32>,
        %mul3A_255 = arith.mulf %get3A_254, %gather3A_223 : vector<16xf32>
        %swap3A_256 = arith.index_cast %scan3A_217 : i32 to index
        %swap3A_257 = arith.constant 64 : index
        %swap3A_258 = tpu.vector_load %arg15[%swap3A_256, %swap3A_257] {strides = array<i32>} : memref<128x128xf32, #tpu.memory_space<vmem>>, vector<16xf32>,
        tpu.vector_store %arg15[%swap3A_256, %swap3A_257], %mul3A_255 {strides = array<i32>} : memref<128x128xf32, #tpu.memory_space<vmem>>, vector<16xf32>,
        %get3A_259 = arith.index_cast %scan3A_217 : i32 to index
        %get3A_260 = arith.constant 80 : index
        %get3A_261 = tpu.vector_load %arg15[%get3A_259, %get3A_260] {strides = array<i32>} : memref<128x128xf32, #tpu.memory_space<vmem>>, vector<16xf32>,
        %mul3A_262 = arith.mulf %get3A_261, %gather3A_223 : vector<16xf32>
        %swap3A_263 = arith.index_cast %scan3A_217 : i32 to index
        %swap3A_264 = arith.constant 80 : index
        %swap3A_265 = tpu.vector_load %arg15[%swap3A_263, %swap3A_264] {strides = array<i32>} : memref<128x128xf32, #tpu.memory_space<vmem>>, vector<16xf32>,
        tpu.vector_store %arg15[%swap3A_263, %swap3A_264], %mul3A_262 {strides = array<i32>} : memref<128x128xf32, #tpu.memory_space<vmem>>, vector<16xf32>,
        %get3A_266 = arith.index_cast %scan3A_217 : i32 to index
        %get3A_267 = arith.constant 96 : index
        %get3A_268 = tpu.vector_load %arg15[%get3A_266, %get3A_267] {strides = array<i32>} : memref<128x128xf32, #tpu.memory_space<vmem>>, vector<16xf32>,
        %mul3A_269 = arith.mulf %get3A_268, %gather3A_223 : vector<16xf32>
        %swap3A_270 = arith.index_cast %scan3A_217 : i32 to index
        %swap3A_271 = arith.constant 96 : index
        %swap3A_272 = tpu.vector_load %arg15[%swap3A_270, %swap3A_271] {strides = array<i32>} : memref<128x128xf32, #tpu.memory_space<vmem>>, vector<16xf32>,
        tpu.vector_store %arg15[%swap3A_270, %swap3A_271], %mul3A_269 {strides = array<i32>} : memref<128x128xf32, #tpu.memory_space<vmem>>, vector<16xf32>,
        %get3A_273 = arith.index_cast %scan3A_217 : i32 to index
        %get3A_274 = arith.constant 112 : index
        %get3A_275 = tpu.vector_load %arg15[%get3A_273, %get3A_274] {strides = array<i32>} : memref<128x128xf32, #tpu.memory_space<vmem>>, vector<16xf32>,
        %mul3A_276 = arith.mulf %get3A_275, %gather3A_223 : vector<16xf32>
        %swap3A_277 = arith.index_cast %scan3A_217 : i32 to index
        %swap3A_278 = arith.constant 112 : index
        %swap3A_279 = tpu.vector_load %arg15[%swap3A_277, %swap3A_278] {strides = array<i32>} : memref<128x128xf32, #tpu.memory_space<vmem>>, vector<16xf32>,
        tpu.vector_store %arg15[%swap3A_277, %swap3A_278], %mul3A_276 {strides = array<i32>} : memref<128x128xf32, #tpu.memory_space<vmem>>, vector<16xf32>,
        %scan3A_280 = arith.constant 0 : i32
        scf.yield %scan3A_280 : i32
      }
      %scan3A_215 = arith.constant 128 : i32
      "tpu.region"() ({
        %run_scoped3A = tpu.sem_alloc : memref<!tpu.dma_semaphore, #tpu.memory_space<semaphore_mem>>
        %dma_start3A_217 = arith.constant 0 : i32
        %dma_start3A_218 = arith.constant 0 : i32
        %dma_start3A_219 = tpu.memref_slice %arg8[%dma_start3A_217, %dma_start3A_218] : memref<10240x128xf32, #tpu.memory_space<vmem_shared>> -> memref<10240x128xf32, #tpu.memory_space<vmem_shared>>
        tpu.enqueue_indirect_dma source(%arg15 : memref<128x128xf32, #tpu.memory_space<vmem>>) target(%dma_start3A_219 : memref<10240x128xf32, #tpu.memory_space<vmem_shared>>) offsets(%arg13 : memref<128xi32, #tpu.memory_space<vmem>>) semaphore(%run_scoped3A : memref<!tpu.dma_semaphore, #tpu.memory_space<semaphore_mem>>) {add = true}
        %dma_wait3A_220 = arith.constant 0 : i32
        %dma_wait3A_221 = arith.constant 0 : i32
        %dma_wait3A_222 = tpu.memref_slice %arg8[%dma_wait3A_220, %dma_wait3A_221] : memref<10240x128xf32, #tpu.memory_space<vmem_shared>> -> memref<10240x128xf32, #tpu.memory_space<vmem_shared>>
        tpu.wait_indirect_dma semaphore(%run_scoped3A : memref<!tpu.dma_semaphore, #tpu.memory_space<semaphore_mem>>) src(%arg15 : memref<128x128xf32, #tpu.memory_space<vmem>>) dst(%dma_wait3A_222 : memref<10240x128xf32, #tpu.memory_space<vmem_shared>>)
        tpu.yield
      }) : () -> ()
      %scan3A_216 = arith.constant 0 : i32
      scf.yield %scan3A_216 : i32
    }
    %scan3A_38 = arith.constant 168 : i32
    %barrier3A_39 = arith.constant 0 : index
    tpu.barrier barrier_id(%barrier3A_39)
    "tpu.region"() ({
      %run_scoped3A = tpu.sem_alloc : memref<!tpu.dma_semaphore, #tpu.memory_space<semaphore_mem>>
      %dma_start3A = arith.constant 0 : i32
      %dma_start3A_83 = tpu.memref_slice %arg6[%add3A_3, %mul3A_0, %dma_start3A] : memref<4x10240x128xf32, #tpu.memory_space<hbm>> -> memref<1x640x128xf32, #tpu.memory_space<hbm>>
      %dma_start3A_84 = tpu.memref_squeeze %dma_start3A_83 : memref<1x640x128xf32, #tpu.memory_space<hbm>> -> memref<640x128xf32, #tpu.memory_space<hbm>>
      %dma_start3A_85 = arith.constant 0 : i32
      %dma_start3A_86 = tpu.memref_slice %arg8[%mul3A_0, %dma_start3A_85] : memref<10240x128xf32, #tpu.memory_space<vmem_shared>> -> memref<640x128xf32, #tpu.memory_space<vmem_shared>>
      tpu.enqueue_dma source(%dma_start3A_86 : memref<640x128xf32, #tpu.memory_space<vmem_shared>>) target(%dma_start3A_84 : memref<640x128xf32, #tpu.memory_space<hbm>>) target_semaphore(%run_scoped3A : memref<!tpu.dma_semaphore, #tpu.memory_space<semaphore_mem>>)
      %dma_wait3A = arith.constant 0 : i32
      %dma_wait3A_87 = tpu.memref_slice %arg6[%add3A_3, %mul3A_0, %dma_wait3A] : memref<4x10240x128xf32, #tpu.memory_space<hbm>> -> memref<1x640x128xf32, #tpu.memory_space<hbm>>
      %dma_wait3A_88 = tpu.memref_squeeze %dma_wait3A_87 : memref<1x640x128xf32, #tpu.memory_space<hbm>> -> memref<640x128xf32, #tpu.memory_space<hbm>>
      %dma_wait3A_89 = arith.constant 0 : i32
      %dma_wait3A_90 = tpu.memref_slice %arg8[%mul3A_0, %dma_wait3A_89] : memref<10240x128xf32, #tpu.memory_space<vmem_shared>> -> memref<640x128xf32, #tpu.memory_space<vmem_shared>>
      tpu.wait_dma2 semaphore(%run_scoped3A : memref<!tpu.dma_semaphore, #tpu.memory_space<semaphore_mem>>) src(%dma_wait3A_90 : memref<640x128xf32, #tpu.memory_space<vmem_shared>>) dst(%dma_wait3A_88 : memref<640x128xf32, #tpu.memory_space<hbm>>)
      tpu.yield
    }) : () -> ()
    "tpu.region"() ({
      %run_scoped3A = tpu.sem_alloc : memref<!tpu.dma_semaphore, #tpu.memory_space<semaphore_mem>>
      %dma_start3A = arith.constant 0 : i32
      %dma_start3A_83 = tpu.memref_slice %arg7[%add3A_3, %arg1, %dma_start3A] : memref<4x16x10240xf32, #tpu.memory_space<hbm>> -> memref<1x1x10240xf32, #tpu.memory_space<hbm>>
      %dma_start3A_84 = tpu.memref_squeeze %dma_start3A_83 : memref<1x1x10240xf32, #tpu.memory_space<hbm>> -> memref<10240xf32, #tpu.memory_space<hbm>>
      %dma_start3A_85 = arith.constant 0 : i32
      %dma_start3A_86 = tpu.memref_slice %arg7[%add3A_3, %arg1, %dma_start3A_85] : memref<4x16x10240xf32, #tpu.memory_space<hbm>> -> memref<1x1x10240xf32, #tpu.memory_space<hbm>>
      %dma_start3A_87 = tpu.memref_squeeze %dma_start3A_86 : memref<1x1x10240xf32, #tpu.memory_space<hbm>> -> memref<10240xf32, #tpu.memory_space<hbm>>
      tpu.enqueue_dma source(%arg11 : memref<10240xf32, #tpu.memory_space<vmem>>) target(%dma_start3A_87 : memref<10240xf32, #tpu.memory_space<hbm>>) target_semaphore(%run_scoped3A : memref<!tpu.dma_semaphore, #tpu.memory_space<semaphore_mem>>)
      %dma_wait3A = arith.constant 0 : i32
      %dma_wait3A_88 = tpu.memref_slice %arg7[%add3A_3, %arg1, %dma_wait3A] : memref<4x16x10240xf32, #tpu.memory_space<hbm>> -> memref<1x1x10240xf32, #tpu.memory_space<hbm>>
      %dma_wait3A_89 = tpu.memref_squeeze %dma_wait3A_88 : memref<1x1x10240xf32, #tpu.memory_space<hbm>> -> memref<10240xf32, #tpu.memory_space<hbm>>
      %dma_wait3A_90 = arith.constant 0 : i32
      %dma_wait3A_91 = tpu.memref_slice %arg7[%add3A_3, %arg1, %dma_wait3A_90] : memref<4x16x10240xf32, #tpu.memory_space<hbm>> -> memref<1x1x10240xf32, #tpu.memory_space<hbm>>
      %dma_wait3A_92 = tpu.memref_squeeze %dma_wait3A_91 : memref<1x1x10240xf32, #tpu.memory_space<hbm>> -> memref<10240xf32, #tpu.memory_space<hbm>>
      tpu.wait_dma2 semaphore(%run_scoped3A : memref<!tpu.dma_semaphore, #tpu.memory_space<semaphore_mem>>) src(%arg11 : memref<10240xf32, #tpu.memory_space<vmem>>) dst(%dma_wait3A_92 : memref<10240xf32, #tpu.memory_space<hbm>>)
      tpu.yield
    }) : () -> ()
    %mul3A_40 = arith.constant 2 : i32
    %mul3A_41 = arith.muli %mul3A_40, %arg0 : i32
    %add3A_42 = arith.constant 1 : i32
    %add3A_43 = arith.addi %mul3A_41, %add3A_42 : i32
    %broadcast_in_dim3A_44 = arith.constant 0.000000e+00 : f32
    %broadcast_in_dim3A_45 = vector.broadcast %broadcast_in_dim3A_44 : f32 to vector<16xf32>
    %scan3A_46 = arith.constant 0 : i32
    %scan3A_47 = arith.constant 0 : i32
    %scan3A_48 = arith.constant 128 : i32
    %scan3A_49 = arith.addi %scan3A_47, %scan3A_48 : i32
    %scan3A_50 = arith.constant 1 : i32
    %scan3A_51 = scf.for %scan3A_83 = %scan3A_47 to %scan3A_49 step %scan3A_50 iter_args(%scan3A_84 = %scan3A_46) -> (i32)  : i32 {
      %swap3A = arith.index_cast %scan3A_83 : i32 to index
      %swap3A_85 = arith.constant 0 : index
      %swap3A_86 = tpu.vector_load %arg15[%swap3A, %swap3A_85] {strides = array<i32>} : memref<128x128xf32, #tpu.memory_space<vmem>>, vector<16xf32>,
      tpu.vector_store %arg15[%swap3A, %swap3A_85], %broadcast_in_dim3A_45 {strides = array<i32>} : memref<128x128xf32, #tpu.memory_space<vmem>>, vector<16xf32>,
      %swap3A_87 = arith.index_cast %scan3A_83 : i32 to index
      %swap3A_88 = arith.constant 16 : index
      %swap3A_89 = tpu.vector_load %arg15[%swap3A_87, %swap3A_88] {strides = array<i32>} : memref<128x128xf32, #tpu.memory_space<vmem>>, vector<16xf32>,
      tpu.vector_store %arg15[%swap3A_87, %swap3A_88], %broadcast_in_dim3A_45 {strides = array<i32>} : memref<128x128xf32, #tpu.memory_space<vmem>>, vector<16xf32>,
      %swap3A_90 = arith.index_cast %scan3A_83 : i32 to index
      %swap3A_91 = arith.constant 32 : index
      %swap3A_92 = tpu.vector_load %arg15[%swap3A_90, %swap3A_91] {strides = array<i32>} : memref<128x128xf32, #tpu.memory_space<vmem>>, vector<16xf32>,
      tpu.vector_store %arg15[%swap3A_90, %swap3A_91], %broadcast_in_dim3A_45 {strides = array<i32>} : memref<128x128xf32, #tpu.memory_space<vmem>>, vector<16xf32>,
      %swap3A_93 = arith.index_cast %scan3A_83 : i32 to index
      %swap3A_94 = arith.constant 48 : index
      %swap3A_95 = tpu.vector_load %arg15[%swap3A_93, %swap3A_94] {strides = array<i32>} : memref<128x128xf32, #tpu.memory_space<vmem>>, vector<16xf32>,
      tpu.vector_store %arg15[%swap3A_93, %swap3A_94], %broadcast_in_dim3A_45 {strides = array<i32>} : memref<128x128xf32, #tpu.memory_space<vmem>>, vector<16xf32>,
      %swap3A_96 = arith.index_cast %scan3A_83 : i32 to index
      %swap3A_97 = arith.constant 64 : index
      %swap3A_98 = tpu.vector_load %arg15[%swap3A_96, %swap3A_97] {strides = array<i32>} : memref<128x128xf32, #tpu.memory_space<vmem>>, vector<16xf32>,
      tpu.vector_store %arg15[%swap3A_96, %swap3A_97], %broadcast_in_dim3A_45 {strides = array<i32>} : memref<128x128xf32, #tpu.memory_space<vmem>>, vector<16xf32>,
      %swap3A_99 = arith.index_cast %scan3A_83 : i32 to index
      %swap3A_100 = arith.constant 80 : index
      %swap3A_101 = tpu.vector_load %arg15[%swap3A_99, %swap3A_100] {strides = array<i32>} : memref<128x128xf32, #tpu.memory_space<vmem>>, vector<16xf32>,
      tpu.vector_store %arg15[%swap3A_99, %swap3A_100], %broadcast_in_dim3A_45 {strides = array<i32>} : memref<128x128xf32, #tpu.memory_space<vmem>>, vector<16xf32>,
      %swap3A_102 = arith.index_cast %scan3A_83 : i32 to index
      %swap3A_103 = arith.constant 96 : index
      %swap3A_104 = tpu.vector_load %arg15[%swap3A_102, %swap3A_103] {strides = array<i32>} : memref<128x128xf32, #tpu.memory_space<vmem>>, vector<16xf32>,
      tpu.vector_store %arg15[%swap3A_102, %swap3A_103], %broadcast_in_dim3A_45 {strides = array<i32>} : memref<128x128xf32, #tpu.memory_space<vmem>>, vector<16xf32>,
      %swap3A_105 = arith.index_cast %scan3A_83 : i32 to index
      %swap3A_106 = arith.constant 112 : index
      %swap3A_107 = tpu.vector_load %arg15[%swap3A_105, %swap3A_106] {strides = array<i32>} : memref<128x128xf32, #tpu.memory_space<vmem>>, vector<16xf32>,
      tpu.vector_store %arg15[%swap3A_105, %swap3A_106], %broadcast_in_dim3A_45 {strides = array<i32>} : memref<128x128xf32, #tpu.memory_space<vmem>>, vector<16xf32>,
      %scan3A_108 = arith.constant 0 : i32
      scf.yield %scan3A_108 : i32
    }
    %scan3A_52 = arith.constant 128 : i32
    %add3A_53 = arith.constant 0 : i32
    %add3A_54 = arith.addi %mul3A_0, %add3A_53 : i32
    "tpu.region"() ({
      %run_scoped3A = tpu.sem_alloc : memref<!tpu.dma_semaphore, #tpu.memory_space<semaphore_mem>>
      %dma_start3A = arith.constant 0 : i32
      %dma_start3A_83 = tpu.memref_slice %arg8[%add3A_54, %dma_start3A] : memref<10240x128xf32, #tpu.memory_space<vmem_shared>> -> memref<128x128xf32, #tpu.memory_space<vmem_shared>>
      %dma_start3A_84 = arith.constant 0 : i32
      %dma_start3A_85 = tpu.memref_slice %arg8[%add3A_54, %dma_start3A_84] : memref<10240x128xf32, #tpu.memory_space<vmem_shared>> -> memref<128x128xf32, #tpu.memory_space<vmem_shared>>
      tpu.enqueue_dma source(%arg15 : memref<128x128xf32, #tpu.memory_space<vmem>>) target(%dma_start3A_85 : memref<128x128xf32, #tpu.memory_space<vmem_shared>>) target_semaphore(%run_scoped3A : memref<!tpu.dma_semaphore, #tpu.memory_space<semaphore_mem>>)
      %dma_wait3A = arith.constant 0 : i32
      %dma_wait3A_86 = tpu.memref_slice %arg8[%add3A_54, %dma_wait3A] : memref<10240x128xf32, #tpu.memory_space<vmem_shared>> -> memref<128x128xf32, #tpu.memory_space<vmem_shared>>
      %dma_wait3A_87 = arith.constant 0 : i32
      %dma_wait3A_88 = tpu.memref_slice %arg8[%add3A_54, %dma_wait3A_87] : memref<10240x128xf32, #tpu.memory_space<vmem_shared>> -> memref<128x128xf32, #tpu.memory_space<vmem_shared>>
      tpu.wait_dma2 semaphore(%run_scoped3A : memref<!tpu.dma_semaphore, #tpu.memory_space<semaphore_mem>>) src(%arg15 : memref<128x128xf32, #tpu.memory_space<vmem>>) dst(%dma_wait3A_88 : memref<128x128xf32, #tpu.memory_space<vmem_shared>>)
      tpu.yield
    }) : () -> ()
    %add3A_55 = arith.constant 128 : i32
    %add3A_56 = arith.addi %mul3A_0, %add3A_55 : i32
    "tpu.region"() ({
      %run_scoped3A = tpu.sem_alloc : memref<!tpu.dma_semaphore, #tpu.memory_space<semaphore_mem>>
      %dma_start3A = arith.constant 0 : i32
      %dma_start3A_83 = tpu.memref_slice %arg8[%add3A_56, %dma_start3A] : memref<10240x128xf32, #tpu.memory_space<vmem_shared>> -> memref<128x128xf32, #tpu.memory_space<vmem_shared>>
      %dma_start3A_84 = arith.constant 0 : i32
      %dma_start3A_85 = tpu.memref_slice %arg8[%add3A_56, %dma_start3A_84] : memref<10240x128xf32, #tpu.memory_space<vmem_shared>> -> memref<128x128xf32, #tpu.memory_space<vmem_shared>>
      tpu.enqueue_dma source(%arg15 : memref<128x128xf32, #tpu.memory_space<vmem>>) target(%dma_start3A_85 : memref<128x128xf32, #tpu.memory_space<vmem_shared>>) target_semaphore(%run_scoped3A : memref<!tpu.dma_semaphore, #tpu.memory_space<semaphore_mem>>)
      %dma_wait3A = arith.constant 0 : i32
      %dma_wait3A_86 = tpu.memref_slice %arg8[%add3A_56, %dma_wait3A] : memref<10240x128xf32, #tpu.memory_space<vmem_shared>> -> memref<128x128xf32, #tpu.memory_space<vmem_shared>>
      %dma_wait3A_87 = arith.constant 0 : i32
      %dma_wait3A_88 = tpu.memref_slice %arg8[%add3A_56, %dma_wait3A_87] : memref<10240x128xf32, #tpu.memory_space<vmem_shared>> -> memref<128x128xf32, #tpu.memory_space<vmem_shared>>
      tpu.wait_dma2 semaphore(%run_scoped3A : memref<!tpu.dma_semaphore, #tpu.memory_space<semaphore_mem>>) src(%arg15 : memref<128x128xf32, #tpu.memory_space<vmem>>) dst(%dma_wait3A_88 : memref<128x128xf32, #tpu.memory_space<vmem_shared>>)
      tpu.yield
    }) : () -> ()
    %add3A_57 = arith.constant 256 : i32
    %add3A_58 = arith.addi %mul3A_0, %add3A_57 : i32
    "tpu.region"() ({
      %run_scoped3A = tpu.sem_alloc : memref<!tpu.dma_semaphore, #tpu.memory_space<semaphore_mem>>
      %dma_start3A = arith.constant 0 : i32
      %dma_start3A_83 = tpu.memref_slice %arg8[%add3A_58, %dma_start3A] : memref<10240x128xf32, #tpu.memory_space<vmem_shared>> -> memref<128x128xf32, #tpu.memory_space<vmem_shared>>
      %dma_start3A_84 = arith.constant 0 : i32
      %dma_start3A_85 = tpu.memref_slice %arg8[%add3A_58, %dma_start3A_84] : memref<10240x128xf32, #tpu.memory_space<vmem_shared>> -> memref<128x128xf32, #tpu.memory_space<vmem_shared>>
      tpu.enqueue_dma source(%arg15 : memref<128x128xf32, #tpu.memory_space<vmem>>) target(%dma_start3A_85 : memref<128x128xf32, #tpu.memory_space<vmem_shared>>) target_semaphore(%run_scoped3A : memref<!tpu.dma_semaphore, #tpu.memory_space<semaphore_mem>>)
      %dma_wait3A = arith.constant 0 : i32
      %dma_wait3A_86 = tpu.memref_slice %arg8[%add3A_58, %dma_wait3A] : memref<10240x128xf32, #tpu.memory_space<vmem_shared>> -> memref<128x128xf32, #tpu.memory_space<vmem_shared>>
      %dma_wait3A_87 = arith.constant 0 : i32
      %dma_wait3A_88 = tpu.memref_slice %arg8[%add3A_58, %dma_wait3A_87] : memref<10240x128xf32, #tpu.memory_space<vmem_shared>> -> memref<128x128xf32, #tpu.memory_space<vmem_shared>>
      tpu.wait_dma2 semaphore(%run_scoped3A : memref<!tpu.dma_semaphore, #tpu.memory_space<semaphore_mem>>) src(%arg15 : memref<128x128xf32, #tpu.memory_space<vmem>>) dst(%dma_wait3A_88 : memref<128x128xf32, #tpu.memory_space<vmem_shared>>)
      tpu.yield
    }) : () -> ()
    %add3A_59 = arith.constant 384 : i32
    %add3A_60 = arith.addi %mul3A_0, %add3A_59 : i32
    "tpu.region"() ({
      %run_scoped3A = tpu.sem_alloc : memref<!tpu.dma_semaphore, #tpu.memory_space<semaphore_mem>>
      %dma_start3A = arith.constant 0 : i32
      %dma_start3A_83 = tpu.memref_slice %arg8[%add3A_60, %dma_start3A] : memref<10240x128xf32, #tpu.memory_space<vmem_shared>> -> memref<128x128xf32, #tpu.memory_space<vmem_shared>>
      %dma_start3A_84 = arith.constant 0 : i32
      %dma_start3A_85 = tpu.memref_slice %arg8[%add3A_60, %dma_start3A_84] : memref<10240x128xf32, #tpu.memory_space<vmem_shared>> -> memref<128x128xf32, #tpu.memory_space<vmem_shared>>
      tpu.enqueue_dma source(%arg15 : memref<128x128xf32, #tpu.memory_space<vmem>>) target(%dma_start3A_85 : memref<128x128xf32, #tpu.memory_space<vmem_shared>>) target_semaphore(%run_scoped3A : memref<!tpu.dma_semaphore, #tpu.memory_space<semaphore_mem>>)
      %dma_wait3A = arith.constant 0 : i32
      %dma_wait3A_86 = tpu.memref_slice %arg8[%add3A_60, %dma_wait3A] : memref<10240x128xf32, #tpu.memory_space<vmem_shared>> -> memref<128x128xf32, #tpu.memory_space<vmem_shared>>
      %dma_wait3A_87 = arith.constant 0 : i32
      %dma_wait3A_88 = tpu.memref_slice %arg8[%add3A_60, %dma_wait3A_87] : memref<10240x128xf32, #tpu.memory_space<vmem_shared>> -> memref<128x128xf32, #tpu.memory_space<vmem_shared>>
      tpu.wait_dma2 semaphore(%run_scoped3A : memref<!tpu.dma_semaphore, #tpu.memory_space<semaphore_mem>>) src(%arg15 : memref<128x128xf32, #tpu.memory_space<vmem>>) dst(%dma_wait3A_88 : memref<128x128xf32, #tpu.memory_space<vmem_shared>>)
      tpu.yield
    }) : () -> ()
    %add3A_61 = arith.constant 512 : i32
    %add3A_62 = arith.addi %mul3A_0, %add3A_61 : i32
    "tpu.region"() ({
      %run_scoped3A = tpu.sem_alloc : memref<!tpu.dma_semaphore, #tpu.memory_space<semaphore_mem>>
      %dma_start3A = arith.constant 0 : i32
      %dma_start3A_83 = tpu.memref_slice %arg8[%add3A_62, %dma_start3A] : memref<10240x128xf32, #tpu.memory_space<vmem_shared>> -> memref<128x128xf32, #tpu.memory_space<vmem_shared>>
      %dma_start3A_84 = arith.constant 0 : i32
      %dma_start3A_85 = tpu.memref_slice %arg8[%add3A_62, %dma_start3A_84] : memref<10240x128xf32, #tpu.memory_space<vmem_shared>> -> memref<128x128xf32, #tpu.memory_space<vmem_shared>>
      tpu.enqueue_dma source(%arg15 : memref<128x128xf32, #tpu.memory_space<vmem>>) target(%dma_start3A_85 : memref<128x128xf32, #tpu.memory_space<vmem_shared>>) target_semaphore(%run_scoped3A : memref<!tpu.dma_semaphore, #tpu.memory_space<semaphore_mem>>)
      %dma_wait3A = arith.constant 0 : i32
      %dma_wait3A_86 = tpu.memref_slice %arg8[%add3A_62, %dma_wait3A] : memref<10240x128xf32, #tpu.memory_space<vmem_shared>> -> memref<128x128xf32, #tpu.memory_space<vmem_shared>>
      %dma_wait3A_87 = arith.constant 0 : i32
      %dma_wait3A_88 = tpu.memref_slice %arg8[%add3A_62, %dma_wait3A_87] : memref<10240x128xf32, #tpu.memory_space<vmem_shared>> -> memref<128x128xf32, #tpu.memory_space<vmem_shared>>
      tpu.wait_dma2 semaphore(%run_scoped3A : memref<!tpu.dma_semaphore, #tpu.memory_space<semaphore_mem>>) src(%arg15 : memref<128x128xf32, #tpu.memory_space<vmem>>) dst(%dma_wait3A_88 : memref<128x128xf32, #tpu.memory_space<vmem_shared>>)
      tpu.yield
    }) : () -> ()
    %broadcast_in_dim3A_63 = arith.constant 0.000000e+00 : f32
    %broadcast_in_dim3A_64 = vector.broadcast %broadcast_in_dim3A_63 : f32 to vector<16xf32>
    %scan3A_65 = arith.constant 0 : i32
    %scan3A_66 = arith.constant 0 : i32
    %scan3A_67 = arith.constant 640 : i32
    %scan3A_68 = arith.addi %scan3A_66, %scan3A_67 : i32
    %scan3A_69 = arith.constant 1 : i32
    %scan3A_70 = scf.for %scan3A_83 = %scan3A_66 to %scan3A_68 step %scan3A_69 iter_args(%scan3A_84 = %scan3A_65) -> (i32)  : i32 {
      %mul3A_85 = arith.constant 16 : i32
      %mul3A_86 = arith.muli %scan3A_83, %mul3A_85 : i32
      %swap3A = arith.index_cast %mul3A_86 : i32 to index
      %swap3A_87 = tpu.vector_load %arg11[%swap3A] {strides = array<i32>} : memref<10240xf32, #tpu.memory_space<vmem>>, vector<16xf32>,
      tpu.vector_store %arg11[%swap3A], %broadcast_in_dim3A_64 {strides = array<i32>} : memref<10240xf32, #tpu.memory_space<vmem>>, vector<16xf32>,
      %scan3A_88 = arith.constant 0 : i32
      scf.yield %scan3A_88 : i32
    }
    %scan3A_71 = arith.constant 640 : i32
    "tpu.region"() ({
      %run_scoped3A = tpu.sem_alloc : memref<!tpu.dma_semaphore, #tpu.memory_space<semaphore_mem>>
      %dma_start3A = arith.constant 0 : i32
      %dma_start3A_83 = tpu.memref_slice %arg4[%add3A_43, %dma_start3A] : memref<8x10240xf32, #tpu.memory_space<hbm>> -> memref<1x10240xf32, #tpu.memory_space<hbm>>
      %dma_start3A_84 = tpu.memref_squeeze %dma_start3A_83 : memref<1x10240xf32, #tpu.memory_space<hbm>> -> memref<10240xf32, #tpu.memory_space<hbm>>
      %dma_start3A_85 = arith.constant 0 : i32
      %dma_start3A_86 = tpu.memref_slice %arg4[%add3A_43, %dma_start3A_85] : memref<8x10240xf32, #tpu.memory_space<hbm>> -> memref<1x10240xf32, #tpu.memory_space<hbm>>
      %dma_start3A_87 = tpu.memref_squeeze %dma_start3A_86 : memref<1x10240xf32, #tpu.memory_space<hbm>> -> memref<10240xf32, #tpu.memory_space<hbm>>
      tpu.enqueue_dma source(%dma_start3A_87 : memref<10240xf32, #tpu.memory_space<hbm>>) target(%arg9 : memref<10240xf32, #tpu.memory_space<vmem>>) target_semaphore(%run_scoped3A : memref<!tpu.dma_semaphore, #tpu.memory_space<semaphore_mem>>)
      %dma_wait3A = arith.constant 0 : i32
      %dma_wait3A_88 = tpu.memref_slice %arg4[%add3A_43, %dma_wait3A] : memref<8x10240xf32, #tpu.memory_space<hbm>> -> memref<1x10240xf32, #tpu.memory_space<hbm>>
      %dma_wait3A_89 = tpu.memref_squeeze %dma_wait3A_88 : memref<1x10240xf32, #tpu.memory_space<hbm>> -> memref<10240xf32, #tpu.memory_space<hbm>>
      %dma_wait3A_90 = arith.constant 0 : i32
      %dma_wait3A_91 = tpu.memref_slice %arg4[%add3A_43, %dma_wait3A_90] : memref<8x10240xf32, #tpu.memory_space<hbm>> -> memref<1x10240xf32, #tpu.memory_space<hbm>>
      %dma_wait3A_92 = tpu.memref_squeeze %dma_wait3A_91 : memref<1x10240xf32, #tpu.memory_space<hbm>> -> memref<10240xf32, #tpu.memory_space<hbm>>
      tpu.wait_dma2 semaphore(%run_scoped3A : memref<!tpu.dma_semaphore, #tpu.memory_space<semaphore_mem>>) src(%dma_wait3A_92 : memref<10240xf32, #tpu.memory_space<hbm>>) dst(%arg9 : memref<10240xf32, #tpu.memory_space<vmem>>)
      tpu.yield
    }) : () -> ()
    %add3A_72 = arith.constant 4 : i32
    %add3A_73 = arith.addi %add3A_72, %add3A_43 : i32
    "tpu.region"() ({
      %run_scoped3A = tpu.sem_alloc : memref<!tpu.dma_semaphore, #tpu.memory_space<semaphore_mem>>
      %dma_start3A = arith.constant 0 : i32
      %dma_start3A_83 = tpu.memref_slice %arg4[%add3A_73, %dma_start3A] : memref<8x10240xf32, #tpu.memory_space<hbm>> -> memref<1x10240xf32, #tpu.memory_space<hbm>>
      %dma_start3A_84 = tpu.memref_squeeze %dma_start3A_83 : memref<1x10240xf32, #tpu.memory_space<hbm>> -> memref<10240xf32, #tpu.memory_space<hbm>>
      %dma_start3A_85 = arith.constant 0 : i32
      %dma_start3A_86 = tpu.memref_slice %arg4[%add3A_73, %dma_start3A_85] : memref<8x10240xf32, #tpu.memory_space<hbm>> -> memref<1x10240xf32, #tpu.memory_space<hbm>>
      %dma_start3A_87 = tpu.memref_squeeze %dma_start3A_86 : memref<1x10240xf32, #tpu.memory_space<hbm>> -> memref<10240xf32, #tpu.memory_space<hbm>>
      tpu.enqueue_dma source(%dma_start3A_87 : memref<10240xf32, #tpu.memory_space<hbm>>) target(%arg10 : memref<10240xf32, #tpu.memory_space<vmem>>) target_semaphore(%run_scoped3A : memref<!tpu.dma_semaphore, #tpu.memory_space<semaphore_mem>>)
      %dma_wait3A = arith.constant 0 : i32
      %dma_wait3A_88 = tpu.memref_slice %arg4[%add3A_73, %dma_wait3A] : memref<8x10240xf32, #tpu.memory_space<hbm>> -> memref<1x10240xf32, #tpu.memory_space<hbm>>
      %dma_wait3A_89 = tpu.memref_squeeze %dma_wait3A_88 : memref<1x10240xf32, #tpu.memory_space<hbm>> -> memref<10240xf32, #tpu.memory_space<hbm>>
      %dma_wait3A_90 = arith.constant 0 : i32
      %dma_wait3A_91 = tpu.memref_slice %arg4[%add3A_73, %dma_wait3A_90] : memref<8x10240xf32, #tpu.memory_space<hbm>> -> memref<1x10240xf32, #tpu.memory_space<hbm>>
      %dma_wait3A_92 = tpu.memref_squeeze %dma_wait3A_91 : memref<1x10240xf32, #tpu.memory_space<hbm>> -> memref<10240xf32, #tpu.memory_space<hbm>>
      tpu.wait_dma2 semaphore(%run_scoped3A : memref<!tpu.dma_semaphore, #tpu.memory_space<semaphore_mem>>) src(%dma_wait3A_92 : memref<10240xf32, #tpu.memory_space<hbm>>) dst(%arg10 : memref<10240xf32, #tpu.memory_space<vmem>>)
      tpu.yield
    }) : () -> ()
    %barrier3A_74 = arith.constant 0 : index
    tpu.barrier barrier_id(%barrier3A_74)
    %scan3A_75 = arith.constant 0 : i32
    %scan3A_76 = arith.constant 0 : i32
    %scan3A_77 = arith.constant 168 : i32
    %scan3A_78 = arith.addi %scan3A_76, %scan3A_77 : i32
    %scan3A_79 = arith.constant 1 : i32
    %scan3A_80 = scf.for %scan3A_83 = %scan3A_76 to %scan3A_78 step %scan3A_79 iter_args(%scan3A_84 = %scan3A_75) -> (i32)  : i32 {
      %mul3A_85 = arith.constant 21504 : i32
      %mul3A_86 = arith.muli %arg1, %mul3A_85 : i32
      %mul3A_87 = arith.constant 128 : i32
      %mul3A_88 = arith.muli %scan3A_83, %mul3A_87 : i32
      %add3A_89 = arith.addi %mul3A_86, %mul3A_88 : i32
      "tpu.region"() ({
        %run_scoped3A = tpu.sem_alloc : memref<!tpu.dma_semaphore, #tpu.memory_space<semaphore_mem>>
        %dma_start3A_217 = tpu.memref_slice %arg2[%add3A_89] : memref<344064xi32, #tpu.memory_space<hbm>> -> memref<128xi32, #tpu.memory_space<hbm>>
        %dma_start3A_218 = tpu.memref_slice %arg2[%add3A_89] : memref<344064xi32, #tpu.memory_space<hbm>> -> memref<128xi32, #tpu.memory_space<hbm>>
        tpu.enqueue_dma source(%dma_start3A_218 : memref<128xi32, #tpu.memory_space<hbm>>) target(%arg12 : memref<128xi32, #tpu.memory_space<vmem>>) target_semaphore(%run_scoped3A : memref<!tpu.dma_semaphore, #tpu.memory_space<semaphore_mem>>)
        %dma_wait3A_219 = tpu.memref_slice %arg2[%add3A_89] : memref<344064xi32, #tpu.memory_space<hbm>> -> memref<128xi32, #tpu.memory_space<hbm>>
        %dma_wait3A_220 = tpu.memref_slice %arg2[%add3A_89] : memref<344064xi32, #tpu.memory_space<hbm>> -> memref<128xi32, #tpu.memory_space<hbm>>
        tpu.wait_dma2 semaphore(%run_scoped3A : memref<!tpu.dma_semaphore, #tpu.memory_space<semaphore_mem>>) src(%dma_wait3A_220 : memref<128xi32, #tpu.memory_space<hbm>>) dst(%arg12 : memref<128xi32, #tpu.memory_space<vmem>>)
        tpu.yield
      }) : () -> ()
      "tpu.region"() ({
        %run_scoped3A = tpu.sem_alloc : memref<!tpu.dma_semaphore, #tpu.memory_space<semaphore_mem>>
        %dma_start3A_217 = tpu.memref_slice %arg3[%add3A_89] : memref<344064xi32, #tpu.memory_space<hbm>> -> memref<128xi32, #tpu.memory_space<hbm>>
        %dma_start3A_218 = tpu.memref_slice %arg3[%add3A_89] : memref<344064xi32, #tpu.memory_space<hbm>> -> memref<128xi32, #tpu.memory_space<hbm>>
        tpu.enqueue_dma source(%dma_start3A_218 : memref<128xi32, #tpu.memory_space<hbm>>) target(%arg13 : memref<128xi32, #tpu.memory_space<vmem>>) target_semaphore(%run_scoped3A : memref<!tpu.dma_semaphore, #tpu.memory_space<semaphore_mem>>)
        %dma_wait3A_219 = tpu.memref_slice %arg3[%add3A_89] : memref<344064xi32, #tpu.memory_space<hbm>> -> memref<128xi32, #tpu.memory_space<hbm>>
        %dma_wait3A_220 = tpu.memref_slice %arg3[%add3A_89] : memref<344064xi32, #tpu.memory_space<hbm>> -> memref<128xi32, #tpu.memory_space<hbm>>
        tpu.wait_dma2 semaphore(%run_scoped3A : memref<!tpu.dma_semaphore, #tpu.memory_space<semaphore_mem>>) src(%dma_wait3A_220 : memref<128xi32, #tpu.memory_space<hbm>>) dst(%arg13 : memref<128xi32, #tpu.memory_space<vmem>>)
        tpu.yield
      }) : () -> ()
      %dma_start3A = arith.constant 0 : i32
      %dma_start3A_90 = arith.constant 0 : i32
      %dma_start3A_91 = tpu.memref_slice %arg5[%add3A_43, %dma_start3A, %dma_start3A_90] : memref<4x10240x128xf32, #tpu.memory_space<hbm>> -> memref<1x10240x128xf32, #tpu.memory_space<hbm>>
      %dma_start3A_92 = tpu.memref_squeeze %dma_start3A_91 : memref<1x10240x128xf32, #tpu.memory_space<hbm>> -> memref<10240x128xf32, #tpu.memory_space<hbm>>
      %dma_start3A_93 = arith.constant 0 : i32
      %dma_start3A_94 = arith.constant 0 : i32
      %dma_start3A_95 = tpu.memref_slice %dma_start3A_92[%dma_start3A_93, %dma_start3A_94] : memref<10240x128xf32, #tpu.memory_space<hbm>> -> memref<10240x128xf32, #tpu.memory_space<hbm>>
      tpu.enqueue_indirect_dma source(%dma_start3A_95 : memref<10240x128xf32, #tpu.memory_space<hbm>>) target(%arg15 : memref<128x128xf32, #tpu.memory_space<vmem>>) offsets(%arg12 : memref<128xi32, #tpu.memory_space<vmem>>) semaphore(%arg16 : memref<!tpu.dma_semaphore, #tpu.memory_space<semaphore_mem>>)
      %get3A = arith.constant 0 : index
      %get3A_96 = tpu.vector_load %arg12[%get3A] {strides = array<i32>} : memref<128xi32, #tpu.memory_space<vmem>>, vector<16xi32>,
      %get3A_97 = arith.constant 0 : index
      %get3A_98 = tpu.vector_load %arg13[%get3A_97] {strides = array<i32>} : memref<128xi32, #tpu.memory_space<vmem>>, vector<16xi32>,
      %gather3A = tpu.vector_load_idx %arg9[%get3A_96] : memref<10240xf32, #tpu.memory_space<vmem>>[vector<16xi32>], vector<16xf32>,
      %gather3A_99 = tpu.vector_load_idx %arg10[%get3A_98] : memref<10240xf32, #tpu.memory_space<vmem>>[vector<16xi32>], vector<16xf32>,
      %add3A_100 = arith.addf %gather3A, %gather3A_99 : vector<16xf32>
      %mul3A_101 = arith.constant 2.000000e-01 : f32
      %mul3A_102 = vector.broadcast %mul3A_101 : f32 to vector<16xf32>
      %mul3A_103 = arith.mulf %mul3A_102, %add3A_100 : vector<16xf32>
      %max3A = arith.maximumf %add3A_100, %mul3A_103 : vector<16xf32>
      %exp3A = math.exp %max3A : vector<16xf32>
      %swap3A = arith.constant 0 : index
      %swap3A_104 = tpu.vector_load %arg14[%swap3A] {strides = array<i32>} : memref<128xf32, #tpu.memory_space<vmem>>, vector<16xf32>,
      tpu.vector_store %arg14[%swap3A], %exp3A {strides = array<i32>} : memref<128xf32, #tpu.memory_space<vmem>>, vector<16xf32>,
      tpu.vector_store_idx %arg11[%get3A_98], %exp3A {add = true} : memref<10240xf32, #tpu.memory_space<vmem>>[vector<16xi32>], vector<16xf32>,
      %get3A_105 = arith.constant 16 : index
      %get3A_106 = tpu.vector_load %arg12[%get3A_105] {strides = array<i32>} : memref<128xi32, #tpu.memory_space<vmem>>, vector<16xi32>,
      %get3A_107 = arith.constant 16 : index
      %get3A_108 = tpu.vector_load %arg13[%get3A_107] {strides = array<i32>} : memref<128xi32, #tpu.memory_space<vmem>>, vector<16xi32>,
      %gather3A_109 = tpu.vector_load_idx %arg9[%get3A_106] : memref<10240xf32, #tpu.memory_space<vmem>>[vector<16xi32>], vector<16xf32>,
      %gather3A_110 = tpu.vector_load_idx %arg10[%get3A_108] : memref<10240xf32, #tpu.memory_space<vmem>>[vector<16xi32>], vector<16xf32>,
      %add3A_111 = arith.addf %gather3A_109, %gather3A_110 : vector<16xf32>
      %mul3A_112 = arith.constant 2.000000e-01 : f32
      %mul3A_113 = vector.broadcast %mul3A_112 : f32 to vector<16xf32>
      %mul3A_114 = arith.mulf %mul3A_113, %add3A_111 : vector<16xf32>
      %max3A_115 = arith.maximumf %add3A_111, %mul3A_114 : vector<16xf32>
      %exp3A_116 = math.exp %max3A_115 : vector<16xf32>
      %swap3A_117 = arith.constant 16 : index
      %swap3A_118 = tpu.vector_load %arg14[%swap3A_117] {strides = array<i32>} : memref<128xf32, #tpu.memory_space<vmem>>, vector<16xf32>,
      tpu.vector_store %arg14[%swap3A_117], %exp3A_116 {strides = array<i32>} : memref<128xf32, #tpu.memory_space<vmem>>, vector<16xf32>,
      tpu.vector_store_idx %arg11[%get3A_108], %exp3A_116 {add = true} : memref<10240xf32, #tpu.memory_space<vmem>>[vector<16xi32>], vector<16xf32>,
      %get3A_119 = arith.constant 32 : index
      %get3A_120 = tpu.vector_load %arg12[%get3A_119] {strides = array<i32>} : memref<128xi32, #tpu.memory_space<vmem>>, vector<16xi32>,
      %get3A_121 = arith.constant 32 : index
      %get3A_122 = tpu.vector_load %arg13[%get3A_121] {strides = array<i32>} : memref<128xi32, #tpu.memory_space<vmem>>, vector<16xi32>,
      %gather3A_123 = tpu.vector_load_idx %arg9[%get3A_120] : memref<10240xf32, #tpu.memory_space<vmem>>[vector<16xi32>], vector<16xf32>,
      %gather3A_124 = tpu.vector_load_idx %arg10[%get3A_122] : memref<10240xf32, #tpu.memory_space<vmem>>[vector<16xi32>], vector<16xf32>,
      %add3A_125 = arith.addf %gather3A_123, %gather3A_124 : vector<16xf32>
      %mul3A_126 = arith.constant 2.000000e-01 : f32
      %mul3A_127 = vector.broadcast %mul3A_126 : f32 to vector<16xf32>
      %mul3A_128 = arith.mulf %mul3A_127, %add3A_125 : vector<16xf32>
      %max3A_129 = arith.maximumf %add3A_125, %mul3A_128 : vector<16xf32>
      %exp3A_130 = math.exp %max3A_129 : vector<16xf32>
      %swap3A_131 = arith.constant 32 : index
      %swap3A_132 = tpu.vector_load %arg14[%swap3A_131] {strides = array<i32>} : memref<128xf32, #tpu.memory_space<vmem>>, vector<16xf32>,
      tpu.vector_store %arg14[%swap3A_131], %exp3A_130 {strides = array<i32>} : memref<128xf32, #tpu.memory_space<vmem>>, vector<16xf32>,
      tpu.vector_store_idx %arg11[%get3A_122], %exp3A_130 {add = true} : memref<10240xf32, #tpu.memory_space<vmem>>[vector<16xi32>], vector<16xf32>,
      %get3A_133 = arith.constant 48 : index
      %get3A_134 = tpu.vector_load %arg12[%get3A_133] {strides = array<i32>} : memref<128xi32, #tpu.memory_space<vmem>>, vector<16xi32>,
      %get3A_135 = arith.constant 48 : index
      %get3A_136 = tpu.vector_load %arg13[%get3A_135] {strides = array<i32>} : memref<128xi32, #tpu.memory_space<vmem>>, vector<16xi32>,
      %gather3A_137 = tpu.vector_load_idx %arg9[%get3A_134] : memref<10240xf32, #tpu.memory_space<vmem>>[vector<16xi32>], vector<16xf32>,
      %gather3A_138 = tpu.vector_load_idx %arg10[%get3A_136] : memref<10240xf32, #tpu.memory_space<vmem>>[vector<16xi32>], vector<16xf32>,
      %add3A_139 = arith.addf %gather3A_137, %gather3A_138 : vector<16xf32>
      %mul3A_140 = arith.constant 2.000000e-01 : f32
      %mul3A_141 = vector.broadcast %mul3A_140 : f32 to vector<16xf32>
      %mul3A_142 = arith.mulf %mul3A_141, %add3A_139 : vector<16xf32>
      %max3A_143 = arith.maximumf %add3A_139, %mul3A_142 : vector<16xf32>
      %exp3A_144 = math.exp %max3A_143 : vector<16xf32>
      %swap3A_145 = arith.constant 48 : index
      %swap3A_146 = tpu.vector_load %arg14[%swap3A_145] {strides = array<i32>} : memref<128xf32, #tpu.memory_space<vmem>>, vector<16xf32>,
      tpu.vector_store %arg14[%swap3A_145], %exp3A_144 {strides = array<i32>} : memref<128xf32, #tpu.memory_space<vmem>>, vector<16xf32>,
      tpu.vector_store_idx %arg11[%get3A_136], %exp3A_144 {add = true} : memref<10240xf32, #tpu.memory_space<vmem>>[vector<16xi32>], vector<16xf32>,
      %get3A_147 = arith.constant 64 : index
      %get3A_148 = tpu.vector_load %arg12[%get3A_147] {strides = array<i32>} : memref<128xi32, #tpu.memory_space<vmem>>, vector<16xi32>,
      %get3A_149 = arith.constant 64 : index
      %get3A_150 = tpu.vector_load %arg13[%get3A_149] {strides = array<i32>} : memref<128xi32, #tpu.memory_space<vmem>>, vector<16xi32>,
      %gather3A_151 = tpu.vector_load_idx %arg9[%get3A_148] : memref<10240xf32, #tpu.memory_space<vmem>>[vector<16xi32>], vector<16xf32>,
      %gather3A_152 = tpu.vector_load_idx %arg10[%get3A_150] : memref<10240xf32, #tpu.memory_space<vmem>>[vector<16xi32>], vector<16xf32>,
      %add3A_153 = arith.addf %gather3A_151, %gather3A_152 : vector<16xf32>
      %mul3A_154 = arith.constant 2.000000e-01 : f32
      %mul3A_155 = vector.broadcast %mul3A_154 : f32 to vector<16xf32>
      %mul3A_156 = arith.mulf %mul3A_155, %add3A_153 : vector<16xf32>
      %max3A_157 = arith.maximumf %add3A_153, %mul3A_156 : vector<16xf32>
      %exp3A_158 = math.exp %max3A_157 : vector<16xf32>
      %swap3A_159 = arith.constant 64 : index
      %swap3A_160 = tpu.vector_load %arg14[%swap3A_159] {strides = array<i32>} : memref<128xf32, #tpu.memory_space<vmem>>, vector<16xf32>,
      tpu.vector_store %arg14[%swap3A_159], %exp3A_158 {strides = array<i32>} : memref<128xf32, #tpu.memory_space<vmem>>, vector<16xf32>,
      tpu.vector_store_idx %arg11[%get3A_150], %exp3A_158 {add = true} : memref<10240xf32, #tpu.memory_space<vmem>>[vector<16xi32>], vector<16xf32>,
      %get3A_161 = arith.constant 80 : index
      %get3A_162 = tpu.vector_load %arg12[%get3A_161] {strides = array<i32>} : memref<128xi32, #tpu.memory_space<vmem>>, vector<16xi32>,
      %get3A_163 = arith.constant 80 : index
      %get3A_164 = tpu.vector_load %arg13[%get3A_163] {strides = array<i32>} : memref<128xi32, #tpu.memory_space<vmem>>, vector<16xi32>,
      %gather3A_165 = tpu.vector_load_idx %arg9[%get3A_162] : memref<10240xf32, #tpu.memory_space<vmem>>[vector<16xi32>], vector<16xf32>,
      %gather3A_166 = tpu.vector_load_idx %arg10[%get3A_164] : memref<10240xf32, #tpu.memory_space<vmem>>[vector<16xi32>], vector<16xf32>,
      %add3A_167 = arith.addf %gather3A_165, %gather3A_166 : vector<16xf32>
      %mul3A_168 = arith.constant 2.000000e-01 : f32
      %mul3A_169 = vector.broadcast %mul3A_168 : f32 to vector<16xf32>
      %mul3A_170 = arith.mulf %mul3A_169, %add3A_167 : vector<16xf32>
      %max3A_171 = arith.maximumf %add3A_167, %mul3A_170 : vector<16xf32>
      %exp3A_172 = math.exp %max3A_171 : vector<16xf32>
      %swap3A_173 = arith.constant 80 : index
      %swap3A_174 = tpu.vector_load %arg14[%swap3A_173] {strides = array<i32>} : memref<128xf32, #tpu.memory_space<vmem>>, vector<16xf32>,
      tpu.vector_store %arg14[%swap3A_173], %exp3A_172 {strides = array<i32>} : memref<128xf32, #tpu.memory_space<vmem>>, vector<16xf32>,
      tpu.vector_store_idx %arg11[%get3A_164], %exp3A_172 {add = true} : memref<10240xf32, #tpu.memory_space<vmem>>[vector<16xi32>], vector<16xf32>,
      %get3A_175 = arith.constant 96 : index
      %get3A_176 = tpu.vector_load %arg12[%get3A_175] {strides = array<i32>} : memref<128xi32, #tpu.memory_space<vmem>>, vector<16xi32>,
      %get3A_177 = arith.constant 96 : index
      %get3A_178 = tpu.vector_load %arg13[%get3A_177] {strides = array<i32>} : memref<128xi32, #tpu.memory_space<vmem>>, vector<16xi32>,
      %gather3A_179 = tpu.vector_load_idx %arg9[%get3A_176] : memref<10240xf32, #tpu.memory_space<vmem>>[vector<16xi32>], vector<16xf32>,
      %gather3A_180 = tpu.vector_load_idx %arg10[%get3A_178] : memref<10240xf32, #tpu.memory_space<vmem>>[vector<16xi32>], vector<16xf32>,
      %add3A_181 = arith.addf %gather3A_179, %gather3A_180 : vector<16xf32>
      %mul3A_182 = arith.constant 2.000000e-01 : f32
      %mul3A_183 = vector.broadcast %mul3A_182 : f32 to vector<16xf32>
      %mul3A_184 = arith.mulf %mul3A_183, %add3A_181 : vector<16xf32>
      %max3A_185 = arith.maximumf %add3A_181, %mul3A_184 : vector<16xf32>
      %exp3A_186 = math.exp %max3A_185 : vector<16xf32>
      %swap3A_187 = arith.constant 96 : index
      %swap3A_188 = tpu.vector_load %arg14[%swap3A_187] {strides = array<i32>} : memref<128xf32, #tpu.memory_space<vmem>>, vector<16xf32>,
      tpu.vector_store %arg14[%swap3A_187], %exp3A_186 {strides = array<i32>} : memref<128xf32, #tpu.memory_space<vmem>>, vector<16xf32>,
      tpu.vector_store_idx %arg11[%get3A_178], %exp3A_186 {add = true} : memref<10240xf32, #tpu.memory_space<vmem>>[vector<16xi32>], vector<16xf32>,
      %get3A_189 = arith.constant 112 : index
      %get3A_190 = tpu.vector_load %arg12[%get3A_189] {strides = array<i32>} : memref<128xi32, #tpu.memory_space<vmem>>, vector<16xi32>,
      %get3A_191 = arith.constant 112 : index
      %get3A_192 = tpu.vector_load %arg13[%get3A_191] {strides = array<i32>} : memref<128xi32, #tpu.memory_space<vmem>>, vector<16xi32>,
      %gather3A_193 = tpu.vector_load_idx %arg9[%get3A_190] : memref<10240xf32, #tpu.memory_space<vmem>>[vector<16xi32>], vector<16xf32>,
      %gather3A_194 = tpu.vector_load_idx %arg10[%get3A_192] : memref<10240xf32, #tpu.memory_space<vmem>>[vector<16xi32>], vector<16xf32>,
      %add3A_195 = arith.addf %gather3A_193, %gather3A_194 : vector<16xf32>
      %mul3A_196 = arith.constant 2.000000e-01 : f32
      %mul3A_197 = vector.broadcast %mul3A_196 : f32 to vector<16xf32>
      %mul3A_198 = arith.mulf %mul3A_197, %add3A_195 : vector<16xf32>
      %max3A_199 = arith.maximumf %add3A_195, %mul3A_198 : vector<16xf32>
      %exp3A_200 = math.exp %max3A_199 : vector<16xf32>
      %swap3A_201 = arith.constant 112 : index
      %swap3A_202 = tpu.vector_load %arg14[%swap3A_201] {strides = array<i32>} : memref<128xf32, #tpu.memory_space<vmem>>, vector<16xf32>,
      tpu.vector_store %arg14[%swap3A_201], %exp3A_200 {strides = array<i32>} : memref<128xf32, #tpu.memory_space<vmem>>, vector<16xf32>,
      tpu.vector_store_idx %arg11[%get3A_192], %exp3A_200 {add = true} : memref<10240xf32, #tpu.memory_space<vmem>>[vector<16xi32>], vector<16xf32>,
      %dma_wait3A = arith.constant 0 : i32
      %dma_wait3A_203 = arith.constant 0 : i32
      %dma_wait3A_204 = tpu.memref_slice %arg5[%add3A_43, %dma_wait3A, %dma_wait3A_203] : memref<4x10240x128xf32, #tpu.memory_space<hbm>> -> memref<1x10240x128xf32, #tpu.memory_space<hbm>>
      %dma_wait3A_205 = tpu.memref_squeeze %dma_wait3A_204 : memref<1x10240x128xf32, #tpu.memory_space<hbm>> -> memref<10240x128xf32, #tpu.memory_space<hbm>>
      %dma_wait3A_206 = arith.constant 0 : i32
      %dma_wait3A_207 = arith.constant 0 : i32
      %dma_wait3A_208 = tpu.memref_slice %dma_wait3A_205[%dma_wait3A_206, %dma_wait3A_207] : memref<10240x128xf32, #tpu.memory_space<hbm>> -> memref<10240x128xf32, #tpu.memory_space<hbm>>
      tpu.wait_indirect_dma semaphore(%arg16 : memref<!tpu.dma_semaphore, #tpu.memory_space<semaphore_mem>>) src(%dma_wait3A_208 : memref<10240x128xf32, #tpu.memory_space<hbm>>) dst(%arg15 : memref<128x128xf32, #tpu.memory_space<vmem>>)
      %scan3A_209 = arith.constant 0 : i32
      %scan3A_210 = arith.constant 0 : i32
      %scan3A_211 = arith.constant 128 : i32
      %scan3A_212 = arith.addi %scan3A_210, %scan3A_211 : i32
      %scan3A_213 = arith.constant 1 : i32
      %scan3A_214 = scf.for %scan3A_217 = %scan3A_210 to %scan3A_212 step %scan3A_213 iter_args(%scan3A_218 = %scan3A_209) -> (i32)  : i32 {
        %broadcast_in_dim3A_219 = arith.constant 0 : i32
        %broadcast_in_dim3A_220 = vector.broadcast %broadcast_in_dim3A_219 : i32 to vector<16xi32>
        %add3A_221 = vector.broadcast %scan3A_217 : i32 to vector<16xi32>
        %add3A_222 = arith.addi %broadcast_in_dim3A_220, %add3A_221 : vector<16xi32>
        %gather3A_223 = tpu.vector_load_idx %arg14[%add3A_222] : memref<128xf32, #tpu.memory_space<vmem>>[vector<16xi32>], vector<16xf32>,
        %get3A_224 = arith.index_cast %scan3A_217 : i32 to index
        %get3A_225 = arith.constant 0 : index
        %get3A_226 = tpu.vector_load %arg15[%get3A_224, %get3A_225] {strides = array<i32>} : memref<128x128xf32, #tpu.memory_space<vmem>>, vector<16xf32>,
        %mul3A_227 = arith.mulf %get3A_226, %gather3A_223 : vector<16xf32>
        %swap3A_228 = arith.index_cast %scan3A_217 : i32 to index
        %swap3A_229 = arith.constant 0 : index
        %swap3A_230 = tpu.vector_load %arg15[%swap3A_228, %swap3A_229] {strides = array<i32>} : memref<128x128xf32, #tpu.memory_space<vmem>>, vector<16xf32>,
        tpu.vector_store %arg15[%swap3A_228, %swap3A_229], %mul3A_227 {strides = array<i32>} : memref<128x128xf32, #tpu.memory_space<vmem>>, vector<16xf32>,
        %get3A_231 = arith.index_cast %scan3A_217 : i32 to index
        %get3A_232 = arith.constant 16 : index
        %get3A_233 = tpu.vector_load %arg15[%get3A_231, %get3A_232] {strides = array<i32>} : memref<128x128xf32, #tpu.memory_space<vmem>>, vector<16xf32>,
        %mul3A_234 = arith.mulf %get3A_233, %gather3A_223 : vector<16xf32>
        %swap3A_235 = arith.index_cast %scan3A_217 : i32 to index
        %swap3A_236 = arith.constant 16 : index
        %swap3A_237 = tpu.vector_load %arg15[%swap3A_235, %swap3A_236] {strides = array<i32>} : memref<128x128xf32, #tpu.memory_space<vmem>>, vector<16xf32>,
        tpu.vector_store %arg15[%swap3A_235, %swap3A_236], %mul3A_234 {strides = array<i32>} : memref<128x128xf32, #tpu.memory_space<vmem>>, vector<16xf32>,
        %get3A_238 = arith.index_cast %scan3A_217 : i32 to index
        %get3A_239 = arith.constant 32 : index
        %get3A_240 = tpu.vector_load %arg15[%get3A_238, %get3A_239] {strides = array<i32>} : memref<128x128xf32, #tpu.memory_space<vmem>>, vector<16xf32>,
        %mul3A_241 = arith.mulf %get3A_240, %gather3A_223 : vector<16xf32>
        %swap3A_242 = arith.index_cast %scan3A_217 : i32 to index
        %swap3A_243 = arith.constant 32 : index
        %swap3A_244 = tpu.vector_load %arg15[%swap3A_242, %swap3A_243] {strides = array<i32>} : memref<128x128xf32, #tpu.memory_space<vmem>>, vector<16xf32>,
        tpu.vector_store %arg15[%swap3A_242, %swap3A_243], %mul3A_241 {strides = array<i32>} : memref<128x128xf32, #tpu.memory_space<vmem>>, vector<16xf32>,
        %get3A_245 = arith.index_cast %scan3A_217 : i32 to index
        %get3A_246 = arith.constant 48 : index
        %get3A_247 = tpu.vector_load %arg15[%get3A_245, %get3A_246] {strides = array<i32>} : memref<128x128xf32, #tpu.memory_space<vmem>>, vector<16xf32>,
        %mul3A_248 = arith.mulf %get3A_247, %gather3A_223 : vector<16xf32>
        %swap3A_249 = arith.index_cast %scan3A_217 : i32 to index
        %swap3A_250 = arith.constant 48 : index
        %swap3A_251 = tpu.vector_load %arg15[%swap3A_249, %swap3A_250] {strides = array<i32>} : memref<128x128xf32, #tpu.memory_space<vmem>>, vector<16xf32>,
        tpu.vector_store %arg15[%swap3A_249, %swap3A_250], %mul3A_248 {strides = array<i32>} : memref<128x128xf32, #tpu.memory_space<vmem>>, vector<16xf32>,
        %get3A_252 = arith.index_cast %scan3A_217 : i32 to index
        %get3A_253 = arith.constant 64 : index
        %get3A_254 = tpu.vector_load %arg15[%get3A_252, %get3A_253] {strides = array<i32>} : memref<128x128xf32, #tpu.memory_space<vmem>>, vector<16xf32>,
        %mul3A_255 = arith.mulf %get3A_254, %gather3A_223 : vector<16xf32>
        %swap3A_256 = arith.index_cast %scan3A_217 : i32 to index
        %swap3A_257 = arith.constant 64 : index
        %swap3A_258 = tpu.vector_load %arg15[%swap3A_256, %swap3A_257] {strides = array<i32>} : memref<128x128xf32, #tpu.memory_space<vmem>>, vector<16xf32>,
        tpu.vector_store %arg15[%swap3A_256, %swap3A_257], %mul3A_255 {strides = array<i32>} : memref<128x128xf32, #tpu.memory_space<vmem>>, vector<16xf32>,
        %get3A_259 = arith.index_cast %scan3A_217 : i32 to index
        %get3A_260 = arith.constant 80 : index
        %get3A_261 = tpu.vector_load %arg15[%get3A_259, %get3A_260] {strides = array<i32>} : memref<128x128xf32, #tpu.memory_space<vmem>>, vector<16xf32>,
        %mul3A_262 = arith.mulf %get3A_261, %gather3A_223 : vector<16xf32>
        %swap3A_263 = arith.index_cast %scan3A_217 : i32 to index
        %swap3A_264 = arith.constant 80 : index
        %swap3A_265 = tpu.vector_load %arg15[%swap3A_263, %swap3A_264] {strides = array<i32>} : memref<128x128xf32, #tpu.memory_space<vmem>>, vector<16xf32>,
        tpu.vector_store %arg15[%swap3A_263, %swap3A_264], %mul3A_262 {strides = array<i32>} : memref<128x128xf32, #tpu.memory_space<vmem>>, vector<16xf32>,
        %get3A_266 = arith.index_cast %scan3A_217 : i32 to index
        %get3A_267 = arith.constant 96 : index
        %get3A_268 = tpu.vector_load %arg15[%get3A_266, %get3A_267] {strides = array<i32>} : memref<128x128xf32, #tpu.memory_space<vmem>>, vector<16xf32>,
        %mul3A_269 = arith.mulf %get3A_268, %gather3A_223 : vector<16xf32>
        %swap3A_270 = arith.index_cast %scan3A_217 : i32 to index
        %swap3A_271 = arith.constant 96 : index
        %swap3A_272 = tpu.vector_load %arg15[%swap3A_270, %swap3A_271] {strides = array<i32>} : memref<128x128xf32, #tpu.memory_space<vmem>>, vector<16xf32>,
        tpu.vector_store %arg15[%swap3A_270, %swap3A_271], %mul3A_269 {strides = array<i32>} : memref<128x128xf32, #tpu.memory_space<vmem>>, vector<16xf32>,
        %get3A_273 = arith.index_cast %scan3A_217 : i32 to index
        %get3A_274 = arith.constant 112 : index
        %get3A_275 = tpu.vector_load %arg15[%get3A_273, %get3A_274] {strides = array<i32>} : memref<128x128xf32, #tpu.memory_space<vmem>>, vector<16xf32>,
        %mul3A_276 = arith.mulf %get3A_275, %gather3A_223 : vector<16xf32>
        %swap3A_277 = arith.index_cast %scan3A_217 : i32 to index
        %swap3A_278 = arith.constant 112 : index
        %swap3A_279 = tpu.vector_load %arg15[%swap3A_277, %swap3A_278] {strides = array<i32>} : memref<128x128xf32, #tpu.memory_space<vmem>>, vector<16xf32>,
        tpu.vector_store %arg15[%swap3A_277, %swap3A_278], %mul3A_276 {strides = array<i32>} : memref<128x128xf32, #tpu.memory_space<vmem>>, vector<16xf32>,
        %scan3A_280 = arith.constant 0 : i32
        scf.yield %scan3A_280 : i32
      }
      %scan3A_215 = arith.constant 128 : i32
      "tpu.region"() ({
        %run_scoped3A = tpu.sem_alloc : memref<!tpu.dma_semaphore, #tpu.memory_space<semaphore_mem>>
        %dma_start3A_217 = arith.constant 0 : i32
        %dma_start3A_218 = arith.constant 0 : i32
        %dma_start3A_219 = tpu.memref_slice %arg8[%dma_start3A_217, %dma_start3A_218] : memref<10240x128xf32, #tpu.memory_space<vmem_shared>> -> memref<10240x128xf32, #tpu.memory_space<vmem_shared>>
        tpu.enqueue_indirect_dma source(%arg15 : memref<128x128xf32, #tpu.memory_space<vmem>>) target(%dma_start3A_219 : memref<10240x128xf32, #tpu.memory_space<vmem_shared>>) offsets(%arg13 : memref<128xi32, #tpu.memory_space<vmem>>) semaphore(%run_scoped3A : memref<!tpu.dma_semaphore, #tpu.memory_space<semaphore_mem>>) {add = true}
        %dma_wait3A_220 = arith.constant 0 : i32
        %dma_wait3A_221 = arith.constant 0 : i32
        %dma_wait3A_222 = tpu.memref_slice %arg8[%dma_wait3A_220, %dma_wait3A_221] : memref<10240x128xf32, #tpu.memory_space<vmem_shared>> -> memref<10240x128xf32, #tpu.memory_space<vmem_shared>>
        tpu.wait_indirect_dma semaphore(%run_scoped3A : memref<!tpu.dma_semaphore, #tpu.memory_space<semaphore_mem>>) src(%arg15 : memref<128x128xf32, #tpu.memory_space<vmem>>) dst(%dma_wait3A_222 : memref<10240x128xf32, #tpu.memory_space<vmem_shared>>)
        tpu.yield
      }) : () -> ()
      %scan3A_216 = arith.constant 0 : i32
      scf.yield %scan3A_216 : i32
    }
    %scan3A_81 = arith.constant 168 : i32
    %barrier3A_82 = arith.constant 0 : index
    tpu.barrier barrier_id(%barrier3A_82)
    "tpu.region"() ({
      %run_scoped3A = tpu.sem_alloc : memref<!tpu.dma_semaphore, #tpu.memory_space<semaphore_mem>>
      %dma_start3A = arith.constant 0 : i32
      %dma_start3A_83 = tpu.memref_slice %arg6[%add3A_43, %mul3A_0, %dma_start3A] : memref<4x10240x128xf32, #tpu.memory_space<hbm>> -> memref<1x640x128xf32, #tpu.memory_space<hbm>>
      %dma_start3A_84 = tpu.memref_squeeze %dma_start3A_83 : memref<1x640x128xf32, #tpu.memory_space<hbm>> -> memref<640x128xf32, #tpu.memory_space<hbm>>
      %dma_start3A_85 = arith.constant 0 : i32
      %dma_start3A_86 = tpu.memref_slice %arg8[%mul3A_0, %dma_start3A_85] : memref<10240x128xf32, #tpu.memory_space<vmem_shared>> -> memref<640x128xf32, #tpu.memory_space<vmem_shared>>
      tpu.enqueue_dma source(%dma_start3A_86 : memref<640x128xf32, #tpu.memory_space<vmem_shared>>) target(%dma_start3A_84 : memref<640x128xf32, #tpu.memory_space<hbm>>) target_semaphore(%run_scoped3A : memref<!tpu.dma_semaphore, #tpu.memory_space<semaphore_mem>>)
      %dma_wait3A = arith.constant 0 : i32
      %dma_wait3A_87 = tpu.memref_slice %arg6[%add3A_43, %mul3A_0, %dma_wait3A] : memref<4x10240x128xf32, #tpu.memory_space<hbm>> -> memref<1x640x128xf32, #tpu.memory_space<hbm>>
      %dma_wait3A_88 = tpu.memref_squeeze %dma_wait3A_87 : memref<1x640x128xf32, #tpu.memory_space<hbm>> -> memref<640x128xf32, #tpu.memory_space<hbm>>
      %dma_wait3A_89 = arith.constant 0 : i32
      %dma_wait3A_90 = tpu.memref_slice %arg8[%mul3A_0, %dma_wait3A_89] : memref<10240x128xf32, #tpu.memory_space<vmem_shared>> -> memref<640x128xf32, #tpu.memory_space<vmem_shared>>
      tpu.wait_dma2 semaphore(%run_scoped3A : memref<!tpu.dma_semaphore, #tpu.memory_space<semaphore_mem>>) src(%dma_wait3A_90 : memref<640x128xf32, #tpu.memory_space<vmem_shared>>) dst(%dma_wait3A_88 : memref<640x128xf32, #tpu.memory_space<hbm>>)
      tpu.yield
    }) : () -> ()
    "tpu.region"() ({
      %run_scoped3A = tpu.sem_alloc : memref<!tpu.dma_semaphore, #tpu.memory_space<semaphore_mem>>
      %dma_start3A = arith.constant 0 : i32
      %dma_start3A_83 = tpu.memref_slice %arg7[%add3A_43, %arg1, %dma_start3A] : memref<4x16x10240xf32, #tpu.memory_space<hbm>> -> memref<1x1x10240xf32, #tpu.memory_space<hbm>>
      %dma_start3A_84 = tpu.memref_squeeze %dma_start3A_83 : memref<1x1x10240xf32, #tpu.memory_space<hbm>> -> memref<10240xf32, #tpu.memory_space<hbm>>
      %dma_start3A_85 = arith.constant 0 : i32
      %dma_start3A_86 = tpu.memref_slice %arg7[%add3A_43, %arg1, %dma_start3A_85] : memref<4x16x10240xf32, #tpu.memory_space<hbm>> -> memref<1x1x10240xf32, #tpu.memory_space<hbm>>
      %dma_start3A_87 = tpu.memref_squeeze %dma_start3A_86 : memref<1x1x10240xf32, #tpu.memory_space<hbm>> -> memref<10240xf32, #tpu.memory_space<hbm>>
      tpu.enqueue_dma source(%arg11 : memref<10240xf32, #tpu.memory_space<vmem>>) target(%dma_start3A_87 : memref<10240xf32, #tpu.memory_space<hbm>>) target_semaphore(%run_scoped3A : memref<!tpu.dma_semaphore, #tpu.memory_space<semaphore_mem>>)
      %dma_wait3A = arith.constant 0 : i32
      %dma_wait3A_88 = tpu.memref_slice %arg7[%add3A_43, %arg1, %dma_wait3A] : memref<4x16x10240xf32, #tpu.memory_space<hbm>> -> memref<1x1x10240xf32, #tpu.memory_space<hbm>>
      %dma_wait3A_89 = tpu.memref_squeeze %dma_wait3A_88 : memref<1x1x10240xf32, #tpu.memory_space<hbm>> -> memref<10240xf32, #tpu.memory_space<hbm>>
      %dma_wait3A_90 = arith.constant 0 : i32
      %dma_wait3A_91 = tpu.memref_slice %arg7[%add3A_43, %arg1, %dma_wait3A_90] : memref<4x16x10240xf32, #tpu.memory_space<hbm>> -> memref<1x1x10240xf32, #tpu.memory_space<hbm>>
      %dma_wait3A_92 = tpu.memref_squeeze %dma_wait3A_91 : memref<1x1x10240xf32, #tpu.memory_space<hbm>> -> memref<10240xf32, #tpu.memory_space<hbm>>
      tpu.wait_dma2 semaphore(%run_scoped3A : memref<!tpu.dma_semaphore, #tpu.memory_space<semaphore_mem>>) src(%arg11 : memref<10240xf32, #tpu.memory_space<vmem>>) dst(%dma_wait3A_92 : memref<10240xf32, #tpu.memory_space<hbm>>)
      tpu.yield
    }) : () -> ()
    return
  }
}

#map = affine_map<(d0, d1) -> (0)>
#map1 = affine_map<(d0, d1) -> (0, 0)>
#map2 = affine_map<(d0, d1) -> (0, 0, 0)>
module attributes {stable_mosaic.version = 14 : i64} {
  func.func @kern(%arg0: i32, %arg1: i32, %arg2: memref<344064xi32, #tpu.memory_space<hbm>>, %arg3: memref<344064xi32, #tpu.memory_space<hbm>>, %arg4: memref<2x10240xf32, #tpu.memory_space<hbm>>, %arg5: memref<10240x128xf32, #tpu.memory_space<hbm>>, %arg6: memref<2x10240x128xf32, #tpu.memory_space<hbm>>, %arg7: memref<2x16x10240xf32, #tpu.memory_space<hbm>>, %arg8: memref<10240x128xf32, #tpu.memory_space<vmem_shared>>, %arg9: memref<10240xf32, #tpu.memory_space<vmem>>, %arg10: memref<10240xf32, #tpu.memory_space<vmem>>, %arg11: memref<10240xf32, #tpu.memory_space<vmem>>, %arg12: memref<128xi32, #tpu.memory_space<vmem>>, %arg13: memref<128xi32, #tpu.memory_space<vmem>>, %arg14: memref<128xf32, #tpu.memory_space<vmem>>, %arg15: memref<128x128xf32, #tpu.memory_space<vmem>>, %arg16: memref<!tpu.dma_semaphore, #tpu.memory_space<semaphore_mem>>) attributes {dimension_semantics = [#tpu.dimension_semantics<core_parallel>, #tpu.dimension_semantics<subcore_parallel>], iteration_bounds = array<i64: 2, 16>, scalar_prefetch = 0 : i64, scratch_operands = 9 : i64, tpu.core_type = #tpu.core_type<sc_vector_subcore>, window_params = [{transform_indices = #map}, {transform_indices = #map}, {transform_indices = #map1}, {transform_indices = #map1}, {transform_indices = #map2}, {transform_indices = #map2}]} {
    %mul3A = arith.constant 640 : i32
    %mul3A_0 = arith.muli %arg1, %mul3A : i32
    %broadcast_in_dim3A = arith.constant 0.000000e+00 : f32
    %broadcast_in_dim3A_1 = vector.broadcast %broadcast_in_dim3A : f32 to vector<16xf32>
    %scan3A = arith.constant 0 : i32
    %scan3A_2 = arith.constant 0 : i32
    %scan3A_3 = arith.constant 128 : i32
    %scan3A_4 = arith.addi %scan3A_2, %scan3A_3 : i32
    %scan3A_5 = arith.constant 1 : i32
    %scan3A_6 = scf.for %scan3A_35 = %scan3A_2 to %scan3A_4 step %scan3A_5 iter_args(%scan3A_36 = %scan3A) -> (i32)  : i32 {
      %swap3A = arith.index_cast %scan3A_35 : i32 to index
      %swap3A_37 = arith.constant 0 : index
      %swap3A_38 = tpu.vector_load %arg15[%swap3A, %swap3A_37] {strides = array<i32>} : memref<128x128xf32, #tpu.memory_space<vmem>>, vector<16xf32>,
      tpu.vector_store %arg15[%swap3A, %swap3A_37], %broadcast_in_dim3A_1 {strides = array<i32>} : memref<128x128xf32, #tpu.memory_space<vmem>>, vector<16xf32>,
      %swap3A_39 = arith.index_cast %scan3A_35 : i32 to index
      %swap3A_40 = arith.constant 16 : index
      %swap3A_41 = tpu.vector_load %arg15[%swap3A_39, %swap3A_40] {strides = array<i32>} : memref<128x128xf32, #tpu.memory_space<vmem>>, vector<16xf32>,
      tpu.vector_store %arg15[%swap3A_39, %swap3A_40], %broadcast_in_dim3A_1 {strides = array<i32>} : memref<128x128xf32, #tpu.memory_space<vmem>>, vector<16xf32>,
      %swap3A_42 = arith.index_cast %scan3A_35 : i32 to index
      %swap3A_43 = arith.constant 32 : index
      %swap3A_44 = tpu.vector_load %arg15[%swap3A_42, %swap3A_43] {strides = array<i32>} : memref<128x128xf32, #tpu.memory_space<vmem>>, vector<16xf32>,
      tpu.vector_store %arg15[%swap3A_42, %swap3A_43], %broadcast_in_dim3A_1 {strides = array<i32>} : memref<128x128xf32, #tpu.memory_space<vmem>>, vector<16xf32>,
      %swap3A_45 = arith.index_cast %scan3A_35 : i32 to index
      %swap3A_46 = arith.constant 48 : index
      %swap3A_47 = tpu.vector_load %arg15[%swap3A_45, %swap3A_46] {strides = array<i32>} : memref<128x128xf32, #tpu.memory_space<vmem>>, vector<16xf32>,
      tpu.vector_store %arg15[%swap3A_45, %swap3A_46], %broadcast_in_dim3A_1 {strides = array<i32>} : memref<128x128xf32, #tpu.memory_space<vmem>>, vector<16xf32>,
      %swap3A_48 = arith.index_cast %scan3A_35 : i32 to index
      %swap3A_49 = arith.constant 64 : index
      %swap3A_50 = tpu.vector_load %arg15[%swap3A_48, %swap3A_49] {strides = array<i32>} : memref<128x128xf32, #tpu.memory_space<vmem>>, vector<16xf32>,
      tpu.vector_store %arg15[%swap3A_48, %swap3A_49], %broadcast_in_dim3A_1 {strides = array<i32>} : memref<128x128xf32, #tpu.memory_space<vmem>>, vector<16xf32>,
      %swap3A_51 = arith.index_cast %scan3A_35 : i32 to index
      %swap3A_52 = arith.constant 80 : index
      %swap3A_53 = tpu.vector_load %arg15[%swap3A_51, %swap3A_52] {strides = array<i32>} : memref<128x128xf32, #tpu.memory_space<vmem>>, vector<16xf32>,
      tpu.vector_store %arg15[%swap3A_51, %swap3A_52], %broadcast_in_dim3A_1 {strides = array<i32>} : memref<128x128xf32, #tpu.memory_space<vmem>>, vector<16xf32>,
      %swap3A_54 = arith.index_cast %scan3A_35 : i32 to index
      %swap3A_55 = arith.constant 96 : index
      %swap3A_56 = tpu.vector_load %arg15[%swap3A_54, %swap3A_55] {strides = array<i32>} : memref<128x128xf32, #tpu.memory_space<vmem>>, vector<16xf32>,
      tpu.vector_store %arg15[%swap3A_54, %swap3A_55], %broadcast_in_dim3A_1 {strides = array<i32>} : memref<128x128xf32, #tpu.memory_space<vmem>>, vector<16xf32>,
      %swap3A_57 = arith.index_cast %scan3A_35 : i32 to index
      %swap3A_58 = arith.constant 112 : index
      %swap3A_59 = tpu.vector_load %arg15[%swap3A_57, %swap3A_58] {strides = array<i32>} : memref<128x128xf32, #tpu.memory_space<vmem>>, vector<16xf32>,
      tpu.vector_store %arg15[%swap3A_57, %swap3A_58], %broadcast_in_dim3A_1 {strides = array<i32>} : memref<128x128xf32, #tpu.memory_space<vmem>>, vector<16xf32>,
      %scan3A_60 = arith.constant 0 : i32
      scf.yield %scan3A_60 : i32
    }
    %scan3A_7 = arith.constant 128 : i32
    %add3A = arith.constant 0 : i32
    %add3A_8 = arith.addi %mul3A_0, %add3A : i32
    "tpu.region"() ({
      %run_scoped3A_35 = tpu.sem_alloc : memref<!tpu.dma_semaphore, #tpu.memory_space<semaphore_mem>>
      %dma_start3A = arith.constant 0 : i32
      %dma_start3A_36 = tpu.memref_slice %arg8[%add3A_8, %dma_start3A] : memref<10240x128xf32, #tpu.memory_space<vmem_shared>> -> memref<128x128xf32, #tpu.memory_space<vmem_shared>>
      %dma_start3A_37 = arith.constant 0 : i32
      %dma_start3A_38 = tpu.memref_slice %arg8[%add3A_8, %dma_start3A_37] : memref<10240x128xf32, #tpu.memory_space<vmem_shared>> -> memref<128x128xf32, #tpu.memory_space<vmem_shared>>
      tpu.enqueue_dma source(%arg15 : memref<128x128xf32, #tpu.memory_space<vmem>>) target(%dma_start3A_38 : memref<128x128xf32, #tpu.memory_space<vmem_shared>>) target_semaphore(%run_scoped3A_35 : memref<!tpu.dma_semaphore, #tpu.memory_space<semaphore_mem>>)
      %dma_wait3A = arith.constant 0 : i32
      %dma_wait3A_39 = tpu.memref_slice %arg8[%add3A_8, %dma_wait3A] : memref<10240x128xf32, #tpu.memory_space<vmem_shared>> -> memref<128x128xf32, #tpu.memory_space<vmem_shared>>
      %dma_wait3A_40 = arith.constant 0 : i32
      %dma_wait3A_41 = tpu.memref_slice %arg8[%add3A_8, %dma_wait3A_40] : memref<10240x128xf32, #tpu.memory_space<vmem_shared>> -> memref<128x128xf32, #tpu.memory_space<vmem_shared>>
      tpu.wait_dma2 semaphore(%run_scoped3A_35 : memref<!tpu.dma_semaphore, #tpu.memory_space<semaphore_mem>>) src(%arg15 : memref<128x128xf32, #tpu.memory_space<vmem>>) dst(%dma_wait3A_41 : memref<128x128xf32, #tpu.memory_space<vmem_shared>>)
      tpu.yield
    }) : () -> ()
    %add3A_9 = arith.constant 128 : i32
    %add3A_10 = arith.addi %mul3A_0, %add3A_9 : i32
    "tpu.region"() ({
      %run_scoped3A_35 = tpu.sem_alloc : memref<!tpu.dma_semaphore, #tpu.memory_space<semaphore_mem>>
      %dma_start3A = arith.constant 0 : i32
      %dma_start3A_36 = tpu.memref_slice %arg8[%add3A_10, %dma_start3A] : memref<10240x128xf32, #tpu.memory_space<vmem_shared>> -> memref<128x128xf32, #tpu.memory_space<vmem_shared>>
      %dma_start3A_37 = arith.constant 0 : i32
      %dma_start3A_38 = tpu.memref_slice %arg8[%add3A_10, %dma_start3A_37] : memref<10240x128xf32, #tpu.memory_space<vmem_shared>> -> memref<128x128xf32, #tpu.memory_space<vmem_shared>>
      tpu.enqueue_dma source(%arg15 : memref<128x128xf32, #tpu.memory_space<vmem>>) target(%dma_start3A_38 : memref<128x128xf32, #tpu.memory_space<vmem_shared>>) target_semaphore(%run_scoped3A_35 : memref<!tpu.dma_semaphore, #tpu.memory_space<semaphore_mem>>)
      %dma_wait3A = arith.constant 0 : i32
      %dma_wait3A_39 = tpu.memref_slice %arg8[%add3A_10, %dma_wait3A] : memref<10240x128xf32, #tpu.memory_space<vmem_shared>> -> memref<128x128xf32, #tpu.memory_space<vmem_shared>>
      %dma_wait3A_40 = arith.constant 0 : i32
      %dma_wait3A_41 = tpu.memref_slice %arg8[%add3A_10, %dma_wait3A_40] : memref<10240x128xf32, #tpu.memory_space<vmem_shared>> -> memref<128x128xf32, #tpu.memory_space<vmem_shared>>
      tpu.wait_dma2 semaphore(%run_scoped3A_35 : memref<!tpu.dma_semaphore, #tpu.memory_space<semaphore_mem>>) src(%arg15 : memref<128x128xf32, #tpu.memory_space<vmem>>) dst(%dma_wait3A_41 : memref<128x128xf32, #tpu.memory_space<vmem_shared>>)
      tpu.yield
    }) : () -> ()
    %add3A_11 = arith.constant 256 : i32
    %add3A_12 = arith.addi %mul3A_0, %add3A_11 : i32
    "tpu.region"() ({
      %run_scoped3A_35 = tpu.sem_alloc : memref<!tpu.dma_semaphore, #tpu.memory_space<semaphore_mem>>
      %dma_start3A = arith.constant 0 : i32
      %dma_start3A_36 = tpu.memref_slice %arg8[%add3A_12, %dma_start3A] : memref<10240x128xf32, #tpu.memory_space<vmem_shared>> -> memref<128x128xf32, #tpu.memory_space<vmem_shared>>
      %dma_start3A_37 = arith.constant 0 : i32
      %dma_start3A_38 = tpu.memref_slice %arg8[%add3A_12, %dma_start3A_37] : memref<10240x128xf32, #tpu.memory_space<vmem_shared>> -> memref<128x128xf32, #tpu.memory_space<vmem_shared>>
      tpu.enqueue_dma source(%arg15 : memref<128x128xf32, #tpu.memory_space<vmem>>) target(%dma_start3A_38 : memref<128x128xf32, #tpu.memory_space<vmem_shared>>) target_semaphore(%run_scoped3A_35 : memref<!tpu.dma_semaphore, #tpu.memory_space<semaphore_mem>>)
      %dma_wait3A = arith.constant 0 : i32
      %dma_wait3A_39 = tpu.memref_slice %arg8[%add3A_12, %dma_wait3A] : memref<10240x128xf32, #tpu.memory_space<vmem_shared>> -> memref<128x128xf32, #tpu.memory_space<vmem_shared>>
      %dma_wait3A_40 = arith.constant 0 : i32
      %dma_wait3A_41 = tpu.memref_slice %arg8[%add3A_12, %dma_wait3A_40] : memref<10240x128xf32, #tpu.memory_space<vmem_shared>> -> memref<128x128xf32, #tpu.memory_space<vmem_shared>>
      tpu.wait_dma2 semaphore(%run_scoped3A_35 : memref<!tpu.dma_semaphore, #tpu.memory_space<semaphore_mem>>) src(%arg15 : memref<128x128xf32, #tpu.memory_space<vmem>>) dst(%dma_wait3A_41 : memref<128x128xf32, #tpu.memory_space<vmem_shared>>)
      tpu.yield
    }) : () -> ()
    %add3A_13 = arith.constant 384 : i32
    %add3A_14 = arith.addi %mul3A_0, %add3A_13 : i32
    "tpu.region"() ({
      %run_scoped3A_35 = tpu.sem_alloc : memref<!tpu.dma_semaphore, #tpu.memory_space<semaphore_mem>>
      %dma_start3A = arith.constant 0 : i32
      %dma_start3A_36 = tpu.memref_slice %arg8[%add3A_14, %dma_start3A] : memref<10240x128xf32, #tpu.memory_space<vmem_shared>> -> memref<128x128xf32, #tpu.memory_space<vmem_shared>>
      %dma_start3A_37 = arith.constant 0 : i32
      %dma_start3A_38 = tpu.memref_slice %arg8[%add3A_14, %dma_start3A_37] : memref<10240x128xf32, #tpu.memory_space<vmem_shared>> -> memref<128x128xf32, #tpu.memory_space<vmem_shared>>
      tpu.enqueue_dma source(%arg15 : memref<128x128xf32, #tpu.memory_space<vmem>>) target(%dma_start3A_38 : memref<128x128xf32, #tpu.memory_space<vmem_shared>>) target_semaphore(%run_scoped3A_35 : memref<!tpu.dma_semaphore, #tpu.memory_space<semaphore_mem>>)
      %dma_wait3A = arith.constant 0 : i32
      %dma_wait3A_39 = tpu.memref_slice %arg8[%add3A_14, %dma_wait3A] : memref<10240x128xf32, #tpu.memory_space<vmem_shared>> -> memref<128x128xf32, #tpu.memory_space<vmem_shared>>
      %dma_wait3A_40 = arith.constant 0 : i32
      %dma_wait3A_41 = tpu.memref_slice %arg8[%add3A_14, %dma_wait3A_40] : memref<10240x128xf32, #tpu.memory_space<vmem_shared>> -> memref<128x128xf32, #tpu.memory_space<vmem_shared>>
      tpu.wait_dma2 semaphore(%run_scoped3A_35 : memref<!tpu.dma_semaphore, #tpu.memory_space<semaphore_mem>>) src(%arg15 : memref<128x128xf32, #tpu.memory_space<vmem>>) dst(%dma_wait3A_41 : memref<128x128xf32, #tpu.memory_space<vmem_shared>>)
      tpu.yield
    }) : () -> ()
    %add3A_15 = arith.constant 512 : i32
    %add3A_16 = arith.addi %mul3A_0, %add3A_15 : i32
    "tpu.region"() ({
      %run_scoped3A_35 = tpu.sem_alloc : memref<!tpu.dma_semaphore, #tpu.memory_space<semaphore_mem>>
      %dma_start3A = arith.constant 0 : i32
      %dma_start3A_36 = tpu.memref_slice %arg8[%add3A_16, %dma_start3A] : memref<10240x128xf32, #tpu.memory_space<vmem_shared>> -> memref<128x128xf32, #tpu.memory_space<vmem_shared>>
      %dma_start3A_37 = arith.constant 0 : i32
      %dma_start3A_38 = tpu.memref_slice %arg8[%add3A_16, %dma_start3A_37] : memref<10240x128xf32, #tpu.memory_space<vmem_shared>> -> memref<128x128xf32, #tpu.memory_space<vmem_shared>>
      tpu.enqueue_dma source(%arg15 : memref<128x128xf32, #tpu.memory_space<vmem>>) target(%dma_start3A_38 : memref<128x128xf32, #tpu.memory_space<vmem_shared>>) target_semaphore(%run_scoped3A_35 : memref<!tpu.dma_semaphore, #tpu.memory_space<semaphore_mem>>)
      %dma_wait3A = arith.constant 0 : i32
      %dma_wait3A_39 = tpu.memref_slice %arg8[%add3A_16, %dma_wait3A] : memref<10240x128xf32, #tpu.memory_space<vmem_shared>> -> memref<128x128xf32, #tpu.memory_space<vmem_shared>>
      %dma_wait3A_40 = arith.constant 0 : i32
      %dma_wait3A_41 = tpu.memref_slice %arg8[%add3A_16, %dma_wait3A_40] : memref<10240x128xf32, #tpu.memory_space<vmem_shared>> -> memref<128x128xf32, #tpu.memory_space<vmem_shared>>
      tpu.wait_dma2 semaphore(%run_scoped3A_35 : memref<!tpu.dma_semaphore, #tpu.memory_space<semaphore_mem>>) src(%arg15 : memref<128x128xf32, #tpu.memory_space<vmem>>) dst(%dma_wait3A_41 : memref<128x128xf32, #tpu.memory_space<vmem_shared>>)
      tpu.yield
    }) : () -> ()
    %broadcast_in_dim3A_17 = arith.constant 0.000000e+00 : f32
    %broadcast_in_dim3A_18 = vector.broadcast %broadcast_in_dim3A_17 : f32 to vector<16xf32>
    %scan3A_19 = arith.constant 0 : i32
    %scan3A_20 = arith.constant 0 : i32
    %scan3A_21 = arith.constant 640 : i32
    %scan3A_22 = arith.addi %scan3A_20, %scan3A_21 : i32
    %scan3A_23 = arith.constant 1 : i32
    %scan3A_24 = scf.for %scan3A_35 = %scan3A_20 to %scan3A_22 step %scan3A_23 iter_args(%scan3A_36 = %scan3A_19) -> (i32)  : i32 {
      %mul3A_37 = arith.constant 16 : i32
      %mul3A_38 = arith.muli %scan3A_35, %mul3A_37 : i32
      %swap3A = arith.index_cast %mul3A_38 : i32 to index
      %swap3A_39 = tpu.vector_load %arg11[%swap3A] {strides = array<i32>} : memref<10240xf32, #tpu.memory_space<vmem>>, vector<16xf32>,
      tpu.vector_store %arg11[%swap3A], %broadcast_in_dim3A_18 {strides = array<i32>} : memref<10240xf32, #tpu.memory_space<vmem>>, vector<16xf32>,
      %scan3A_40 = arith.constant 0 : i32
      scf.yield %scan3A_40 : i32
    }
    %scan3A_25 = arith.constant 640 : i32
    %run_scoped3A = arith.constant 0 : i32
    "tpu.region"() ({
      %run_scoped3A_35 = tpu.sem_alloc : memref<!tpu.dma_semaphore, #tpu.memory_space<semaphore_mem>>
      %dma_start3A = arith.constant 0 : i32
      %dma_start3A_36 = tpu.memref_slice %arg4[%run_scoped3A, %dma_start3A] : memref<2x10240xf32, #tpu.memory_space<hbm>> -> memref<1x10240xf32, #tpu.memory_space<hbm>>
      %dma_start3A_37 = tpu.memref_squeeze %dma_start3A_36 : memref<1x10240xf32, #tpu.memory_space<hbm>> -> memref<10240xf32, #tpu.memory_space<hbm>>
      %dma_start3A_38 = arith.constant 0 : i32
      %dma_start3A_39 = tpu.memref_slice %arg4[%run_scoped3A, %dma_start3A_38] : memref<2x10240xf32, #tpu.memory_space<hbm>> -> memref<1x10240xf32, #tpu.memory_space<hbm>>
      %dma_start3A_40 = tpu.memref_squeeze %dma_start3A_39 : memref<1x10240xf32, #tpu.memory_space<hbm>> -> memref<10240xf32, #tpu.memory_space<hbm>>
      tpu.enqueue_dma source(%dma_start3A_40 : memref<10240xf32, #tpu.memory_space<hbm>>) target(%arg9 : memref<10240xf32, #tpu.memory_space<vmem>>) target_semaphore(%run_scoped3A_35 : memref<!tpu.dma_semaphore, #tpu.memory_space<semaphore_mem>>)
      %dma_wait3A = arith.constant 0 : i32
      %dma_wait3A_41 = tpu.memref_slice %arg4[%run_scoped3A, %dma_wait3A] : memref<2x10240xf32, #tpu.memory_space<hbm>> -> memref<1x10240xf32, #tpu.memory_space<hbm>>
      %dma_wait3A_42 = tpu.memref_squeeze %dma_wait3A_41 : memref<1x10240xf32, #tpu.memory_space<hbm>> -> memref<10240xf32, #tpu.memory_space<hbm>>
      %dma_wait3A_43 = arith.constant 0 : i32
      %dma_wait3A_44 = tpu.memref_slice %arg4[%run_scoped3A, %dma_wait3A_43] : memref<2x10240xf32, #tpu.memory_space<hbm>> -> memref<1x10240xf32, #tpu.memory_space<hbm>>
      %dma_wait3A_45 = tpu.memref_squeeze %dma_wait3A_44 : memref<1x10240xf32, #tpu.memory_space<hbm>> -> memref<10240xf32, #tpu.memory_space<hbm>>
      tpu.wait_dma2 semaphore(%run_scoped3A_35 : memref<!tpu.dma_semaphore, #tpu.memory_space<semaphore_mem>>) src(%dma_wait3A_45 : memref<10240xf32, #tpu.memory_space<hbm>>) dst(%arg9 : memref<10240xf32, #tpu.memory_space<vmem>>)
      tpu.yield
    }) : () -> ()
    %run_scoped3A_26 = arith.constant 1 : i32
    "tpu.region"() ({
      %run_scoped3A_35 = tpu.sem_alloc : memref<!tpu.dma_semaphore, #tpu.memory_space<semaphore_mem>>
      %dma_start3A = arith.constant 0 : i32
      %dma_start3A_36 = tpu.memref_slice %arg4[%run_scoped3A_26, %dma_start3A] : memref<2x10240xf32, #tpu.memory_space<hbm>> -> memref<1x10240xf32, #tpu.memory_space<hbm>>
      %dma_start3A_37 = tpu.memref_squeeze %dma_start3A_36 : memref<1x10240xf32, #tpu.memory_space<hbm>> -> memref<10240xf32, #tpu.memory_space<hbm>>
      %dma_start3A_38 = arith.constant 0 : i32
      %dma_start3A_39 = tpu.memref_slice %arg4[%run_scoped3A_26, %dma_start3A_38] : memref<2x10240xf32, #tpu.memory_space<hbm>> -> memref<1x10240xf32, #tpu.memory_space<hbm>>
      %dma_start3A_40 = tpu.memref_squeeze %dma_start3A_39 : memref<1x10240xf32, #tpu.memory_space<hbm>> -> memref<10240xf32, #tpu.memory_space<hbm>>
      tpu.enqueue_dma source(%dma_start3A_40 : memref<10240xf32, #tpu.memory_space<hbm>>) target(%arg10 : memref<10240xf32, #tpu.memory_space<vmem>>) target_semaphore(%run_scoped3A_35 : memref<!tpu.dma_semaphore, #tpu.memory_space<semaphore_mem>>)
      %dma_wait3A = arith.constant 0 : i32
      %dma_wait3A_41 = tpu.memref_slice %arg4[%run_scoped3A_26, %dma_wait3A] : memref<2x10240xf32, #tpu.memory_space<hbm>> -> memref<1x10240xf32, #tpu.memory_space<hbm>>
      %dma_wait3A_42 = tpu.memref_squeeze %dma_wait3A_41 : memref<1x10240xf32, #tpu.memory_space<hbm>> -> memref<10240xf32, #tpu.memory_space<hbm>>
      %dma_wait3A_43 = arith.constant 0 : i32
      %dma_wait3A_44 = tpu.memref_slice %arg4[%run_scoped3A_26, %dma_wait3A_43] : memref<2x10240xf32, #tpu.memory_space<hbm>> -> memref<1x10240xf32, #tpu.memory_space<hbm>>
      %dma_wait3A_45 = tpu.memref_squeeze %dma_wait3A_44 : memref<1x10240xf32, #tpu.memory_space<hbm>> -> memref<10240xf32, #tpu.memory_space<hbm>>
      tpu.wait_dma2 semaphore(%run_scoped3A_35 : memref<!tpu.dma_semaphore, #tpu.memory_space<semaphore_mem>>) src(%dma_wait3A_45 : memref<10240xf32, #tpu.memory_space<hbm>>) dst(%arg10 : memref<10240xf32, #tpu.memory_space<vmem>>)
      tpu.yield
    }) : () -> ()
    %barrier3A = arith.constant 0 : index
    tpu.barrier barrier_id(%barrier3A)
    %scan3A_27 = arith.constant 0 : i32
    %scan3A_28 = arith.constant 0 : i32
    %scan3A_29 = arith.constant 84 : i32
    %scan3A_30 = arith.addi %scan3A_28, %scan3A_29 : i32
    %scan3A_31 = arith.constant 1 : i32
    %scan3A_32 = scf.for %scan3A_35 = %scan3A_28 to %scan3A_30 step %scan3A_31 iter_args(%scan3A_36 = %scan3A_27) -> (i32)  : i32 {
      %mul3A_37 = arith.constant 16 : i32
      %mul3A_38 = arith.muli %arg0, %mul3A_37 : i32
      %add3A_39 = arith.addi %mul3A_38, %arg1 : i32
      %mul3A_40 = arith.constant 10752 : i32
      %mul3A_41 = arith.muli %add3A_39, %mul3A_40 : i32
      %mul3A_42 = arith.constant 128 : i32
      %mul3A_43 = arith.muli %scan3A_35, %mul3A_42 : i32
      %add3A_44 = arith.addi %mul3A_41, %mul3A_43 : i32
      "tpu.region"() ({
        %run_scoped3A_164 = tpu.sem_alloc : memref<!tpu.dma_semaphore, #tpu.memory_space<semaphore_mem>>
        %dma_start3A_165 = tpu.memref_slice %arg2[%add3A_44] : memref<344064xi32, #tpu.memory_space<hbm>> -> memref<128xi32, #tpu.memory_space<hbm>>
        %dma_start3A_166 = tpu.memref_slice %arg2[%add3A_44] : memref<344064xi32, #tpu.memory_space<hbm>> -> memref<128xi32, #tpu.memory_space<hbm>>
        tpu.enqueue_dma source(%dma_start3A_166 : memref<128xi32, #tpu.memory_space<hbm>>) target(%arg12 : memref<128xi32, #tpu.memory_space<vmem>>) target_semaphore(%run_scoped3A_164 : memref<!tpu.dma_semaphore, #tpu.memory_space<semaphore_mem>>)
        %dma_wait3A_167 = tpu.memref_slice %arg2[%add3A_44] : memref<344064xi32, #tpu.memory_space<hbm>> -> memref<128xi32, #tpu.memory_space<hbm>>
        %dma_wait3A_168 = tpu.memref_slice %arg2[%add3A_44] : memref<344064xi32, #tpu.memory_space<hbm>> -> memref<128xi32, #tpu.memory_space<hbm>>
        tpu.wait_dma2 semaphore(%run_scoped3A_164 : memref<!tpu.dma_semaphore, #tpu.memory_space<semaphore_mem>>) src(%dma_wait3A_168 : memref<128xi32, #tpu.memory_space<hbm>>) dst(%arg12 : memref<128xi32, #tpu.memory_space<vmem>>)
        tpu.yield
      }) : () -> ()
      "tpu.region"() ({
        %run_scoped3A_164 = tpu.sem_alloc : memref<!tpu.dma_semaphore, #tpu.memory_space<semaphore_mem>>
        %dma_start3A_165 = tpu.memref_slice %arg3[%add3A_44] : memref<344064xi32, #tpu.memory_space<hbm>> -> memref<128xi32, #tpu.memory_space<hbm>>
        %dma_start3A_166 = tpu.memref_slice %arg3[%add3A_44] : memref<344064xi32, #tpu.memory_space<hbm>> -> memref<128xi32, #tpu.memory_space<hbm>>
        tpu.enqueue_dma source(%dma_start3A_166 : memref<128xi32, #tpu.memory_space<hbm>>) target(%arg13 : memref<128xi32, #tpu.memory_space<vmem>>) target_semaphore(%run_scoped3A_164 : memref<!tpu.dma_semaphore, #tpu.memory_space<semaphore_mem>>)
        %dma_wait3A_167 = tpu.memref_slice %arg3[%add3A_44] : memref<344064xi32, #tpu.memory_space<hbm>> -> memref<128xi32, #tpu.memory_space<hbm>>
        %dma_wait3A_168 = tpu.memref_slice %arg3[%add3A_44] : memref<344064xi32, #tpu.memory_space<hbm>> -> memref<128xi32, #tpu.memory_space<hbm>>
        tpu.wait_dma2 semaphore(%run_scoped3A_164 : memref<!tpu.dma_semaphore, #tpu.memory_space<semaphore_mem>>) src(%dma_wait3A_168 : memref<128xi32, #tpu.memory_space<hbm>>) dst(%arg13 : memref<128xi32, #tpu.memory_space<vmem>>)
        tpu.yield
      }) : () -> ()
      %dma_start3A = arith.constant 0 : i32
      %dma_start3A_45 = arith.constant 0 : i32
      %dma_start3A_46 = tpu.memref_slice %arg5[%dma_start3A, %dma_start3A_45] : memref<10240x128xf32, #tpu.memory_space<hbm>> -> memref<10240x128xf32, #tpu.memory_space<hbm>>
      tpu.enqueue_indirect_dma source(%dma_start3A_46 : memref<10240x128xf32, #tpu.memory_space<hbm>>) target(%arg15 : memref<128x128xf32, #tpu.memory_space<vmem>>) offsets(%arg12 : memref<128xi32, #tpu.memory_space<vmem>>) semaphore(%arg16 : memref<!tpu.dma_semaphore, #tpu.memory_space<semaphore_mem>>)
      %get3A = arith.constant 0 : index
      %get3A_47 = tpu.vector_load %arg12[%get3A] {strides = array<i32>} : memref<128xi32, #tpu.memory_space<vmem>>, vector<16xi32>,
      %get3A_48 = arith.constant 0 : index
      %get3A_49 = tpu.vector_load %arg13[%get3A_48] {strides = array<i32>} : memref<128xi32, #tpu.memory_space<vmem>>, vector<16xi32>,
      %gather3A = tpu.vector_load_idx %arg9[%get3A_47] : memref<10240xf32, #tpu.memory_space<vmem>>[vector<16xi32>], vector<16xf32>,
      %gather3A_50 = tpu.vector_load_idx %arg10[%get3A_49] : memref<10240xf32, #tpu.memory_space<vmem>>[vector<16xi32>], vector<16xf32>,
      %add3A_51 = arith.addf %gather3A, %gather3A_50 : vector<16xf32>
      %mul3A_52 = arith.constant 2.000000e-01 : f32
      %mul3A_53 = vector.broadcast %mul3A_52 : f32 to vector<16xf32>
      %mul3A_54 = arith.mulf %mul3A_53, %add3A_51 : vector<16xf32>
      %max3A = arith.maximumf %add3A_51, %mul3A_54 : vector<16xf32>
      %exp3A = math.exp %max3A : vector<16xf32>
      %swap3A = arith.constant 0 : index
      %swap3A_55 = tpu.vector_load %arg14[%swap3A] {strides = array<i32>} : memref<128xf32, #tpu.memory_space<vmem>>, vector<16xf32>,
      tpu.vector_store %arg14[%swap3A], %exp3A {strides = array<i32>} : memref<128xf32, #tpu.memory_space<vmem>>, vector<16xf32>,
      tpu.vector_store_idx %arg11[%get3A_49], %exp3A {add = true} : memref<10240xf32, #tpu.memory_space<vmem>>[vector<16xi32>], vector<16xf32>,
      %get3A_56 = arith.constant 16 : index
      %get3A_57 = tpu.vector_load %arg12[%get3A_56] {strides = array<i32>} : memref<128xi32, #tpu.memory_space<vmem>>, vector<16xi32>,
      %get3A_58 = arith.constant 16 : index
      %get3A_59 = tpu.vector_load %arg13[%get3A_58] {strides = array<i32>} : memref<128xi32, #tpu.memory_space<vmem>>, vector<16xi32>,
      %gather3A_60 = tpu.vector_load_idx %arg9[%get3A_57] : memref<10240xf32, #tpu.memory_space<vmem>>[vector<16xi32>], vector<16xf32>,
      %gather3A_61 = tpu.vector_load_idx %arg10[%get3A_59] : memref<10240xf32, #tpu.memory_space<vmem>>[vector<16xi32>], vector<16xf32>,
      %add3A_62 = arith.addf %gather3A_60, %gather3A_61 : vector<16xf32>
      %mul3A_63 = arith.constant 2.000000e-01 : f32
      %mul3A_64 = vector.broadcast %mul3A_63 : f32 to vector<16xf32>
      %mul3A_65 = arith.mulf %mul3A_64, %add3A_62 : vector<16xf32>
      %max3A_66 = arith.maximumf %add3A_62, %mul3A_65 : vector<16xf32>
      %exp3A_67 = math.exp %max3A_66 : vector<16xf32>
      %swap3A_68 = arith.constant 16 : index
      %swap3A_69 = tpu.vector_load %arg14[%swap3A_68] {strides = array<i32>} : memref<128xf32, #tpu.memory_space<vmem>>, vector<16xf32>,
      tpu.vector_store %arg14[%swap3A_68], %exp3A_67 {strides = array<i32>} : memref<128xf32, #tpu.memory_space<vmem>>, vector<16xf32>,
      tpu.vector_store_idx %arg11[%get3A_59], %exp3A_67 {add = true} : memref<10240xf32, #tpu.memory_space<vmem>>[vector<16xi32>], vector<16xf32>,
      %get3A_70 = arith.constant 32 : index
      %get3A_71 = tpu.vector_load %arg12[%get3A_70] {strides = array<i32>} : memref<128xi32, #tpu.memory_space<vmem>>, vector<16xi32>,
      %get3A_72 = arith.constant 32 : index
      %get3A_73 = tpu.vector_load %arg13[%get3A_72] {strides = array<i32>} : memref<128xi32, #tpu.memory_space<vmem>>, vector<16xi32>,
      %gather3A_74 = tpu.vector_load_idx %arg9[%get3A_71] : memref<10240xf32, #tpu.memory_space<vmem>>[vector<16xi32>], vector<16xf32>,
      %gather3A_75 = tpu.vector_load_idx %arg10[%get3A_73] : memref<10240xf32, #tpu.memory_space<vmem>>[vector<16xi32>], vector<16xf32>,
      %add3A_76 = arith.addf %gather3A_74, %gather3A_75 : vector<16xf32>
      %mul3A_77 = arith.constant 2.000000e-01 : f32
      %mul3A_78 = vector.broadcast %mul3A_77 : f32 to vector<16xf32>
      %mul3A_79 = arith.mulf %mul3A_78, %add3A_76 : vector<16xf32>
      %max3A_80 = arith.maximumf %add3A_76, %mul3A_79 : vector<16xf32>
      %exp3A_81 = math.exp %max3A_80 : vector<16xf32>
      %swap3A_82 = arith.constant 32 : index
      %swap3A_83 = tpu.vector_load %arg14[%swap3A_82] {strides = array<i32>} : memref<128xf32, #tpu.memory_space<vmem>>, vector<16xf32>,
      tpu.vector_store %arg14[%swap3A_82], %exp3A_81 {strides = array<i32>} : memref<128xf32, #tpu.memory_space<vmem>>, vector<16xf32>,
      tpu.vector_store_idx %arg11[%get3A_73], %exp3A_81 {add = true} : memref<10240xf32, #tpu.memory_space<vmem>>[vector<16xi32>], vector<16xf32>,
      %get3A_84 = arith.constant 48 : index
      %get3A_85 = tpu.vector_load %arg12[%get3A_84] {strides = array<i32>} : memref<128xi32, #tpu.memory_space<vmem>>, vector<16xi32>,
      %get3A_86 = arith.constant 48 : index
      %get3A_87 = tpu.vector_load %arg13[%get3A_86] {strides = array<i32>} : memref<128xi32, #tpu.memory_space<vmem>>, vector<16xi32>,
      %gather3A_88 = tpu.vector_load_idx %arg9[%get3A_85] : memref<10240xf32, #tpu.memory_space<vmem>>[vector<16xi32>], vector<16xf32>,
      %gather3A_89 = tpu.vector_load_idx %arg10[%get3A_87] : memref<10240xf32, #tpu.memory_space<vmem>>[vector<16xi32>], vector<16xf32>,
      %add3A_90 = arith.addf %gather3A_88, %gather3A_89 : vector<16xf32>
      %mul3A_91 = arith.constant 2.000000e-01 : f32
      %mul3A_92 = vector.broadcast %mul3A_91 : f32 to vector<16xf32>
      %mul3A_93 = arith.mulf %mul3A_92, %add3A_90 : vector<16xf32>
      %max3A_94 = arith.maximumf %add3A_90, %mul3A_93 : vector<16xf32>
      %exp3A_95 = math.exp %max3A_94 : vector<16xf32>
      %swap3A_96 = arith.constant 48 : index
      %swap3A_97 = tpu.vector_load %arg14[%swap3A_96] {strides = array<i32>} : memref<128xf32, #tpu.memory_space<vmem>>, vector<16xf32>,
      tpu.vector_store %arg14[%swap3A_96], %exp3A_95 {strides = array<i32>} : memref<128xf32, #tpu.memory_space<vmem>>, vector<16xf32>,
      tpu.vector_store_idx %arg11[%get3A_87], %exp3A_95 {add = true} : memref<10240xf32, #tpu.memory_space<vmem>>[vector<16xi32>], vector<16xf32>,
      %get3A_98 = arith.constant 64 : index
      %get3A_99 = tpu.vector_load %arg12[%get3A_98] {strides = array<i32>} : memref<128xi32, #tpu.memory_space<vmem>>, vector<16xi32>,
      %get3A_100 = arith.constant 64 : index
      %get3A_101 = tpu.vector_load %arg13[%get3A_100] {strides = array<i32>} : memref<128xi32, #tpu.memory_space<vmem>>, vector<16xi32>,
      %gather3A_102 = tpu.vector_load_idx %arg9[%get3A_99] : memref<10240xf32, #tpu.memory_space<vmem>>[vector<16xi32>], vector<16xf32>,
      %gather3A_103 = tpu.vector_load_idx %arg10[%get3A_101] : memref<10240xf32, #tpu.memory_space<vmem>>[vector<16xi32>], vector<16xf32>,
      %add3A_104 = arith.addf %gather3A_102, %gather3A_103 : vector<16xf32>
      %mul3A_105 = arith.constant 2.000000e-01 : f32
      %mul3A_106 = vector.broadcast %mul3A_105 : f32 to vector<16xf32>
      %mul3A_107 = arith.mulf %mul3A_106, %add3A_104 : vector<16xf32>
      %max3A_108 = arith.maximumf %add3A_104, %mul3A_107 : vector<16xf32>
      %exp3A_109 = math.exp %max3A_108 : vector<16xf32>
      %swap3A_110 = arith.constant 64 : index
      %swap3A_111 = tpu.vector_load %arg14[%swap3A_110] {strides = array<i32>} : memref<128xf32, #tpu.memory_space<vmem>>, vector<16xf32>,
      tpu.vector_store %arg14[%swap3A_110], %exp3A_109 {strides = array<i32>} : memref<128xf32, #tpu.memory_space<vmem>>, vector<16xf32>,
      tpu.vector_store_idx %arg11[%get3A_101], %exp3A_109 {add = true} : memref<10240xf32, #tpu.memory_space<vmem>>[vector<16xi32>], vector<16xf32>,
      %get3A_112 = arith.constant 80 : index
      %get3A_113 = tpu.vector_load %arg12[%get3A_112] {strides = array<i32>} : memref<128xi32, #tpu.memory_space<vmem>>, vector<16xi32>,
      %get3A_114 = arith.constant 80 : index
      %get3A_115 = tpu.vector_load %arg13[%get3A_114] {strides = array<i32>} : memref<128xi32, #tpu.memory_space<vmem>>, vector<16xi32>,
      %gather3A_116 = tpu.vector_load_idx %arg9[%get3A_113] : memref<10240xf32, #tpu.memory_space<vmem>>[vector<16xi32>], vector<16xf32>,
      %gather3A_117 = tpu.vector_load_idx %arg10[%get3A_115] : memref<10240xf32, #tpu.memory_space<vmem>>[vector<16xi32>], vector<16xf32>,
      %add3A_118 = arith.addf %gather3A_116, %gather3A_117 : vector<16xf32>
      %mul3A_119 = arith.constant 2.000000e-01 : f32
      %mul3A_120 = vector.broadcast %mul3A_119 : f32 to vector<16xf32>
      %mul3A_121 = arith.mulf %mul3A_120, %add3A_118 : vector<16xf32>
      %max3A_122 = arith.maximumf %add3A_118, %mul3A_121 : vector<16xf32>
      %exp3A_123 = math.exp %max3A_122 : vector<16xf32>
      %swap3A_124 = arith.constant 80 : index
      %swap3A_125 = tpu.vector_load %arg14[%swap3A_124] {strides = array<i32>} : memref<128xf32, #tpu.memory_space<vmem>>, vector<16xf32>,
      tpu.vector_store %arg14[%swap3A_124], %exp3A_123 {strides = array<i32>} : memref<128xf32, #tpu.memory_space<vmem>>, vector<16xf32>,
      tpu.vector_store_idx %arg11[%get3A_115], %exp3A_123 {add = true} : memref<10240xf32, #tpu.memory_space<vmem>>[vector<16xi32>], vector<16xf32>,
      %get3A_126 = arith.constant 96 : index
      %get3A_127 = tpu.vector_load %arg12[%get3A_126] {strides = array<i32>} : memref<128xi32, #tpu.memory_space<vmem>>, vector<16xi32>,
      %get3A_128 = arith.constant 96 : index
      %get3A_129 = tpu.vector_load %arg13[%get3A_128] {strides = array<i32>} : memref<128xi32, #tpu.memory_space<vmem>>, vector<16xi32>,
      %gather3A_130 = tpu.vector_load_idx %arg9[%get3A_127] : memref<10240xf32, #tpu.memory_space<vmem>>[vector<16xi32>], vector<16xf32>,
      %gather3A_131 = tpu.vector_load_idx %arg10[%get3A_129] : memref<10240xf32, #tpu.memory_space<vmem>>[vector<16xi32>], vector<16xf32>,
      %add3A_132 = arith.addf %gather3A_130, %gather3A_131 : vector<16xf32>
      %mul3A_133 = arith.constant 2.000000e-01 : f32
      %mul3A_134 = vector.broadcast %mul3A_133 : f32 to vector<16xf32>
      %mul3A_135 = arith.mulf %mul3A_134, %add3A_132 : vector<16xf32>
      %max3A_136 = arith.maximumf %add3A_132, %mul3A_135 : vector<16xf32>
      %exp3A_137 = math.exp %max3A_136 : vector<16xf32>
      %swap3A_138 = arith.constant 96 : index
      %swap3A_139 = tpu.vector_load %arg14[%swap3A_138] {strides = array<i32>} : memref<128xf32, #tpu.memory_space<vmem>>, vector<16xf32>,
      tpu.vector_store %arg14[%swap3A_138], %exp3A_137 {strides = array<i32>} : memref<128xf32, #tpu.memory_space<vmem>>, vector<16xf32>,
      tpu.vector_store_idx %arg11[%get3A_129], %exp3A_137 {add = true} : memref<10240xf32, #tpu.memory_space<vmem>>[vector<16xi32>], vector<16xf32>,
      %get3A_140 = arith.constant 112 : index
      %get3A_141 = tpu.vector_load %arg12[%get3A_140] {strides = array<i32>} : memref<128xi32, #tpu.memory_space<vmem>>, vector<16xi32>,
      %get3A_142 = arith.constant 112 : index
      %get3A_143 = tpu.vector_load %arg13[%get3A_142] {strides = array<i32>} : memref<128xi32, #tpu.memory_space<vmem>>, vector<16xi32>,
      %gather3A_144 = tpu.vector_load_idx %arg9[%get3A_141] : memref<10240xf32, #tpu.memory_space<vmem>>[vector<16xi32>], vector<16xf32>,
      %gather3A_145 = tpu.vector_load_idx %arg10[%get3A_143] : memref<10240xf32, #tpu.memory_space<vmem>>[vector<16xi32>], vector<16xf32>,
      %add3A_146 = arith.addf %gather3A_144, %gather3A_145 : vector<16xf32>
      %mul3A_147 = arith.constant 2.000000e-01 : f32
      %mul3A_148 = vector.broadcast %mul3A_147 : f32 to vector<16xf32>
      %mul3A_149 = arith.mulf %mul3A_148, %add3A_146 : vector<16xf32>
      %max3A_150 = arith.maximumf %add3A_146, %mul3A_149 : vector<16xf32>
      %exp3A_151 = math.exp %max3A_150 : vector<16xf32>
      %swap3A_152 = arith.constant 112 : index
      %swap3A_153 = tpu.vector_load %arg14[%swap3A_152] {strides = array<i32>} : memref<128xf32, #tpu.memory_space<vmem>>, vector<16xf32>,
      tpu.vector_store %arg14[%swap3A_152], %exp3A_151 {strides = array<i32>} : memref<128xf32, #tpu.memory_space<vmem>>, vector<16xf32>,
      tpu.vector_store_idx %arg11[%get3A_143], %exp3A_151 {add = true} : memref<10240xf32, #tpu.memory_space<vmem>>[vector<16xi32>], vector<16xf32>,
      %dma_wait3A = arith.constant 0 : i32
      %dma_wait3A_154 = arith.constant 0 : i32
      %dma_wait3A_155 = tpu.memref_slice %arg5[%dma_wait3A, %dma_wait3A_154] : memref<10240x128xf32, #tpu.memory_space<hbm>> -> memref<10240x128xf32, #tpu.memory_space<hbm>>
      tpu.wait_indirect_dma semaphore(%arg16 : memref<!tpu.dma_semaphore, #tpu.memory_space<semaphore_mem>>) src(%dma_wait3A_155 : memref<10240x128xf32, #tpu.memory_space<hbm>>) dst(%arg15 : memref<128x128xf32, #tpu.memory_space<vmem>>)
      %scan3A_156 = arith.constant 0 : i32
      %scan3A_157 = arith.constant 0 : i32
      %scan3A_158 = arith.constant 128 : i32
      %scan3A_159 = arith.addi %scan3A_157, %scan3A_158 : i32
      %scan3A_160 = arith.constant 1 : i32
      %scan3A_161 = scf.for %scan3A_164 = %scan3A_157 to %scan3A_159 step %scan3A_160 iter_args(%scan3A_165 = %scan3A_156) -> (i32)  : i32 {
        %broadcast_in_dim3A_166 = arith.constant 0 : i32
        %broadcast_in_dim3A_167 = vector.broadcast %broadcast_in_dim3A_166 : i32 to vector<16xi32>
        %add3A_168 = vector.broadcast %scan3A_164 : i32 to vector<16xi32>
        %add3A_169 = arith.addi %broadcast_in_dim3A_167, %add3A_168 : vector<16xi32>
        %gather3A_170 = tpu.vector_load_idx %arg14[%add3A_169] : memref<128xf32, #tpu.memory_space<vmem>>[vector<16xi32>], vector<16xf32>,
        %get3A_171 = arith.index_cast %scan3A_164 : i32 to index
        %get3A_172 = arith.constant 0 : index
        %get3A_173 = tpu.vector_load %arg15[%get3A_171, %get3A_172] {strides = array<i32>} : memref<128x128xf32, #tpu.memory_space<vmem>>, vector<16xf32>,
        %mul3A_174 = arith.mulf %get3A_173, %gather3A_170 : vector<16xf32>
        %swap3A_175 = arith.index_cast %scan3A_164 : i32 to index
        %swap3A_176 = arith.constant 0 : index
        %swap3A_177 = tpu.vector_load %arg15[%swap3A_175, %swap3A_176] {strides = array<i32>} : memref<128x128xf32, #tpu.memory_space<vmem>>, vector<16xf32>,
        tpu.vector_store %arg15[%swap3A_175, %swap3A_176], %mul3A_174 {strides = array<i32>} : memref<128x128xf32, #tpu.memory_space<vmem>>, vector<16xf32>,
        %get3A_178 = arith.index_cast %scan3A_164 : i32 to index
        %get3A_179 = arith.constant 16 : index
        %get3A_180 = tpu.vector_load %arg15[%get3A_178, %get3A_179] {strides = array<i32>} : memref<128x128xf32, #tpu.memory_space<vmem>>, vector<16xf32>,
        %mul3A_181 = arith.mulf %get3A_180, %gather3A_170 : vector<16xf32>
        %swap3A_182 = arith.index_cast %scan3A_164 : i32 to index
        %swap3A_183 = arith.constant 16 : index
        %swap3A_184 = tpu.vector_load %arg15[%swap3A_182, %swap3A_183] {strides = array<i32>} : memref<128x128xf32, #tpu.memory_space<vmem>>, vector<16xf32>,
        tpu.vector_store %arg15[%swap3A_182, %swap3A_183], %mul3A_181 {strides = array<i32>} : memref<128x128xf32, #tpu.memory_space<vmem>>, vector<16xf32>,
        %get3A_185 = arith.index_cast %scan3A_164 : i32 to index
        %get3A_186 = arith.constant 32 : index
        %get3A_187 = tpu.vector_load %arg15[%get3A_185, %get3A_186] {strides = array<i32>} : memref<128x128xf32, #tpu.memory_space<vmem>>, vector<16xf32>,
        %mul3A_188 = arith.mulf %get3A_187, %gather3A_170 : vector<16xf32>
        %swap3A_189 = arith.index_cast %scan3A_164 : i32 to index
        %swap3A_190 = arith.constant 32 : index
        %swap3A_191 = tpu.vector_load %arg15[%swap3A_189, %swap3A_190] {strides = array<i32>} : memref<128x128xf32, #tpu.memory_space<vmem>>, vector<16xf32>,
        tpu.vector_store %arg15[%swap3A_189, %swap3A_190], %mul3A_188 {strides = array<i32>} : memref<128x128xf32, #tpu.memory_space<vmem>>, vector<16xf32>,
        %get3A_192 = arith.index_cast %scan3A_164 : i32 to index
        %get3A_193 = arith.constant 48 : index
        %get3A_194 = tpu.vector_load %arg15[%get3A_192, %get3A_193] {strides = array<i32>} : memref<128x128xf32, #tpu.memory_space<vmem>>, vector<16xf32>,
        %mul3A_195 = arith.mulf %get3A_194, %gather3A_170 : vector<16xf32>
        %swap3A_196 = arith.index_cast %scan3A_164 : i32 to index
        %swap3A_197 = arith.constant 48 : index
        %swap3A_198 = tpu.vector_load %arg15[%swap3A_196, %swap3A_197] {strides = array<i32>} : memref<128x128xf32, #tpu.memory_space<vmem>>, vector<16xf32>,
        tpu.vector_store %arg15[%swap3A_196, %swap3A_197], %mul3A_195 {strides = array<i32>} : memref<128x128xf32, #tpu.memory_space<vmem>>, vector<16xf32>,
        %get3A_199 = arith.index_cast %scan3A_164 : i32 to index
        %get3A_200 = arith.constant 64 : index
        %get3A_201 = tpu.vector_load %arg15[%get3A_199, %get3A_200] {strides = array<i32>} : memref<128x128xf32, #tpu.memory_space<vmem>>, vector<16xf32>,
        %mul3A_202 = arith.mulf %get3A_201, %gather3A_170 : vector<16xf32>
        %swap3A_203 = arith.index_cast %scan3A_164 : i32 to index
        %swap3A_204 = arith.constant 64 : index
        %swap3A_205 = tpu.vector_load %arg15[%swap3A_203, %swap3A_204] {strides = array<i32>} : memref<128x128xf32, #tpu.memory_space<vmem>>, vector<16xf32>,
        tpu.vector_store %arg15[%swap3A_203, %swap3A_204], %mul3A_202 {strides = array<i32>} : memref<128x128xf32, #tpu.memory_space<vmem>>, vector<16xf32>,
        %get3A_206 = arith.index_cast %scan3A_164 : i32 to index
        %get3A_207 = arith.constant 80 : index
        %get3A_208 = tpu.vector_load %arg15[%get3A_206, %get3A_207] {strides = array<i32>} : memref<128x128xf32, #tpu.memory_space<vmem>>, vector<16xf32>,
        %mul3A_209 = arith.mulf %get3A_208, %gather3A_170 : vector<16xf32>
        %swap3A_210 = arith.index_cast %scan3A_164 : i32 to index
        %swap3A_211 = arith.constant 80 : index
        %swap3A_212 = tpu.vector_load %arg15[%swap3A_210, %swap3A_211] {strides = array<i32>} : memref<128x128xf32, #tpu.memory_space<vmem>>, vector<16xf32>,
        tpu.vector_store %arg15[%swap3A_210, %swap3A_211], %mul3A_209 {strides = array<i32>} : memref<128x128xf32, #tpu.memory_space<vmem>>, vector<16xf32>,
        %get3A_213 = arith.index_cast %scan3A_164 : i32 to index
        %get3A_214 = arith.constant 96 : index
        %get3A_215 = tpu.vector_load %arg15[%get3A_213, %get3A_214] {strides = array<i32>} : memref<128x128xf32, #tpu.memory_space<vmem>>, vector<16xf32>,
        %mul3A_216 = arith.mulf %get3A_215, %gather3A_170 : vector<16xf32>
        %swap3A_217 = arith.index_cast %scan3A_164 : i32 to index
        %swap3A_218 = arith.constant 96 : index
        %swap3A_219 = tpu.vector_load %arg15[%swap3A_217, %swap3A_218] {strides = array<i32>} : memref<128x128xf32, #tpu.memory_space<vmem>>, vector<16xf32>,
        tpu.vector_store %arg15[%swap3A_217, %swap3A_218], %mul3A_216 {strides = array<i32>} : memref<128x128xf32, #tpu.memory_space<vmem>>, vector<16xf32>,
        %get3A_220 = arith.index_cast %scan3A_164 : i32 to index
        %get3A_221 = arith.constant 112 : index
        %get3A_222 = tpu.vector_load %arg15[%get3A_220, %get3A_221] {strides = array<i32>} : memref<128x128xf32, #tpu.memory_space<vmem>>, vector<16xf32>,
        %mul3A_223 = arith.mulf %get3A_222, %gather3A_170 : vector<16xf32>
        %swap3A_224 = arith.index_cast %scan3A_164 : i32 to index
        %swap3A_225 = arith.constant 112 : index
        %swap3A_226 = tpu.vector_load %arg15[%swap3A_224, %swap3A_225] {strides = array<i32>} : memref<128x128xf32, #tpu.memory_space<vmem>>, vector<16xf32>,
        tpu.vector_store %arg15[%swap3A_224, %swap3A_225], %mul3A_223 {strides = array<i32>} : memref<128x128xf32, #tpu.memory_space<vmem>>, vector<16xf32>,
        %scan3A_227 = arith.constant 0 : i32
        scf.yield %scan3A_227 : i32
      }
      %scan3A_162 = arith.constant 128 : i32
      "tpu.region"() ({
        %run_scoped3A_164 = tpu.sem_alloc : memref<!tpu.dma_semaphore, #tpu.memory_space<semaphore_mem>>
        %dma_start3A_165 = arith.constant 0 : i32
        %dma_start3A_166 = arith.constant 0 : i32
        %dma_start3A_167 = tpu.memref_slice %arg8[%dma_start3A_165, %dma_start3A_166] : memref<10240x128xf32, #tpu.memory_space<vmem_shared>> -> memref<10240x128xf32, #tpu.memory_space<vmem_shared>>
        tpu.enqueue_indirect_dma source(%arg15 : memref<128x128xf32, #tpu.memory_space<vmem>>) target(%dma_start3A_167 : memref<10240x128xf32, #tpu.memory_space<vmem_shared>>) offsets(%arg13 : memref<128xi32, #tpu.memory_space<vmem>>) semaphore(%run_scoped3A_164 : memref<!tpu.dma_semaphore, #tpu.memory_space<semaphore_mem>>) {add = true}
        %dma_wait3A_168 = arith.constant 0 : i32
        %dma_wait3A_169 = arith.constant 0 : i32
        %dma_wait3A_170 = tpu.memref_slice %arg8[%dma_wait3A_168, %dma_wait3A_169] : memref<10240x128xf32, #tpu.memory_space<vmem_shared>> -> memref<10240x128xf32, #tpu.memory_space<vmem_shared>>
        tpu.wait_indirect_dma semaphore(%run_scoped3A_164 : memref<!tpu.dma_semaphore, #tpu.memory_space<semaphore_mem>>) src(%arg15 : memref<128x128xf32, #tpu.memory_space<vmem>>) dst(%dma_wait3A_170 : memref<10240x128xf32, #tpu.memory_space<vmem_shared>>)
        tpu.yield
      }) : () -> ()
      %scan3A_163 = arith.constant 0 : i32
      scf.yield %scan3A_163 : i32
    }
    %scan3A_33 = arith.constant 84 : i32
    %barrier3A_34 = arith.constant 0 : index
    tpu.barrier barrier_id(%barrier3A_34)
    "tpu.region"() ({
      %run_scoped3A_35 = tpu.sem_alloc : memref<!tpu.dma_semaphore, #tpu.memory_space<semaphore_mem>>
      %dma_start3A = arith.constant 0 : i32
      %dma_start3A_36 = tpu.memref_slice %arg6[%arg0, %mul3A_0, %dma_start3A] : memref<2x10240x128xf32, #tpu.memory_space<hbm>> -> memref<1x640x128xf32, #tpu.memory_space<hbm>>
      %dma_start3A_37 = tpu.memref_squeeze %dma_start3A_36 : memref<1x640x128xf32, #tpu.memory_space<hbm>> -> memref<640x128xf32, #tpu.memory_space<hbm>>
      %dma_start3A_38 = arith.constant 0 : i32
      %dma_start3A_39 = tpu.memref_slice %arg8[%mul3A_0, %dma_start3A_38] : memref<10240x128xf32, #tpu.memory_space<vmem_shared>> -> memref<640x128xf32, #tpu.memory_space<vmem_shared>>
      tpu.enqueue_dma source(%dma_start3A_39 : memref<640x128xf32, #tpu.memory_space<vmem_shared>>) target(%dma_start3A_37 : memref<640x128xf32, #tpu.memory_space<hbm>>) target_semaphore(%run_scoped3A_35 : memref<!tpu.dma_semaphore, #tpu.memory_space<semaphore_mem>>)
      %dma_wait3A = arith.constant 0 : i32
      %dma_wait3A_40 = tpu.memref_slice %arg6[%arg0, %mul3A_0, %dma_wait3A] : memref<2x10240x128xf32, #tpu.memory_space<hbm>> -> memref<1x640x128xf32, #tpu.memory_space<hbm>>
      %dma_wait3A_41 = tpu.memref_squeeze %dma_wait3A_40 : memref<1x640x128xf32, #tpu.memory_space<hbm>> -> memref<640x128xf32, #tpu.memory_space<hbm>>
      %dma_wait3A_42 = arith.constant 0 : i32
      %dma_wait3A_43 = tpu.memref_slice %arg8[%mul3A_0, %dma_wait3A_42] : memref<10240x128xf32, #tpu.memory_space<vmem_shared>> -> memref<640x128xf32, #tpu.memory_space<vmem_shared>>
      tpu.wait_dma2 semaphore(%run_scoped3A_35 : memref<!tpu.dma_semaphore, #tpu.memory_space<semaphore_mem>>) src(%dma_wait3A_43 : memref<640x128xf32, #tpu.memory_space<vmem_shared>>) dst(%dma_wait3A_41 : memref<640x128xf32, #tpu.memory_space<hbm>>)
      tpu.yield
    }) : () -> ()
    "tpu.region"() ({
      %run_scoped3A_35 = tpu.sem_alloc : memref<!tpu.dma_semaphore, #tpu.memory_space<semaphore_mem>>
      %dma_start3A = arith.constant 0 : i32
      %dma_start3A_36 = tpu.memref_slice %arg7[%arg0, %arg1, %dma_start3A] : memref<2x16x10240xf32, #tpu.memory_space<hbm>> -> memref<1x1x10240xf32, #tpu.memory_space<hbm>>
      %dma_start3A_37 = tpu.memref_squeeze %dma_start3A_36 : memref<1x1x10240xf32, #tpu.memory_space<hbm>> -> memref<10240xf32, #tpu.memory_space<hbm>>
      %dma_start3A_38 = arith.constant 0 : i32
      %dma_start3A_39 = tpu.memref_slice %arg7[%arg0, %arg1, %dma_start3A_38] : memref<2x16x10240xf32, #tpu.memory_space<hbm>> -> memref<1x1x10240xf32, #tpu.memory_space<hbm>>
      %dma_start3A_40 = tpu.memref_squeeze %dma_start3A_39 : memref<1x1x10240xf32, #tpu.memory_space<hbm>> -> memref<10240xf32, #tpu.memory_space<hbm>>
      tpu.enqueue_dma source(%arg11 : memref<10240xf32, #tpu.memory_space<vmem>>) target(%dma_start3A_40 : memref<10240xf32, #tpu.memory_space<hbm>>) target_semaphore(%run_scoped3A_35 : memref<!tpu.dma_semaphore, #tpu.memory_space<semaphore_mem>>)
      %dma_wait3A = arith.constant 0 : i32
      %dma_wait3A_41 = tpu.memref_slice %arg7[%arg0, %arg1, %dma_wait3A] : memref<2x16x10240xf32, #tpu.memory_space<hbm>> -> memref<1x1x10240xf32, #tpu.memory_space<hbm>>
      %dma_wait3A_42 = tpu.memref_squeeze %dma_wait3A_41 : memref<1x1x10240xf32, #tpu.memory_space<hbm>> -> memref<10240xf32, #tpu.memory_space<hbm>>
      %dma_wait3A_43 = arith.constant 0 : i32
      %dma_wait3A_44 = tpu.memref_slice %arg7[%arg0, %arg1, %dma_wait3A_43] : memref<2x16x10240xf32, #tpu.memory_space<hbm>> -> memref<1x1x10240xf32, #tpu.memory_space<hbm>>
      %dma_wait3A_45 = tpu.memref_squeeze %dma_wait3A_44 : memref<1x1x10240xf32, #tpu.memory_space<hbm>> -> memref<10240xf32, #tpu.memory_space<hbm>>
      tpu.wait_dma2 semaphore(%run_scoped3A_35 : memref<!tpu.dma_semaphore, #tpu.memory_space<semaphore_mem>>) src(%arg11 : memref<10240xf32, #tpu.memory_space<vmem>>) dst(%dma_wait3A_45 : memref<10240xf32, #tpu.memory_space<hbm>>)
      tpu.yield
    }) : () -> ()
    return
  }
}

module attributes {stable_mosaic.version = 14 : i64} {
  func.func @_mmA(%arg0: i32, %arg1: i32, %arg2: memref<256x128xf32, #tpu.memory_space<vmem>>, %arg3: memref<128x128xf32, #tpu.memory_space<vmem>>, %arg4: memref<128x128xf32, #tpu.memory_space<vmem>>, %arg5: memref<1x256x128xf32, #tpu.memory_space<vmem>>, %arg6: memref<256x128xf32, #tpu.memory_space<vmem>>) attributes {dimension_semantics = [#tpu.dimension_semantics<parallel>, #tpu.dimension_semantics<arbitrary>], iteration_bounds = array<i64: 40, 4>, scalar_prefetch = 0 : i64, scratch_operands = 0 : i64, tpu.core_type = #tpu.core_type<tc>, window_params = [{transform_indices = @transform_0, window_bounds = array<i64: 256, 128>}, {transform_indices = @transform_1, window_bounds = array<i64: 128, 128>}, {transform_indices = @transform_2, window_bounds = array<i64: 128, 128>}, {transform_indices = @transform_3, window_bounds = array<i64: 1, 256, 128>}, {transform_indices = @transform_4, window_bounds = array<i64: 256, 128>}]} {
    %get3A = arith.constant 0 : index
    %get3A_0 = arith.constant 0 : index
    %get3A_1 = vector.load %arg2[%get3A, %get3A_0] : memref<256x128xf32, #tpu.memory_space<vmem>>, vector<256x128xf32>
    %get3A_2 = arith.constant 0 : index
    %get3A_3 = arith.constant 0 : index
    %get3A_4 = vector.load %arg3[%get3A_2, %get3A_3] : memref<128x128xf32, #tpu.memory_space<vmem>>, vector<128x128xf32>
    %dot_general3A = arith.constant dense<0.000000e+00> : vector<256x128xf32>
    %dot_general3A_5 = tpu.matmul %get3A_1, %get3A_4, %dot_general3A {dimension_numbers = #tpu.dot_dimension_numbers<[1], [0], [0], [1], [0, 0, 1, 1], [], []>, transpose_lhs_hint = false} : vector<256x128xf32>, vector<128x128xf32>, vector<256x128xf32> -> vector<256x128xf32>
    %swap3A = arith.constant 0 : index
    %swap3A_6 = arith.constant 0 : index
    %swap3A_7 = arith.constant 0 : index
    %swap3A_8 = vector.load %arg5[%swap3A, %swap3A_6, %swap3A_7] : memref<1x256x128xf32, #tpu.memory_space<vmem>>, vector<1x256x128xf32>
    %swap3A_9 = vector.shape_cast %swap3A_8 : vector<1x256x128xf32> to vector<256x128xf32>
    %swap3A_10 = vector.shape_cast %dot_general3A_5 : vector<256x128xf32> to vector<1x256x128xf32>
    tpu.vector_store %arg5[%swap3A, %swap3A_6, %swap3A_7], %swap3A_10 {strides = array<i32>} : memref<1x256x128xf32, #tpu.memory_space<vmem>>, vector<1x256x128xf32>,
    %eq3A = arith.constant 0 : i32
    %eq3A_11 = arith.cmpi eq, %arg1, %eq3A : i32
    %convert_element_type3A = arith.extui %eq3A_11 : i1 to i32
    %cond3A = arith.constant 0 : i32
    %cond3A_12 = arith.cmpi ne, %convert_element_type3A, %cond3A : i32
    scf.if %cond3A_12 {
      %broadcast_in_dim3A = arith.constant 0.000000e+00 : f32
      %broadcast_in_dim3A_24 = vector.broadcast %broadcast_in_dim3A : f32 to vector<256x128xf32>
      %swap3A_25 = arith.constant 0 : index
      %swap3A_26 = arith.constant 0 : index
      %swap3A_27 = vector.load %arg6[%swap3A_25, %swap3A_26] : memref<256x128xf32, #tpu.memory_space<vmem>>, vector<256x128xf32>
      tpu.vector_store %arg6[%swap3A_25, %swap3A_26], %broadcast_in_dim3A_24 {strides = array<i32>} : memref<256x128xf32, #tpu.memory_space<vmem>>, vector<256x128xf32>,
    } else {
    }
    %get3A_13 = arith.constant 0 : index
    %get3A_14 = arith.constant 0 : index
    %get3A_15 = vector.load %arg6[%get3A_13, %get3A_14] : memref<256x128xf32, #tpu.memory_space<vmem>>, vector<256x128xf32>
    %get3A_16 = arith.constant 0 : index
    %get3A_17 = arith.constant 0 : index
    %get3A_18 = vector.load %arg4[%get3A_16, %get3A_17] : memref<128x128xf32, #tpu.memory_space<vmem>>, vector<128x128xf32>
    %dot_general3A_19 = arith.constant dense<0.000000e+00> : vector<256x128xf32>
    %dot_general3A_20 = tpu.matmul %dot_general3A_5, %get3A_18, %dot_general3A_19 {dimension_numbers = #tpu.dot_dimension_numbers<[1], [0], [0], [1], [0, 0, 1, 1], [], []>, transpose_lhs_hint = false} : vector<256x128xf32>, vector<128x128xf32>, vector<256x128xf32> -> vector<256x128xf32>
    %add3A = arith.addf %get3A_15, %dot_general3A_20 : vector<256x128xf32>
    %swap3A_21 = arith.constant 0 : index
    %swap3A_22 = arith.constant 0 : index
    %swap3A_23 = vector.load %arg6[%swap3A_21, %swap3A_22] : memref<256x128xf32, #tpu.memory_space<vmem>>, vector<256x128xf32>
    tpu.vector_store %arg6[%swap3A_21, %swap3A_22], %add3A {strides = array<i32>} : memref<256x128xf32, #tpu.memory_space<vmem>>, vector<256x128xf32>,
    return
  }
  func.func @transform_0(%arg0: i32, %arg1: i32) -> (i32, i32) {
    %c0_i32 = arith.constant 0 : i32
    %c0_i32_0 = arith.constant 0 : i32
    return %arg0, %c0_i32 : i32, i32
  }
  func.func @transform_1(%arg0: i32, %arg1: i32) -> (i32, i32) {
    %c0_i32 = arith.constant 0 : i32
    %c0_i32_0 = arith.constant 0 : i32
    return %c0_i32, %arg1 : i32, i32
  }
  func.func @transform_2(%arg0: i32, %arg1: i32) -> (i32, i32) {
    %c0_i32 = arith.constant 0 : i32
    %c0_i32_0 = arith.constant 0 : i32
    return %arg1, %c0_i32 : i32, i32
  }
  func.func @transform_3(%arg0: i32, %arg1: i32) -> (i32, i32, i32) {
    %c0_i32 = arith.constant 0 : i32
    %c0_i32_0 = arith.constant 0 : i32
    return %arg1, %arg0, %c0_i32 : i32, i32, i32
  }
  func.func @transform_4(%arg0: i32, %arg1: i32) -> (i32, i32) {
    %c0_i32 = arith.constant 0 : i32
    %c0_i32_0 = arith.constant 0 : i32
    return %arg0, %c0_i32 : i32, i32
  }
}

module attributes {stable_mosaic.version = 14 : i64} {
  func.func @_mmC(%arg0: i32, %arg1: memref<4x256x128xf32, #tpu.memory_space<vmem>>, %arg2: memref<256x64xf32, #tpu.memory_space<vmem>>, %arg3: memref<4x128xf32, #tpu.memory_space<vmem>>, %arg4: memref<4x128x128xf32, #tpu.memory_space<vmem>>, %arg5: memref<256x128xf32, #tpu.memory_space<vmem>>) attributes {dimension_semantics = [#tpu.dimension_semantics<parallel>], iteration_bounds = array<i64: 40>, scalar_prefetch = 0 : i64, scratch_operands = 0 : i64, tpu.core_type = #tpu.core_type<tc>, window_params = [{transform_indices = @transform_0, window_bounds = array<i64: 4, 256, 128>}, {transform_indices = @transform_1, window_bounds = array<i64: 256, 64>}, {pipeline_mode = #tpu.pipeline_mode<synchronous>, transform_indices = @transform_2, window_bounds = array<i64: 4, 128>}, {pipeline_mode = #tpu.pipeline_mode<synchronous>, transform_indices = @transform_3, window_bounds = array<i64: 4, 128, 128>}, {transform_indices = @transform_4, window_bounds = array<i64: 256, 128>}]} {
    %broadcast_in_dim3A = arith.constant 0.000000e+00 : f32
    %broadcast_in_dim3A_0 = vector.broadcast %broadcast_in_dim3A : f32 to vector<256x128xf32>
    %get3A = arith.constant 0 : index
    %get3A_1 = arith.constant 0 : index
    %get3A_2 = vector.load %arg2[%get3A, %get3A_1] : memref<256x64xf32, #tpu.memory_space<vmem>>, vector<256x64xf32>
    %slice3A = vector.extract_strided_slice %get3A_2 {offsets = [0, 0], sizes = [256, 16], strides = [1, 1]} : vector<256x64xf32> to vector<256x16xf32>
    %reduce_sum3A = arith.constant dense<0.000000e+00> : vector<256xf32>
    %reduce_sum3A_3 = vector.multi_reduction <add>, %slice3A, %reduce_sum3A [1] : vector<256x16xf32> to vector<256xf32>
    %broadcast_in_dim3A_4 = vector.shape_cast %reduce_sum3A_3 : vector<256xf32> to vector<256x1xf32>
    %get3A_5 = arith.constant 0 : index
    %get3A_6 = arith.constant 0 : index
    %get3A_7 = arith.constant 0 : index
    %get3A_8 = vector.load %arg1[%get3A_5, %get3A_6, %get3A_7] : memref<4x256x128xf32, #tpu.memory_space<vmem>>, vector<1x256x128xf32>
    %get3A_9 = vector.shape_cast %get3A_8 : vector<1x256x128xf32> to vector<256x128xf32>
    %add3A = arith.constant 1.000000e-16 : f32
    %add3A_10 = vector.broadcast %add3A : f32 to vector<256x1xf32>
    %add3A_11 = arith.addf %broadcast_in_dim3A_4, %add3A_10 : vector<256x1xf32>
    %div3A = vector.broadcast %add3A_11 : vector<256x1xf32> to vector<256x128xf32>
    %div3A_12 = arith.divf %get3A_9, %div3A : vector<256x128xf32>
    %get3A_13 = arith.constant 0 : index
    %get3A_14 = arith.constant 0 : index
    %get3A_15 = vector.load %arg3[%get3A_13, %get3A_14] : memref<4x128xf32, #tpu.memory_space<vmem>>, vector<4x128xf32>
    %slice3A_16 = vector.extract_strided_slice %get3A_15 {offsets = [0, 0], sizes = [1, 128], strides = [1, 1]} : vector<4x128xf32> to vector<1x128xf32>
    %add3A_17 = vector.broadcast %slice3A_16 : vector<1x128xf32> to vector<256x128xf32>
    %add3A_18 = arith.addf %div3A_12, %add3A_17 : vector<256x128xf32>
    %max3A = arith.constant 0.000000e+00 : f32
    %max3A_19 = vector.broadcast %max3A : f32 to vector<256x128xf32>
    %max3A_20 = arith.maximumf %add3A_18, %max3A_19 : vector<256x128xf32>
    %get3A_21 = arith.constant 0 : index
    %get3A_22 = arith.constant 0 : index
    %get3A_23 = arith.constant 0 : index
    %get3A_24 = vector.load %arg4[%get3A_21, %get3A_22, %get3A_23] : memref<4x128x128xf32, #tpu.memory_space<vmem>>, vector<1x128x128xf32>
    %get3A_25 = vector.shape_cast %get3A_24 : vector<1x128x128xf32> to vector<128x128xf32>
    %dot_general3A = arith.constant dense<0.000000e+00> : vector<256x128xf32>
    %dot_general3A_26 = tpu.matmul %max3A_20, %get3A_25, %dot_general3A {dimension_numbers = #tpu.dot_dimension_numbers<[1], [0], [0], [1], [0, 0, 1, 1], [], []>, transpose_lhs_hint = false} : vector<256x128xf32>, vector<128x128xf32>, vector<256x128xf32> -> vector<256x128xf32>
    %add3A_27 = arith.addf %broadcast_in_dim3A_0, %dot_general3A_26 : vector<256x128xf32>
    %slice3A_28 = vector.extract_strided_slice %get3A_2 {offsets = [0, 16], sizes = [256, 16], strides = [1, 1]} : vector<256x64xf32> to vector<256x16xf32>
    %reduce_sum3A_29 = arith.constant dense<0.000000e+00> : vector<256xf32>
    %reduce_sum3A_30 = vector.multi_reduction <add>, %slice3A_28, %reduce_sum3A_29 [1] : vector<256x16xf32> to vector<256xf32>
    %broadcast_in_dim3A_31 = vector.shape_cast %reduce_sum3A_30 : vector<256xf32> to vector<256x1xf32>
    %get3A_32 = arith.constant 1 : index
    %get3A_33 = arith.constant 0 : index
    %get3A_34 = arith.constant 0 : index
    %get3A_35 = vector.load %arg1[%get3A_32, %get3A_33, %get3A_34] : memref<4x256x128xf32, #tpu.memory_space<vmem>>, vector<1x256x128xf32>
    %get3A_36 = vector.shape_cast %get3A_35 : vector<1x256x128xf32> to vector<256x128xf32>
    %add3A_37 = arith.constant 1.000000e-16 : f32
    %add3A_38 = vector.broadcast %add3A_37 : f32 to vector<256x1xf32>
    %add3A_39 = arith.addf %broadcast_in_dim3A_31, %add3A_38 : vector<256x1xf32>
    %div3A_40 = vector.broadcast %add3A_39 : vector<256x1xf32> to vector<256x128xf32>
    %div3A_41 = arith.divf %get3A_36, %div3A_40 : vector<256x128xf32>
    %get3A_42 = arith.constant 0 : index
    %get3A_43 = arith.constant 0 : index
    %get3A_44 = vector.load %arg3[%get3A_42, %get3A_43] : memref<4x128xf32, #tpu.memory_space<vmem>>, vector<4x128xf32>
    %slice3A_45 = vector.extract_strided_slice %get3A_44 {offsets = [1, 0], sizes = [1, 128], strides = [1, 1]} : vector<4x128xf32> to vector<1x128xf32>
    %add3A_46 = vector.broadcast %slice3A_45 : vector<1x128xf32> to vector<256x128xf32>
    %add3A_47 = arith.addf %div3A_41, %add3A_46 : vector<256x128xf32>
    %max3A_48 = arith.constant 0.000000e+00 : f32
    %max3A_49 = vector.broadcast %max3A_48 : f32 to vector<256x128xf32>
    %max3A_50 = arith.maximumf %add3A_47, %max3A_49 : vector<256x128xf32>
    %get3A_51 = arith.constant 1 : index
    %get3A_52 = arith.constant 0 : index
    %get3A_53 = arith.constant 0 : index
    %get3A_54 = vector.load %arg4[%get3A_51, %get3A_52, %get3A_53] : memref<4x128x128xf32, #tpu.memory_space<vmem>>, vector<1x128x128xf32>
    %get3A_55 = vector.shape_cast %get3A_54 : vector<1x128x128xf32> to vector<128x128xf32>
    %dot_general3A_56 = arith.constant dense<0.000000e+00> : vector<256x128xf32>
    %dot_general3A_57 = tpu.matmul %max3A_50, %get3A_55, %dot_general3A_56 {dimension_numbers = #tpu.dot_dimension_numbers<[1], [0], [0], [1], [0, 0, 1, 1], [], []>, transpose_lhs_hint = false} : vector<256x128xf32>, vector<128x128xf32>, vector<256x128xf32> -> vector<256x128xf32>
    %add3A_58 = arith.addf %add3A_27, %dot_general3A_57 : vector<256x128xf32>
    %slice3A_59 = vector.extract_strided_slice %get3A_2 {offsets = [0, 32], sizes = [256, 16], strides = [1, 1]} : vector<256x64xf32> to vector<256x16xf32>
    %reduce_sum3A_60 = arith.constant dense<0.000000e+00> : vector<256xf32>
    %reduce_sum3A_61 = vector.multi_reduction <add>, %slice3A_59, %reduce_sum3A_60 [1] : vector<256x16xf32> to vector<256xf32>
    %broadcast_in_dim3A_62 = vector.shape_cast %reduce_sum3A_61 : vector<256xf32> to vector<256x1xf32>
    %get3A_63 = arith.constant 2 : index
    %get3A_64 = arith.constant 0 : index
    %get3A_65 = arith.constant 0 : index
    %get3A_66 = vector.load %arg1[%get3A_63, %get3A_64, %get3A_65] : memref<4x256x128xf32, #tpu.memory_space<vmem>>, vector<1x256x128xf32>
    %get3A_67 = vector.shape_cast %get3A_66 : vector<1x256x128xf32> to vector<256x128xf32>
    %add3A_68 = arith.constant 1.000000e-16 : f32
    %add3A_69 = vector.broadcast %add3A_68 : f32 to vector<256x1xf32>
    %add3A_70 = arith.addf %broadcast_in_dim3A_62, %add3A_69 : vector<256x1xf32>
    %div3A_71 = vector.broadcast %add3A_70 : vector<256x1xf32> to vector<256x128xf32>
    %div3A_72 = arith.divf %get3A_67, %div3A_71 : vector<256x128xf32>
    %get3A_73 = arith.constant 0 : index
    %get3A_74 = arith.constant 0 : index
    %get3A_75 = vector.load %arg3[%get3A_73, %get3A_74] : memref<4x128xf32, #tpu.memory_space<vmem>>, vector<4x128xf32>
    %slice3A_76 = vector.extract_strided_slice %get3A_75 {offsets = [2, 0], sizes = [1, 128], strides = [1, 1]} : vector<4x128xf32> to vector<1x128xf32>
    %add3A_77 = vector.broadcast %slice3A_76 : vector<1x128xf32> to vector<256x128xf32>
    %add3A_78 = arith.addf %div3A_72, %add3A_77 : vector<256x128xf32>
    %max3A_79 = arith.constant 0.000000e+00 : f32
    %max3A_80 = vector.broadcast %max3A_79 : f32 to vector<256x128xf32>
    %max3A_81 = arith.maximumf %add3A_78, %max3A_80 : vector<256x128xf32>
    %get3A_82 = arith.constant 2 : index
    %get3A_83 = arith.constant 0 : index
    %get3A_84 = arith.constant 0 : index
    %get3A_85 = vector.load %arg4[%get3A_82, %get3A_83, %get3A_84] : memref<4x128x128xf32, #tpu.memory_space<vmem>>, vector<1x128x128xf32>
    %get3A_86 = vector.shape_cast %get3A_85 : vector<1x128x128xf32> to vector<128x128xf32>
    %dot_general3A_87 = arith.constant dense<0.000000e+00> : vector<256x128xf32>
    %dot_general3A_88 = tpu.matmul %max3A_81, %get3A_86, %dot_general3A_87 {dimension_numbers = #tpu.dot_dimension_numbers<[1], [0], [0], [1], [0, 0, 1, 1], [], []>, transpose_lhs_hint = false} : vector<256x128xf32>, vector<128x128xf32>, vector<256x128xf32> -> vector<256x128xf32>
    %add3A_89 = arith.addf %add3A_58, %dot_general3A_88 : vector<256x128xf32>
    %slice3A_90 = vector.extract_strided_slice %get3A_2 {offsets = [0, 48], sizes = [256, 16], strides = [1, 1]} : vector<256x64xf32> to vector<256x16xf32>
    %reduce_sum3A_91 = arith.constant dense<0.000000e+00> : vector<256xf32>
    %reduce_sum3A_92 = vector.multi_reduction <add>, %slice3A_90, %reduce_sum3A_91 [1] : vector<256x16xf32> to vector<256xf32>
    %broadcast_in_dim3A_93 = vector.shape_cast %reduce_sum3A_92 : vector<256xf32> to vector<256x1xf32>
    %get3A_94 = arith.constant 3 : index
    %get3A_95 = arith.constant 0 : index
    %get3A_96 = arith.constant 0 : index
    %get3A_97 = vector.load %arg1[%get3A_94, %get3A_95, %get3A_96] : memref<4x256x128xf32, #tpu.memory_space<vmem>>, vector<1x256x128xf32>
    %get3A_98 = vector.shape_cast %get3A_97 : vector<1x256x128xf32> to vector<256x128xf32>
    %add3A_99 = arith.constant 1.000000e-16 : f32
    %add3A_100 = vector.broadcast %add3A_99 : f32 to vector<256x1xf32>
    %add3A_101 = arith.addf %broadcast_in_dim3A_93, %add3A_100 : vector<256x1xf32>
    %div3A_102 = vector.broadcast %add3A_101 : vector<256x1xf32> to vector<256x128xf32>
    %div3A_103 = arith.divf %get3A_98, %div3A_102 : vector<256x128xf32>
    %get3A_104 = arith.constant 0 : index
    %get3A_105 = arith.constant 0 : index
    %get3A_106 = vector.load %arg3[%get3A_104, %get3A_105] : memref<4x128xf32, #tpu.memory_space<vmem>>, vector<4x128xf32>
    %slice3A_107 = vector.extract_strided_slice %get3A_106 {offsets = [3, 0], sizes = [1, 128], strides = [1, 1]} : vector<4x128xf32> to vector<1x128xf32>
    %add3A_108 = vector.broadcast %slice3A_107 : vector<1x128xf32> to vector<256x128xf32>
    %add3A_109 = arith.addf %div3A_103, %add3A_108 : vector<256x128xf32>
    %max3A_110 = arith.constant 0.000000e+00 : f32
    %max3A_111 = vector.broadcast %max3A_110 : f32 to vector<256x128xf32>
    %max3A_112 = arith.maximumf %add3A_109, %max3A_111 : vector<256x128xf32>
    %get3A_113 = arith.constant 3 : index
    %get3A_114 = arith.constant 0 : index
    %get3A_115 = arith.constant 0 : index
    %get3A_116 = vector.load %arg4[%get3A_113, %get3A_114, %get3A_115] : memref<4x128x128xf32, #tpu.memory_space<vmem>>, vector<1x128x128xf32>
    %get3A_117 = vector.shape_cast %get3A_116 : vector<1x128x128xf32> to vector<128x128xf32>
    %dot_general3A_118 = arith.constant dense<0.000000e+00> : vector<256x128xf32>
    %dot_general3A_119 = tpu.matmul %max3A_112, %get3A_117, %dot_general3A_118 {dimension_numbers = #tpu.dot_dimension_numbers<[1], [0], [0], [1], [0, 0, 1, 1], [], []>, transpose_lhs_hint = false} : vector<256x128xf32>, vector<128x128xf32>, vector<256x128xf32> -> vector<256x128xf32>
    %add3A_120 = arith.addf %add3A_89, %dot_general3A_119 : vector<256x128xf32>
    %swap3A = arith.constant 0 : index
    %swap3A_121 = arith.constant 0 : index
    %swap3A_122 = vector.load %arg5[%swap3A, %swap3A_121] : memref<256x128xf32, #tpu.memory_space<vmem>>, vector<256x128xf32>
    tpu.vector_store %arg5[%swap3A, %swap3A_121], %add3A_120 {strides = array<i32>} : memref<256x128xf32, #tpu.memory_space<vmem>>, vector<256x128xf32>,
    return
  }
  func.func @transform_0(%arg0: i32) -> (i32, i32, i32) {
    %c0_i32 = arith.constant 0 : i32
    %c0_i32_0 = arith.constant 0 : i32
    %c0_i32_1 = arith.constant 0 : i32
    return %c0_i32, %arg0, %c0_i32_0 : i32, i32, i32
  }
  func.func @transform_1(%arg0: i32) -> (i32, i32) {
    %c0_i32 = arith.constant 0 : i32
    %c0_i32_0 = arith.constant 0 : i32
    return %arg0, %c0_i32 : i32, i32
  }
  func.func @transform_2(%arg0: i32) -> (i32, i32) {
    %c0_i32 = arith.constant 0 : i32
    %c0_i32_0 = arith.constant 0 : i32
    %c0_i32_1 = arith.constant 0 : i32
    return %c0_i32, %c0_i32_0 : i32, i32
  }
  func.func @transform_3(%arg0: i32) -> (i32, i32, i32) {
    %c0_i32 = arith.constant 0 : i32
    %c0_i32_0 = arith.constant 0 : i32
    %c0_i32_1 = arith.constant 0 : i32
    %c0_i32_2 = arith.constant 0 : i32
    return %c0_i32, %c0_i32_0, %c0_i32_1 : i32, i32, i32
  }
  func.func @transform_4(%arg0: i32) -> (i32, i32) {
    %c0_i32 = arith.constant 0 : i32
    %c0_i32_0 = arith.constant 0 : i32
    return %arg0, %c0_i32 : i32, i32
  }
}

module attributes {stable_mosaic.version = 14 : i64} {
  func.func @_mmE(%arg0: i32, %arg1: memref<2x256x128xf32, #tpu.memory_space<vmem>>, %arg2: memref<256x32xf32, #tpu.memory_space<vmem>>, %arg3: memref<1x128xf32, #tpu.memory_space<vmem>>, %arg4: memref<256x128xf32, #tpu.memory_space<vmem>>) attributes {dimension_semantics = [#tpu.dimension_semantics<parallel>], iteration_bounds = array<i64: 40>, scalar_prefetch = 0 : i64, scratch_operands = 0 : i64, tpu.core_type = #tpu.core_type<tc>, window_params = [{transform_indices = @transform_0, window_bounds = array<i64: 2, 256, 128>}, {transform_indices = @transform_1, window_bounds = array<i64: 256, 32>}, {pipeline_mode = #tpu.pipeline_mode<synchronous>, transform_indices = @transform_2, window_bounds = array<i64: 1, 128>}, {transform_indices = @transform_3, window_bounds = array<i64: 256, 128>}]} {
    %get3A = arith.constant 0 : index
    %get3A_0 = arith.constant 0 : index
    %get3A_1 = vector.load %arg2[%get3A, %get3A_0] : memref<256x32xf32, #tpu.memory_space<vmem>>, vector<256x32xf32>
    %reduce_sum3A = arith.constant dense<0.000000e+00> : vector<256xf32>
    %reduce_sum3A_2 = vector.multi_reduction <add>, %get3A_1, %reduce_sum3A [1] : vector<256x32xf32> to vector<256xf32>
    %broadcast_in_dim3A = vector.shape_cast %reduce_sum3A_2 : vector<256xf32> to vector<256x1xf32>
    %add3A = arith.constant 1.000000e-16 : f32
    %add3A_3 = vector.broadcast %add3A : f32 to vector<256x1xf32>
    %add3A_4 = arith.addf %broadcast_in_dim3A, %add3A_3 : vector<256x1xf32>
    %get3A_5 = arith.constant 0 : index
    %get3A_6 = arith.constant 0 : index
    %get3A_7 = arith.constant 0 : index
    %get3A_8 = vector.load %arg1[%get3A_5, %get3A_6, %get3A_7] : memref<2x256x128xf32, #tpu.memory_space<vmem>>, vector<1x256x128xf32>
    %get3A_9 = vector.shape_cast %get3A_8 : vector<1x256x128xf32> to vector<256x128xf32>
    %get3A_10 = arith.constant 1 : index
    %get3A_11 = arith.constant 0 : index
    %get3A_12 = arith.constant 0 : index
    %get3A_13 = vector.load %arg1[%get3A_10, %get3A_11, %get3A_12] : memref<2x256x128xf32, #tpu.memory_space<vmem>>, vector<1x256x128xf32>
    %get3A_14 = vector.shape_cast %get3A_13 : vector<1x256x128xf32> to vector<256x128xf32>
    %add3A_15 = arith.addf %get3A_9, %get3A_14 : vector<256x128xf32>
    %div3A = vector.broadcast %add3A_4 : vector<256x1xf32> to vector<256x128xf32>
    %div3A_16 = arith.divf %add3A_15, %div3A : vector<256x128xf32>
    %get3A_17 = arith.constant 0 : index
    %get3A_18 = arith.constant 0 : index
    %get3A_19 = vector.load %arg3[%get3A_17, %get3A_18] : memref<1x128xf32, #tpu.memory_space<vmem>>, vector<1x128xf32>
    %add3A_20 = vector.broadcast %get3A_19 : vector<1x128xf32> to vector<256x128xf32>
    %add3A_21 = arith.addf %div3A_16, %add3A_20 : vector<256x128xf32>
    %swap3A = arith.constant 0 : index
    %swap3A_22 = arith.constant 0 : index
    %swap3A_23 = vector.load %arg4[%swap3A, %swap3A_22] : memref<256x128xf32, #tpu.memory_space<vmem>>, vector<256x128xf32>
    tpu.vector_store %arg4[%swap3A, %swap3A_22], %add3A_21 {strides = array<i32>} : memref<256x128xf32, #tpu.memory_space<vmem>>, vector<256x128xf32>,
    return
  }
  func.func @transform_0(%arg0: i32) -> (i32, i32, i32) {
    %c0_i32 = arith.constant 0 : i32
    %c0_i32_0 = arith.constant 0 : i32
    %c0_i32_1 = arith.constant 0 : i32
    return %c0_i32, %arg0, %c0_i32_0 : i32, i32, i32
  }
  func.func @transform_1(%arg0: i32) -> (i32, i32) {
    %c0_i32 = arith.constant 0 : i32
    %c0_i32_0 = arith.constant 0 : i32
    return %arg0, %c0_i32 : i32, i32
  }
  func.func @transform_2(%arg0: i32) -> (i32, i32) {
    %c0_i32 = arith.constant 0 : i32
    %c0_i32_0 = arith.constant 0 : i32
    %c0_i32_1 = arith.constant 0 : i32
    return %c0_i32, %c0_i32_0 : i32, i32
  }
  func.func @transform_3(%arg0: i32) -> (i32, i32) {
    %c0_i32 = arith.constant 0 : i32
    %c0_i32_0 = arith.constant 0 : i32
    return %arg0, %c0_i32 : i32, i32
  }
}

</mosaic_0001>

<sc_bundles>
// kernel: kernel.10.cloned.1.call-start
scs
__scs_entry_jumppad:
0x0: {  	(pc) =	sbr.rel $0x88, $3  }
0x1: {  	(tag) =	ssettag $0x0;
	lr =	simm.s32 $0x1  }
0x2: {  	[smem:$0x3F97] =	sst lr;
	_ =	strace $0xD0000000  }
0x3: {  	_ = 	snop  }
0x4: {  	_ = 	snop  }
0x5: {  	_ = 	snop  }
0x6: {  	_ = 	snop  }
0x7: {  	_ = 	snop  }
__scs_overlays_trampoline_lowered:
0x8: {  	[smem:$0x3FA6] =	sst s0  }
0x9: {  	[smem:$0x3FA7] =	sst s1  }
0xa: {  	[smem:$0x3FA8] =	sst s2  }
0xb: {  	[smem:$0x3FA9] =	sst s3  }
0xc: {  	[smem:$0x3FAA] =	sst s4  }
0xd: {  	[smem:$0x3FAB] =	sst s5  }
0xe: {  	[smem:$0x3FAC] =	sst s6  }
0xf: {  	[smem:$0x3FAD] =	sst s7  }
0x10: {  	[smem:$0x3FAE] =	sst s8  }
0x11: {  	[smem:$0x3FAF] =	sst s9;
	s0 =	simm.s32 @!p0 $0x0  }
0x12: {  	s1 =	sld [smem:$0x3F95];
	s0 =	simm.s32 @p0 $0x1  }
0x13: {  	[smem:$0x3FB0] =	sst s0;
	s0 =	simm.s32 @!p1 $0x0  }
0x14: {  	s2 =	sld [smem:$0x3F94];
	s0 =	simm.s32 @p1 $0x1  }
0x15: {  	[smem:$0x3FB1] =	sst s0;
	s0 =	simm.s32 @!p2 $0x0  }
0x16: {  	s3 =	sld [smem:$0x3FDB];
	s0 =	simm.s32 @p2 $0x1  }
0x17: {  	s4 =	simm.s32 $0x1BF5;
	[smem:$0x3FB3] =	sst s0  }
0x18: {  	s0 =	sld [smem:$0x3F96];
	_ =	swait.ge [sflag:s4], $0x0  }
0x19: {  	s7 =	sld [smem:$0x3F97]  }
0x1a: {  	s8 =	sadd.s32 $0xFFFFE003, lr  }
0x1b: {  	s9 =	sadd.s32 $0xFFFFFEF7, lr;
	s5 =	simm.s32 $0xFFFFFFFF;
	p2 =	slt.u32 s8, $0xFFFFF086  }
0x1c: {  	p1 =	slt.u32 s9, $0xF7A;
	s5 =	simm.s32 @!p2 $0x0  }
0x1d: {  	s5 =	simm.s32 @p1 $0x1;
	p0 =	seq.s32 s7, s2  }
0x1e: {  	s7 =	smul.u32 @!p0 $0xF7A, s2;
	p2 =	seq.s32 @!p0 s5, $0x0  }
0x1f: {  	s9 =	smul.u32 $0xF7A, s1;
	s8 =	simm.s32 @!p0 $0x1BF5;
	p2 =	por !p2, p0  }
0x20: {  	[sflag:s8] =	ssyncset.s32 @!p0 $0xFFFFF086;
	s6 =	sadd.s32 @!p0 s3, s7;
	s7 =	simm.s32 @!p0 $0x108  }
0x21: {  	s3 =	sadd.s32 s3, s9;
	s6 =	sadd.s32 @!p0 $0x88, s6;
	s7 =	simm.s32 @p2 $0x1082  }
0x22: {  	[simem:s7], [sflag:s8] =	dma.local @!p0 [hbm:s6], $0xF7A  }
0x23: {  	s9 =	sor.u32 $0xD0000000, s2;
	s6 =	simm.s32 $0x108;
	_ =	swait.ge @!p0 [sflag:s8], $0x0  }
0x24: {  	s3 =	sadd.s32 $0x88, s3;
	s6 =	simm.s32 @!p1 $0x1082;
	[sflag:s4] =	ssyncset.s32 $0xFFFFF086  }
0x25: {  	[simem:s6], [sflag:s4] =	dma.local [hbm:s3], $0xF7A  }
0x26: {  	[smem:$0x3F97] =	sst s1;
	(tag) =	ssettag s2;
	_ =	strace s9  }
0x27: {  	s1 =	sld [smem:$0x3FA7]  }
0x28: {  	s2 =	sld [smem:$0x3FA8]  }
0x29: {  	s4 =	sld [smem:$0x3FAA]  }
0x2a: {  	p0 =	seq.s32 s5, $0x0;
	s5 =	sld [smem:$0x3FAB]  }
0x2b: {  	s6 =	sld [smem:$0x3FAC]  }
0x2c: {  	s7 =	sld [smem:$0x3FAD]  }
0x2d: {  	s3 =	simm.s32 $0x108;
	s8 =	sld [smem:$0x3FAE]  }
0x2e: {  	s3 =	simm.s32 @!p0 $0x1082;
	s9 =	sld [smem:$0x3FAF]  }
0x2f: {  	lr =	sadd.s32 s0, s3;
	s0 =	sld [smem:$0x3FA6]  }
0x30: {  	s3 =	sld [smem:$0x3FA9]  }
0x31: {  	[smem:$0x3FB2] =	sst s10  }
0x32: {  	s10 =	sld [smem:$0x3FB0];
	_ =	sdelay $0x3  }
0x33: {  	p0 =	seq.s32 s10, $0x1;
	s10 =	sld [smem:$0x3FB2];
	_ =	sdelay $0x3  }
0x34: {  	[smem:$0x3FB2] =	sst s10  }
0x35: {  	s10 =	sld [smem:$0x3FB1];
	_ =	sdelay $0x3  }
0x36: {  	p1 =	seq.s32 s10, $0x1;
	s10 =	sld [smem:$0x3FB2];
	_ =	sdelay $0x3  }
0x37: {  	[smem:$0x3FB2] =	sst s10  }
0x38: {  	s10 =	sld [smem:$0x3FB3]  }
0x39: {  	_ = 	snop;
	(pc) =	sbr.ind lr, $3  }
0x3a: {  	_ = 	snop  }
0x3b: {  	_ = 	snop  }
0x3c: {  	p2 =	seq.s32 s10, $0x1;
	s10 =	sld [smem:$0x3FB2]  }
0x3d: {  	_ =	shalt  }
0x3e: {  	_ =	shalt  }
0x3f: {  	_ =	shalt  }
0x40: {  	_ =	shalt  }
0x41: {  	_ =	shalt  }
0x42: {  	_ =	shalt  }
0x43: {  	_ =	shalt  }
0x44: {  	_ =	shalt  }
0x45: {  	_ =	shalt  }
0x46: {  	_ =	shalt  }
0x47: {  	_ =	shalt  }
0x48: {  	_ =	shalt  }
0x49: {  	_ =	shalt  }
0x4a: {  	_ =	shalt  }
0x4b: {  	_ =	shalt  }
0x4c: {  	_ =	shalt  }
0x4d: {  	_ =	shalt  }
0x4e: {  	_ =	shalt  }
0x4f: {  	_ =	shalt  }
0x50: {  	_ =	shalt  }
0x51: {  	_ =	shalt  }
0x52: {  	_ =	shalt  }
0x53: {  	_ =	shalt  }
0x54: {  	_ =	shalt  }
0x55: {  	_ =	shalt  }
0x56: {  	_ =	shalt  }
0x57: {  	_ =	shalt  }
0x58: {  	_ =	shalt  }
0x59: {  	_ =	shalt  }
0x5a: {  	_ =	shalt  }
0x5b: {  	_ =	shalt  }
0x5c: {  	_ =	shalt  }
0x5d: {  	_ =	shalt  }
0x5e: {  	_ =	shalt  }
0x5f: {  	_ =	shalt  }
0x60: {  	_ =	shalt  }
0x61: {  	_ =	shalt  }
0x62: {  	_ =	shalt  }
0x63: {  	_ =	shalt  }
0x64: {  	_ =	shalt  }
0x65: {  	_ =	shalt  }
0x66: {  	_ =	shalt  }
0x67: {  	_ =	shalt  }
0x68: {  	_ =	shalt  }
0x69: {  	_ =	shalt  }
0x6a: {  	_ =	shalt  }
0x6b: {  	_ =	shalt  }
0x6c: {  	_ =	shalt  }
0x6d: {  	_ =	shalt  }
0x6e: {  	_ =	shalt  }
0x6f: {  	_ =	shalt  }
0x70: {  	_ =	shalt  }
0x71: {  	_ =	shalt  }
0x72: {  	_ =	shalt  }
0x73: {  	_ =	shalt  }
0x74: {  	_ =	shalt  }
0x75: {  	_ =	shalt  }
0x76: {  	_ =	shalt  }
0x77: {  	_ =	shalt  }
0x78: {  	_ =	shalt  }
0x79: {  	_ =	shalt  }
0x7a: {  	_ =	shalt  }
0x7b: {  	_ =	shalt  }
0x7c: {  	_ =	shalt  }
0x7d: {  	_ =	shalt  }
0x7e: {  	_ =	shalt  }
0x7f: {  	_ =	shalt  }
0x80: {  	_ =	shalt  }
0x81: {  	_ =	shalt  }
0x82: {  	_ =	shalt  }
0x83: {  	_ =	shalt  }
0x84: {  	_ =	shalt  }
0x85: {  	_ =	shalt  }
0x86: {  	_ =	shalt  }
0x87: {  	_ =	shalt  }
.Lfunc_end0:
.L_simem_size_0:
called_computation.1_lowered:
.L_overlay_start_0:
0x88: {  	s2 =	sld [smem:$0x3FD9]  }
0x89: {  	s3 =	sld [smem:$0x3FFE];
	_ =	sdelay $0x1  }
0x8a: {  	s1 =	srdreg.scid  }
0x8b: {  	s0 =	sand.u32 $0x1, s1  }
0x8c: {  	s17 =	sshll.u32 s0, $0xA;
	s2 =	sadd.s32 s3, s2  }
0x8d: {  	s2 =	sadd.s32 s2, s17  }
0x8e: {  	[smem:$0x3FBE] =	sst s2  }
0x8f: {  	_ = 	snop  }
0x90: {  	s2 =	sld [smem:$0x3FD0];
	(tm) =	ssettm $0x1  }
0x91: {  	s18 =	sld [smem:$0x3FFB];
	_ =	sdelay $0x3  }
0x92: {  	_ =	strace s18  }
0x93: {  	s3 =	sld [smem:$0x3FFC];
	_ =	sdelay $0x3  }
0x94: {  	_ =	strace s3  }
0x95: {  	s3 =	sld [smem:$0x3FFD];
	_ =	sdelay $0x3  }
0x96: {  	_ =	strace s3  }
0x97: {  	_ =	strace $0x8FFFFFFF  }
0x98: {  	s19 =	sld [smem:$0x3FDB];
	_ =	sdelay $0x1  }
0x99: {  	s4 =	simm.s32 $_scs_section_size  }
0x9a: {  	s5 =	simm.s32 $_size__tile_overlayer_lowered;
	s6 =	simm.s32 $_tile_overlayer_lowered  }
0x9b: {  	s22 =	simm.s32 $0x1BFF;
	s21 =	sshll.u32 s6, $0x1;
	s3 =	sadd.s32 s4, s19  }
0x9c: {  	s7 =	simm.s32 $0x0;
	s20 =	sshll.u32 s5, $0x1;
	s5 =	sadd.s32 s21, s3  }
0x9d: {  	[timem:s7], [sflag:s22] =	dma.local [hbm:s5], s20  }
0x9e: {  	_ =	swait.ge [sflag:s22], s20  }
0x9f: {  	s4 =	ssub.s32 $0x0, s20;
	[sflag:s22] =	ssyncset.done $0x0  }
0xa0: {  	[sflag:s22] =	ssyncadd.s32 s4;
	_ =	sdelay $0x1  }
0xa1: {  	s23 =	simm.s32 $0x1B8B  }
0xa2: {  	_ =	swait.ge [sflag:s23], $0x1  }
0xa3: {  	[sflag:s23] =	ssyncset.done $0x0  }
0xa4: {  	s25 =	simm.s32 $0x1B8E;
	s24 =	sld [smem:$0x3FFE];
	[sflag:s23] =	ssyncadd.s32 $0xFFFFFFFF  }
0xa5: {  	s26 =	simm.s32 $execute0_lowered;
	[smem:$0x3FD2] =	sst s25  }
0xa6: {  	s5 =	sshll.u32 s26, $0x1;
	_ =	strace $0x80000049;
	[dreg:$0x1] =	wrdreg $0xFFFFFFFF  }
0xa7: {  	s28 =	simm.s32 $_size_execute0_lowered;
	s3 =	sadd.s32 s3, s5;
	[dreg:$0x0] =	wrdreg $0x0  }
0xa8: {  	s5 =	sshll.u32 s28, $0x1;
	[dreg:$0x2] =	wrdreg s3  }
0xa9: {  	[dreg:$0x3] =	wrdreg s5  }
0xaa: {  	[dreg:$0x4] =	wrdreg $0xC0  }
0xab: {  	_ =	task [dreg:s7], $0x5FFFF  }
0xac: {  	[dreg:$0x1] =	wrdreg $0xFFFFFFFF  }
0xad: {  	[dreg:$0x0] =	wrdreg $0x60  }
0xae: {  	[dreg:$0x2] =	wrdreg s2  }
0xaf: {  	[dreg:$0x3] =	wrdreg s24  }
0xb0: {  	[dreg:$0x4] =	wrdreg $0x0  }
0xb1: {  	[dreg:$0x5] =	wrdreg $0x9  }
0xb2: {  	_ =	task.clear_ibuf [dreg:s7], $0x6FFFF;
	_ =	strace $0x90000049  }
0xb3: {  	s29 =	simm.s32 $0x9;
	_ =	strace $0x8000004B  }
0xb4: {  	_ =	swait.ge [sflag:s29], $0x1  }
0xb5: {  	[sflag:s29] =	ssyncadd.s32 $0xFFFFFFFF  }
0xb6: {  	_ =	strace $0x9000004B  }
0xb7: {  	_ =	sfence  }
0xb8: {  	s30 =	sld [smem:$0x0];
	_ =	sdelay $0x2  }
0xb9: {  	s31 =	sshll.u32 s1, $0xD;
	s1 =	sshrl.u32 s1, $0x2  }
0xba: {  	s3 =	sand.u32 $0x4000, s31;
	s1 =	sadd.s32 s1, s30  }
0xbb: {  	s0 =	sor.u32 s3, s0;
	s1 =	sshll.u32 s1, $0x11  }
0xbc: {  	s0 =	sor.u32 s1, s0  }
0xbd: {  	s0 =	sadd.s32 $0x8F2B, s0  }
0xbe: {  	[sflag:s0] =	ssyncadd.remote.s32 $0x1  }
0xbf: {  	_ =	sfence.sel $0xFFFF  }
0xc0: {  	[dreg:$0x0] =	wrdreg $0xFFFFFFFF;
	(pc) =	sbr.abs _section_cstart, $3  }
0xc1: {  	[dreg:$0x1] =	wrdreg $0xFFFFFFFF  }
0xc2: {  	_ =	task.clear_ibuf [dreg:s7], $0x2FFFF;
	_ =	strace $0x9FFFFFFF  }
0xc3: {  	(tm) =	ssettm $0x7FFFFFFF  }
tec
execute0_lowered:
.L_overlay_start_1:
0x0: {  	(tag) =	ssettag $0x1  }
0x1: {  	s1 =	rddreg [dreg:$0x0]  }
0x2: {  	s0 =	rddreg [dreg:$0x1]  }
0x3: {  	s2 =	rddreg [dreg:$0x2]  }
0x4: {  	s3 =	srdreg.scid;
	s4 =	simm.s32 $0x0;
	s12 =	stileid.u32  }
0x5: {  	s18 =	simm.s32 $0x1B980;
	s19 =	simm.s32 $0x2;
	s20 =	simm.s32 $0x80  }
0x6: {  	s21 =	simm.s32 $0x100;
	s22 =	simm.s32 $0x14000;
	s28 =	simm.s32 $0x1  }
0x7: {  	s29 =	simm.s32 $0x1B900;
	s31 =	simm.s32 $0x0;
	s7 =	smul.u32 $0x14000, s12  }
0x8: {  	s3 =	sand.u32 $0x1, s3;
	[smem:$0x7FF] =	sst s4;
	s10 =	smul.u32 $0x50000, s12  }
0x9: {  	s9 =	sshrl.u32 s12, $0x3;
	s5 =	sadd.s32 $0xA4800, s0;
	s6 =	smul.u32 $0x140000, s3  }
0xa: {  	s24 =	sadd.s32 $0x2A000, s0;
	s25 =	sshll.u32 s12, $0x7;
	s8 =	smul.u32 $0x28000, s3  }
0xb: {  	s13 =	sadd.s32 $0x2A010, s0;
	_ =	strace $0x8000004A;
	s23 =	smul.u32 $0x14000, s9  }
0xc: {  	[dreg:$0x4] =	wrdreg s24;
	s9 =	sand.u32 $0x380, s25;
	s26 =	ssub.s32 $0x2, s3  }
0xd: {  	s3 =	sshll.u32 s3, $0x4;
	s24 =	simm.s32 $0x1B800;
	s25 =	simm.s32 $0x1B880  }
0xe: {  	s10 =	sshrl.u32 s10, $0x2;
	s11 =	sshrl.u32 s26, $0x1;
	s3 =	sor.u32 s12, s3  }
0xf: {  	s6 =	sadd.s32 s7, s6;
	s8 =	sadd.s32 s8, s23;
	s7 =	sadd.s32 $0x2000, s0  }
0x10: {  	s17 =	ssub.s32 s26, s11;
	s14 =	smul.u32 $0x54, s3;
	s23 =	simm.s32 $0x16800  }
0x11: {  	s26 =	simm.s32 $0x19000;
	s6 =	sshrl.u32 s6, $0x3;
	s8 =	sor.u32 s9, s8  }
0x12: {  	s17 =	smax.u32 s17, $0x1;
	s6 =	sadd.s32 s6, s0;
	s8 =	sshrl.u32 s8, $0x3  }
0x13: {  	s16 =	sadd.s32 s8, s0;
	s8 =	sadd.s32 s10, s2;
	s15 =	sadd.s32 $0x34A00, s6  }
0x14: {  	s30 =	sadd.s32 $0x4000, s8;
	s10 =	sadd.s32 $0x8000, s8;
	s11 =	sadd.s32 $0xC000, s8  }
0x15: {  	v0 =	vimm.f32 $0.0e+00;
	s12 =	sadd.s32 $0x10000, s8;
	s16 =	sadd.s32 $0x2AA00, s16;
	[dreg:$0x5] =	wrdreg s30  }
.LBB2_1:
0x16: {  	s0 =	simm.s32 $0x0;
	s3 =	simm.s32 $0x200  }
.LBB2_2:
0x17: {  	p0 =	sne.s32 s3, $0xFE00;
	[tilespmem:s0+$0x1B9F0] =	vst v0  }
0x18: {  	[tilespmem:s0+$0x1B980] =	vst v0  }
0x19: {  	[tilespmem:s0+$0x1B990] =	vst v0  }
.Ltmp0:
0x1a: {  	[tilespmem:s0+$0x1B9A0] =	vst v0;
	(pc) =	sbr.rel @p0 .LBB2_2-.Ltmp0, $4  }
0x1b: {  	[tilespmem:s0+$0x1B9B0] =	vst v0  }
0x1c: {  	[tilespmem:s0+$0x1B9C0] =	vst v0  }
0x1d: {  	[tilespmem:s0+$0x1B9D0] =	vst v0  }
0x1e: {  	[tilespmem:s0+$0x1B9E0] =	vst v0;
	s0 =	sshra.s32 s3, $0x2;
	s3 =	sadd.s32 $0x200, s3  }
0x1f: {  	[tilespmem:s0+$0x1B9F0] =	vst v0  }
0x20: {  	[tilespmem:s0+$0x1B980] =	vst v0  }
0x21: {  	[tilespmem:s0+$0x1B990] =	vst v0  }
0x22: {  	[tilespmem:s0+$0x1B9A0] =	vst v0  }
0x23: {  	[tilespmem:s0+$0x1B9B0] =	vst v0  }
0x24: {  	[tilespmem:s0+$0x1B9C0] =	vst v0  }
0x25: {  	[tilespmem:s0+$0x1B9D0] =	vst v0  }
0x26: {  	[tilespmem:s0+$0x1B9E0] =	vst v0  }
0x27: {  	[spmem:s8] =	stream.linear.scatter [tilespmem:s18], [sflag:$0x2], $0x4000, $0x38;
	[tilespmem:$0x1F980] =	vst v63  }
0x28: {  	_ =	swait.ge [sflag:s19], $0x4000  }
0x29: {  	[sflag:s19] =	ssyncset.done $0x0  }
0x2a: {  	s30 =	rddreg [dreg:$0x5];
	[sflag:s19] =	ssyncadd.s32 $0xFFFFC000  }
0x2b: {  	[spmem:s30] =	stream.linear.scatter [tilespmem:s18], [sflag:$0x2], $0x4000, $0x38;
	[tilespmem:$0x1F980] =	vst v63  }
0x2c: {  	_ =	swait.ge [sflag:s19], $0x4000  }
0x2d: {  	[sflag:s19] =	ssyncset.done $0x0  }
0x2e: {  	[sflag:s19] =	ssyncadd.s32 $0xFFFFC000  }
0x2f: {  	[spmem:s10] =	stream.linear.scatter [tilespmem:s18], [sflag:$0x2], $0x4000, $0x38;
	[tilespmem:$0x1F980] =	vst v63  }
0x30: {  	_ =	swait.ge [sflag:s19], $0x4000  }
0x31: {  	[sflag:s19] =	ssyncset.done $0x0  }
0x32: {  	[sflag:s19] =	ssyncadd.s32 $0xFFFFC000  }
0x33: {  	[spmem:s11] =	stream.linear.scatter [tilespmem:s18], [sflag:$0x2], $0x4000, $0x38;
	[tilespmem:$0x1F980] =	vst v63  }
0x34: {  	_ =	swait.ge [sflag:s19], $0x4000  }
0x35: {  	[sflag:s19] =	ssyncset.done $0x0  }
0x36: {  	[sflag:s19] =	ssyncadd.s32 $0xFFFFC000  }
0x37: {  	[spmem:s12] =	stream.linear.scatter [tilespmem:s18], [sflag:$0x2], $0x4000, $0x38;
	[tilespmem:$0x1F980] =	vst v63  }
0x38: {  	_ =	swait.ge [sflag:s19], $0x4000  }
0x39: {  	[sflag:s19] =	ssyncset.done $0x0  }
0x3a: {  	s0 =	simm.s32 $0x40;
	s3 =	simm.s32 $0x0;
	[sflag:s19] =	ssyncadd.s32 $0xFFFFC000  }
.LBB2_4:
0x3b: {  	p0 =	sne.s32 s0, $0x9FC0;
	[tilespmem:s3+$0x19000] =	vst v0;
	s3 =	smov.u32 s0;
	s0 =	sadd.s32 $0x40, s0  }
.Ltmp1:
0x3c: {  	(pc) =	sbr.rel @p0 .LBB2_4-.Ltmp1, $2  }
0x3d: {  	_ =	sdelay $0x2  }
0x3e: {  	s3 =	sshra.s32 s3, $0x2  }
0x3f: {  	[tilespmem:s3+$0x19000] =	vst v0;
	s0 =	rddreg [dreg:$0x4]  }
0x40: {  	[tilespmem:s22], [sflag:$0x2] =	stream.strided.gather [hbm4b:s0+s20], $0x2800, s21, s20, $0x38;
	[tilespmem:$0x1F980] =	vst v63  }
0x41: {  	_ =	swait.ge [sflag:s19], $0x2800  }
0x42: {  	[sflag:s19] =	ssyncset.done $0x0  }
0x43: {  	[sflag:s19] =	ssyncadd.s32 $0xFFFFD800  }
0x44: {  	[tilespmem:s23], [sflag:$0x2] =	stream.strided.gather [hbm4b:s13+s20], $0x2800, s21, s20, $0x38;
	[tilespmem:$0x1F980] =	vst v63  }
0x45: {  	_ =	swait.ge [sflag:s19], $0x2800  }
0x46: {  	[sflag:s19] =	ssyncset.done $0x0  }
0x47: {  	[sflag:s19] =	ssyncadd.s32 $0xFFFFD800  }
0x48: {  	s0 =	simm.s32 $0x0;
	[bflag:$0x0] =	sbarrier.arrive $0xFFFF  }
.LBB2_6:
0x49: {  	s3 =	sadd.s32 s14, s0  }
0x4a: {  	s3 =	sshll.u32 s3, $0x4  }
0x4b: {  	s6 =	sadd.s32 s1, s3  }
0x4c: {  	[tilespmem:s24], [sflag:$0x2] =	stream.linear.gather [hbm4b:s6+s31], $0x80, $0x38;
	[tilespmem:$0x1F980] =	vst v63  }
0x4d: {  	_ =	swait.ge [sflag:s19], $0x80  }
0x4e: {  	[sflag:s19] =	ssyncset.done $0x0  }
0x4f: {  	s3 =	sadd.s32 s5, s3;
	[sflag:s19] =	ssyncadd.s32 $0xFFFFFF80  }
0x50: {  	[tilespmem:s25], [sflag:$0x2] =	stream.linear.gather [hbm4b:s3+s31], $0x80, $0x38;
	[tilespmem:$0x1F980] =	vst v63  }
0x51: {  	_ =	swait.ge [sflag:s19], $0x80  }
0x52: {  	[sflag:s19] =	ssyncset.done $0x0  }
0x53: {  	[sflag:s19] =	ssyncadd.s32 $0xFFFFFF80  }
0x54: {  	[tilespmem:s18], [sflag:$0x1] =	stream.indirect.gather [hbm4b:s7+s20], $0x80, s24, s20, $0xb8;
	[tilespmem:$0x1F980] =	vst v63  }
0x55: {  	v1 =	vld [tilespmem:$0x1B800]  }
0x56: {  	v2 =	vld [tilespmem:$0x1B880];
	_ =	sdelay $0x6  }
0x57: {  	v1 =	vld.idx.msk [tilespmem:v1+s22+$0x0], $0xffff  }
0x58: {  	v3 =	vld.idx.msk [tilespmem:v2+s23+$0x0], $0xffff;
	_ =	sdelay $0x4  }
0x59: {  	v1 =	vadd.f32 v3, v1;
	_ =	sdelay $0x1  }
0x5a: {  	v3 =	vmul.f32 $2.000000030e-01, v1;
	_ =	sdelay $0x1  }
0x5b: {  	v1 =	vmax.f32 v1, v3  }
0x5c: {  	v1 =	vmul.f32 $1.442695020e+00, v1;
	_ =	sdelay $0x1  }
0x5d: {  	(erf) = vpow2.f32 v1;
	_ =	sdelay $0x8  }
0x5e: {  	v1 =	vpop (erf)  }
0x5f: {  	[tilespmem:$0x1B900] =	vst v1  }
0x60: {  	[tilespmem:v2+s26+$0x0] =	vst.idx.add.f32.msk $0xffff, v1  }
0x61: {  	v1 =	vld [tilespmem:$0x1B810]  }
0x62: {  	v2 =	vld [tilespmem:$0x1B890];
	_ =	sdelay $0x6  }
0x63: {  	v1 =	vld.idx.msk [tilespmem:v1+s22+$0x0], $0xffff  }
0x64: {  	v3 =	vld.idx.msk [tilespmem:v2+s23+$0x0], $0xffff;
	_ =	sdelay $0x4  }
0x65: {  	v1 =	vadd.f32 v3, v1;
	_ =	sdelay $0x1  }
0x66: {  	v3 =	vmul.f32 $2.000000030e-01, v1;
	_ =	sdelay $0x1  }
0x67: {  	v1 =	vmax.f32 v1, v3  }
0x68: {  	v1 =	vmul.f32 $1.442695020e+00, v1;
	_ =	sdelay $0x1  }
0x69: {  	(erf) = vpow2.f32 v1;
	_ =	sdelay $0x8  }
0x6a: {  	v1 =	vpop (erf)  }
0x6b: {  	[tilespmem:$0x1B910] =	vst v1  }
0x6c: {  	[tilespmem:v2+s26+$0x0] =	vst.idx.add.f32.msk $0xffff, v1  }
0x6d: {  	v1 =	vld [tilespmem:$0x1B820]  }
0x6e: {  	v2 =	vld [tilespmem:$0x1B8A0];
	_ =	sdelay $0x6  }
0x6f: {  	v1 =	vld.idx.msk [tilespmem:v1+s22+$0x0], $0xffff  }
0x70: {  	v3 =	vld.idx.msk [tilespmem:v2+s23+$0x0], $0xffff;
	_ =	sdelay $0x4  }
0x71: {  	v1 =	vadd.f32 v3, v1;
	_ =	sdelay $0x1  }
0x72: {  	v3 =	vmul.f32 $2.000000030e-01, v1;
	_ =	sdelay $0x1  }
0x73: {  	v1 =	vmax.f32 v1, v3  }
0x74: {  	v1 =	vmul.f32 $1.442695020e+00, v1;
	_ =	sdelay $0x1  }
0x75: {  	(erf) = vpow2.f32 v1;
	_ =	sdelay $0x8  }
0x76: {  	v1 =	vpop (erf)  }
0x77: {  	[tilespmem:$0x1B920] =	vst v1  }
0x78: {  	[tilespmem:v2+s26+$0x0] =	vst.idx.add.f32.msk $0xffff, v1  }
0x79: {  	v1 =	vld [tilespmem:$0x1B830]  }
0x7a: {  	v2 =	vld [tilespmem:$0x1B8B0];
	_ =	sdelay $0x6  }
0x7b: {  	v1 =	vld.idx.msk [tilespmem:v1+s22+$0x0], $0xffff  }
0x7c: {  	v3 =	vld.idx.msk [tilespmem:v2+s23+$0x0], $0xffff;
	_ =	sdelay $0x4  }
0x7d: {  	v1 =	vadd.f32 v3, v1;
	_ =	sdelay $0x1  }
0x7e: {  	v3 =	vmul.f32 $2.000000030e-01, v1;
	_ =	sdelay $0x1  }
0x7f: {  	v1 =	vmax.f32 v1, v3  }
0x80: {  	v1 =	vmul.f32 $1.442695020e+00, v1;
	_ =	sdelay $0x1  }
0x81: {  	(erf) = vpow2.f32 v1;
	_ =	sdelay $0x8  }
0x82: {  	v1 =	vpop (erf)  }
0x83: {  	[tilespmem:$0x1B930] =	vst v1  }
0x84: {  	[tilespmem:v2+s26+$0x0] =	vst.idx.add.f32.msk $0xffff, v1  }
0x85: {  	v1 =	vld [tilespmem:$0x1B840]  }
0x86: {  	v2 =	vld [tilespmem:$0x1B8C0];
	_ =	sdelay $0x6  }
0x87: {  	v1 =	vld.idx.msk [tilespmem:v1+s22+$0x0], $0xffff  }
0x88: {  	v3 =	vld.idx.msk [tilespmem:v2+s23+$0x0], $0xffff;
	_ =	sdelay $0x4  }
0x89: {  	v1 =	vadd.f32 v3, v1;
	_ =	sdelay $0x1  }
0x8a: {  	v3 =	vmul.f32 $2.000000030e-01, v1;
	_ =	sdelay $0x1  }
0x8b: {  	v1 =	vmax.f32 v1, v3  }
0x8c: {  	v1 =	vmul.f32 $1.442695020e+00, v1;
	_ =	sdelay $0x1  }
0x8d: {  	(erf) = vpow2.f32 v1;
	_ =	sdelay $0x8  }
0x8e: {  	v1 =	vpop (erf)  }
0x8f: {  	[tilespmem:$0x1B940] =	vst v1  }
0x90: {  	[tilespmem:v2+s26+$0x0] =	vst.idx.add.f32.msk $0xffff, v1  }
0x91: {  	v1 =	vld [tilespmem:$0x1B850]  }
0x92: {  	v2 =	vld [tilespmem:$0x1B8D0];
	_ =	sdelay $0x6  }
0x93: {  	v1 =	vld.idx.msk [tilespmem:v1+s22+$0x0], $0xffff  }
0x94: {  	v3 =	vld.idx.msk [tilespmem:v2+s23+$0x0], $0xffff;
	_ =	sdelay $0x4  }
0x95: {  	v1 =	vadd.f32 v3, v1;
	_ =	sdelay $0x1  }
0x96: {  	v3 =	vmul.f32 $2.000000030e-01, v1;
	_ =	sdelay $0x1  }
0x97: {  	v1 =	vmax.f32 v1, v3  }
0x98: {  	v1 =	vmul.f32 $1.442695020e+00, v1;
	_ =	sdelay $0x1  }
0x99: {  	(erf) = vpow2.f32 v1;
	_ =	sdelay $0x8  }
0x9a: {  	v1 =	vpop (erf)  }
0x9b: {  	[tilespmem:$0x1B950] =	vst v1  }
0x9c: {  	[tilespmem:v2+s26+$0x0] =	vst.idx.add.f32.msk $0xffff, v1  }
0x9d: {  	v1 =	vld [tilespmem:$0x1B860]  }
0x9e: {  	v2 =	vld [tilespmem:$0x1B8E0];
	_ =	sdelay $0x6  }
0x9f: {  	v1 =	vld.idx.msk [tilespmem:v1+s22+$0x0], $0xffff  }
0xa0: {  	v3 =	vld.idx.msk [tilespmem:v2+s23+$0x0], $0xffff;
	_ =	sdelay $0x4  }
0xa1: {  	v1 =	vadd.f32 v3, v1;
	_ =	sdelay $0x1  }
0xa2: {  	v3 =	vmul.f32 $2.000000030e-01, v1;
	_ =	sdelay $0x1  }
0xa3: {  	v1 =	vmax.f32 v1, v3  }
0xa4: {  	v1 =	vmul.f32 $1.442695020e+00, v1;
	_ =	sdelay $0x1  }
0xa5: {  	(erf) = vpow2.f32 v1;
	_ =	sdelay $0x8  }
0xa6: {  	v1 =	vpop (erf)  }
0xa7: {  	[tilespmem:$0x1B960] =	vst v1  }
0xa8: {  	[tilespmem:v2+s26+$0x0] =	vst.idx.add.f32.msk $0xffff, v1  }
0xa9: {  	v1 =	vld [tilespmem:$0x1B870]  }
0xaa: {  	v2 =	vld [tilespmem:$0x1B8F0];
	_ =	sdelay $0x6  }
0xab: {  	v1 =	vld.idx.msk [tilespmem:v1+s22+$0x0], $0xffff  }
0xac: {  	v3 =	vld.idx.msk [tilespmem:v2+s23+$0x0], $0xffff;
	_ =	sdelay $0x4  }
0xad: {  	v1 =	vadd.f32 v3, v1;
	_ =	sdelay $0x1  }
0xae: {  	v3 =	vmul.f32 $2.000000030e-01, v1;
	_ =	sdelay $0x1  }
0xaf: {  	v1 =	vmax.f32 v1, v3  }
0xb0: {  	v1 =	vmul.f32 $1.442695020e+00, v1;
	_ =	sdelay $0x1  }
0xb1: {  	(erf) = vpow2.f32 v1;
	_ =	sdelay $0x8  }
0xb2: {  	v1 =	vpop (erf)  }
0xb3: {  	[tilespmem:$0x1B970] =	vst v1  }
0xb4: {  	[tilespmem:v2+s26+$0x0] =	vst.idx.add.f32.msk $0xffff, v1  }
0xb5: {  	_ =	swait.ge [sflag:s28], $0x4000  }
0xb6: {  	v1 =	vmov s31;
	[sflag:s28] =	ssyncset.done $0x0  }
0xb7: {  	s30 =	simm.s32 $0x1B9C0;
	[sflag:s28] =	ssyncadd.s32 $0xFFFFC000  }
0xb8: {  	v5 =	vld [tilespmem:s30+$0x30]  }
0xb9: {  	v8 =	vld [tilespmem:s30+$0x10]  }
0xba: {  	v6 =	vld [tilespmem:s30+$0xFFFFFFC0]  }
0xbb: {  	v2 =	vld.idx.msk [tilespmem:v1+s29+$0x0], $0xffff  }
0xbc: {  	v10 =	vld [tilespmem:s30+$0xFFFFFFE0]  }
0xbd: {  	v3 =	vld [tilespmem:s30+$0x20]  }
0xbe: {  	v4 =	vld [tilespmem:s30+$0xFFFFFFD0]  }
0xbf: {  	v1 =	vld [tilespmem:s30+$0xFFFFFFF0]  }
0xc0: {  	v9 =	vmul.f32 v5, v2;
	v5 =	vld [tilespmem:s30+$0x0]  }
0xc1: {  	v7 =	vmul.f32 v6, v2  }
0xc2: {  	s6 =	simm.s32 $0x1B9C0;
	s3 =	simm.s32 $0x1;
	v6 =	vmul.f32 v10, v2;
	v8 =	vmul.f32 v8, v2  }
.LBB2_7:
0xc3: {  	p0 =	sne.s32 s3, $0x7F  }
0xc4: {  	v4 =	vmul.f32 v4, v2;
	v3 =	vmul.f32 v3, v2;
	[tilespmem:s30+$0x30] =	vst v9;
	s6 =	sadd.s32 $0x80, s6;
	s9 =	smov.u32 s3;
	s3 =	sadd.s32 $0x1, s3  }
0xc5: {  	[tilespmem:s30+$0xFFFFFFC0] =	vst v7;
	v7 =	vmul.f32 v1, v2;
	v2 =	vmul.f32 v5, v2  }
0xc6: {  	[tilespmem:s30+$0x10] =	vst v8  }
0xc7: {  	v5 =	vmov s9;
	[tilespmem:s30+$0xFFFFFFE0] =	vst v6  }
0xc8: {  	v1 =	vld [tilespmem:s6+$0xFFFFFFF0];
	[tilespmem:s30+$0xFFFFFFF0] =	vst v7  }
0xc9: {  	v6 =	vld [tilespmem:s6+$0x30];
	[tilespmem:s30+$0x0] =	vst v2  }
0xca: {  	v8 =	vld [tilespmem:s6+$0x10];
	[tilespmem:s30+$0x20] =	vst v3  }
0xcb: {  	v7 =	vld [tilespmem:s6+$0xFFFFFFC0];
	[tilespmem:s30+$0xFFFFFFD0] =	vst v4;
	s30 =	smov.u32 s6  }
0xcc: {  	v2 =	vld.idx.msk [tilespmem:v5+s29+$0x0], $0xffff  }
0xcd: {  	v10 =	vld [tilespmem:s6+$0xFFFFFFE0]  }
0xce: {  	v3 =	vld [tilespmem:s6+$0x20]  }
.Ltmp2:
0xcf: {  	v4 =	vld [tilespmem:s6+$0xFFFFFFD0];
	(pc) =	sbr.rel @p0 .LBB2_7-.Ltmp2, $3  }
0xd0: {  	v5 =	vld [tilespmem:s6+$0x0];
	_ =	sdelay $0x1  }
0xd1: {  	v7 =	vmul.f32 v7, v2;
	v9 =	vmul.f32 v6, v2  }
0xd2: {  	v8 =	vmul.f32 v8, v2;
	v6 =	vmul.f32 v10, v2  }
0xd3: {  	[tilespmem:s30+$0x30] =	vst v9  }
0xd4: {  	[tilespmem:s30+$0xFFFFFFC0] =	vst v7  }
0xd5: {  	v1 =	vmul.f32 v1, v2;
	[tilespmem:s30+$0x10] =	vst v8  }
0xd6: {  	v3 =	vmul.f32 v3, v2;
	[tilespmem:s30+$0xFFFFFFE0] =	vst v6  }
0xd7: {  	v5 =	vmul.f32 v5, v2;
	[tilespmem:s30+$0xFFFFFFF0] =	vst v1  }
0xd8: {  	s0 =	sadd.s32 $0x1, s0;
	v1 =	vmul.f32 v4, v2;
	[tilespmem:s30+$0x20] =	vst v3  }
0xd9: {  	p0 =	sne.s32 s0, $0x54;
	[tilespmem:s30+$0x0] =	vst v5  }
.Ltmp3:
0xda: {  	[tilespmem:s30+$0xFFFFFFD0] =	vst v1;
	(pc) =	sbr.rel @p0 .LBB2_6-.Ltmp3, $4  }
0xdb: {  	[spmem:s2] =	stream.indirect.scatter.add.f32 [tilespmem:s18], [sflag:$0x2], $0x80, s25, s20, $0xb8;
	[tilespmem:$0x1F980] =	vst v63  }
0xdc: {  	_ =	swait.ge [sflag:s19], $0x4000  }
0xdd: {  	[sflag:s19] =	ssyncset.done $0x0  }
0xde: {  	[sflag:s19] =	ssyncadd.s32 $0xFFFFC000  }
0xdf: {  	s0 =	stileid.u32  }
0xe0: {  	s0 =	sshll.u32 s0, $0x6  }
0xe1: {  	[bflag:$0x0] =	sbarrier.arrive $0xFFFF;
	s3 =	sshrl.u32 s8, $0x3;
	s0 =	sor.u32 $0x1C02, s0  }
0xe2: {  	[hbm:s15], [sflag:s0] =	dma.local [spmem:s3], $0x2800  }
0xe3: {  	s4 =	sadd.s32 $0x1, s4;
	_ =	swait.ge [sflag:s19], $0x2800  }
0xe4: {  	p0 =	sne.s32 s4, s17;
	[sflag:s19] =	ssyncset.done $0x0  }
.Ltmp4:
0xe5: {  	s30 =	simm.s32 $0x400;
	[sflag:s19] =	ssyncadd.s32 $0xFFFFD800;
	(pc) =	sbr.rel @p0 .LBB2_1-.Ltmp4, $4  }
0xe6: {  	[hbm4b:s16+s20] =	stream.strided.scatter [tilespmem:s26], [sflag:$0x2], $0x2800, s30, s20, $0x38;
	[tilespmem:$0x1F980] =	vst v63  }
0xe7: {  	_ =	swait.ge [sflag:s19], $0x2800  }
0xe8: {  	[sflag:s19] =	ssyncset.done $0x0  }
0xe9: {  	[sflag:s19] =	ssyncadd.s32 $0xFFFFD800  }
0xea: {  	_ =	sfence.sel $0x180000  }
0xeb: {  	[bflag:$0x0] =	sbarrier.arrive $0xFFFF  }
0xec: {  	_ =	strace $0x9000004A  }
0xed: {  	s0 =	stileid.u32;
	[bflag:$0x2] =	sbarrier.arrive $0xFFFF  }
0xee: {  	p0 =	sne.s32 s0, $0x0;
	s0 =	rddreg [dreg:$0x3]  }
0xef: {  	s0 =	sadd.s32 @!p0 $0x100000, s0  }
0xf0: {  	[sflag:s0] =	ssyncadd.tile.s32 @!p0 $0x1;
	_ =	shalt  }
.Lfunc_end2:
_tile_overlayer_lowered:
.L_overlay_start_2:
0xf1: {  	(tag) =	ssettag $0x2  }
0xf2: {  	s0 =	rddreg [dreg:$0x0];
	s2 =	stileid.u32  }
0xf3: {  	s1 =	rddreg [dreg:$0x1];
	p0 =	sne.s32 s2, $0x0  }
0xf4: {  	s3 =	rddreg [dreg:$0x2];
	[bflag:$0x3] =	sbarrier.arrive $0xFFFF;
	s2 =	simm.s32 @!p0 $0x1C02  }
0xf5: {  	[timem:s3], [sflag:s2] =	dma.local @!p0 [hbm:s0], s1  }
0xf6: {  	s0 =	simm.s32 @!p0 $0x2  }
0xf7: {  	_ =	swait.ge @!p0 [sflag:s0], s1  }
0xf8: {  	s1 =	ssub.s32 @!p0 $0x0, s1;
	[sflag:s0] =	ssyncset.done @!p0 $0x0  }
0xf9: {  	[sflag:s0] =	ssyncadd.s32 @!p0 s1  }
0xfa: {  	[bflag:$0x3] =	sbarrier.arrive $0xFFFF  }
0xfb: {  	_ =	shalt  }

// kernel: kernel.7.cloned.1.call-start
scs
__scs_entry_jumppad:
0x0: {  	(pc) =	sbr.rel $0x88, $3  }
0x1: {  	(tag) =	ssettag $0x0;
	lr =	simm.s32 $0x1  }
0x2: {  	[smem:$0x3F97] =	sst lr;
	_ =	strace $0xD0000000  }
0x3: {  	_ = 	snop  }
0x4: {  	_ = 	snop  }
0x5: {  	_ = 	snop  }
0x6: {  	_ = 	snop  }
0x7: {  	_ = 	snop  }
__scs_overlays_trampoline_lowered:
0x8: {  	[smem:$0x3FA6] =	sst s0  }
0x9: {  	[smem:$0x3FA7] =	sst s1  }
0xa: {  	[smem:$0x3FA8] =	sst s2  }
0xb: {  	[smem:$0x3FA9] =	sst s3  }
0xc: {  	[smem:$0x3FAA] =	sst s4  }
0xd: {  	[smem:$0x3FAB] =	sst s5  }
0xe: {  	[smem:$0x3FAC] =	sst s6  }
0xf: {  	[smem:$0x3FAD] =	sst s7  }
0x10: {  	[smem:$0x3FAE] =	sst s8  }
0x11: {  	[smem:$0x3FAF] =	sst s9;
	s0 =	simm.s32 @!p0 $0x0  }
0x12: {  	s1 =	sld [smem:$0x3F95];
	s0 =	simm.s32 @p0 $0x1  }
0x13: {  	[smem:$0x3FB0] =	sst s0;
	s0 =	simm.s32 @!p1 $0x0  }
0x14: {  	s2 =	sld [smem:$0x3F94];
	s0 =	simm.s32 @p1 $0x1  }
0x15: {  	[smem:$0x3FB1] =	sst s0;
	s0 =	simm.s32 @!p2 $0x0  }
0x16: {  	s3 =	sld [smem:$0x3FDB];
	s0 =	simm.s32 @p2 $0x1  }
0x17: {  	s4 =	simm.s32 $0x1BF5;
	[smem:$0x3FB3] =	sst s0  }
0x18: {  	s0 =	sld [smem:$0x3F96];
	_ =	swait.ge [sflag:s4], $0x0  }
0x19: {  	s7 =	sld [smem:$0x3F97]  }
0x1a: {  	s8 =	sadd.s32 $0xFFFFE003, lr  }
0x1b: {  	s9 =	sadd.s32 $0xFFFFFEF7, lr;
	s5 =	simm.s32 $0xFFFFFFFF;
	p2 =	slt.u32 s8, $0xFFFFF086  }
0x1c: {  	p1 =	slt.u32 s9, $0xF7A;
	s5 =	simm.s32 @!p2 $0x0  }
0x1d: {  	s5 =	simm.s32 @p1 $0x1;
	p0 =	seq.s32 s7, s2  }
0x1e: {  	s7 =	smul.u32 @!p0 $0xF7A, s2;
	p2 =	seq.s32 @!p0 s5, $0x0  }
0x1f: {  	s9 =	smul.u32 $0xF7A, s1;
	s8 =	simm.s32 @!p0 $0x1BF5;
	p2 =	por !p2, p0  }
0x20: {  	[sflag:s8] =	ssyncset.s32 @!p0 $0xFFFFF086;
	s6 =	sadd.s32 @!p0 s3, s7;
	s7 =	simm.s32 @!p0 $0x108  }
0x21: {  	s3 =	sadd.s32 s3, s9;
	s6 =	sadd.s32 @!p0 $0x88, s6;
	s7 =	simm.s32 @p2 $0x1082  }
0x22: {  	[simem:s7], [sflag:s8] =	dma.local @!p0 [hbm:s6], $0xF7A  }
0x23: {  	s9 =	sor.u32 $0xD0000000, s2;
	s6 =	simm.s32 $0x108;
	_ =	swait.ge @!p0 [sflag:s8], $0x0  }
0x24: {  	s3 =	sadd.s32 $0x88, s3;
	s6 =	simm.s32 @!p1 $0x1082;
	[sflag:s4] =	ssyncset.s32 $0xFFFFF086  }
0x25: {  	[simem:s6], [sflag:s4] =	dma.local [hbm:s3], $0xF7A  }
0x26: {  	[smem:$0x3F97] =	sst s1;
	(tag) =	ssettag s2;
	_ =	strace s9  }
0x27: {  	s1 =	sld [smem:$0x3FA7]  }
0x28: {  	s2 =	sld [smem:$0x3FA8]  }
0x29: {  	s4 =	sld [smem:$0x3FAA]  }
0x2a: {  	p0 =	seq.s32 s5, $0x0;
	s5 =	sld [smem:$0x3FAB]  }
0x2b: {  	s6 =	sld [smem:$0x3FAC]  }
0x2c: {  	s7 =	sld [smem:$0x3FAD]  }
0x2d: {  	s3 =	simm.s32 $0x108;
	s8 =	sld [smem:$0x3FAE]  }
0x2e: {  	s3 =	simm.s32 @!p0 $0x1082;
	s9 =	sld [smem:$0x3FAF]  }
0x2f: {  	lr =	sadd.s32 s0, s3;
	s0 =	sld [smem:$0x3FA6]  }
0x30: {  	s3 =	sld [smem:$0x3FA9]  }
0x31: {  	[smem:$0x3FB2] =	sst s10  }
0x32: {  	s10 =	sld [smem:$0x3FB0];
	_ =	sdelay $0x3  }
0x33: {  	p0 =	seq.s32 s10, $0x1;
	s10 =	sld [smem:$0x3FB2];
	_ =	sdelay $0x3  }
0x34: {  	[smem:$0x3FB2] =	sst s10  }
0x35: {  	s10 =	sld [smem:$0x3FB1];
	_ =	sdelay $0x3  }
0x36: {  	p1 =	seq.s32 s10, $0x1;
	s10 =	sld [smem:$0x3FB2];
	_ =	sdelay $0x3  }
0x37: {  	[smem:$0x3FB2] =	sst s10  }
0x38: {  	s10 =	sld [smem:$0x3FB3]  }
0x39: {  	_ = 	snop;
	(pc) =	sbr.ind lr, $3  }
0x3a: {  	_ = 	snop  }
0x3b: {  	_ = 	snop  }
0x3c: {  	p2 =	seq.s32 s10, $0x1;
	s10 =	sld [smem:$0x3FB2]  }
0x3d: {  	_ =	shalt  }
0x3e: {  	_ =	shalt  }
0x3f: {  	_ =	shalt  }
0x40: {  	_ =	shalt  }
0x41: {  	_ =	shalt  }
0x42: {  	_ =	shalt  }
0x43: {  	_ =	shalt  }
0x44: {  	_ =	shalt  }
0x45: {  	_ =	shalt  }
0x46: {  	_ =	shalt  }
0x47: {  	_ =	shalt  }
0x48: {  	_ =	shalt  }
0x49: {  	_ =	shalt  }
0x4a: {  	_ =	shalt  }
0x4b: {  	_ =	shalt  }
0x4c: {  	_ =	shalt  }
0x4d: {  	_ =	shalt  }
0x4e: {  	_ =	shalt  }
0x4f: {  	_ =	shalt  }
0x50: {  	_ =	shalt  }
0x51: {  	_ =	shalt  }
0x52: {  	_ =	shalt  }
0x53: {  	_ =	shalt  }
0x54: {  	_ =	shalt  }
0x55: {  	_ =	shalt  }
0x56: {  	_ =	shalt  }
0x57: {  	_ =	shalt  }
0x58: {  	_ =	shalt  }
0x59: {  	_ =	shalt  }
0x5a: {  	_ =	shalt  }
0x5b: {  	_ =	shalt  }
0x5c: {  	_ =	shalt  }
0x5d: {  	_ =	shalt  }
0x5e: {  	_ =	shalt  }
0x5f: {  	_ =	shalt  }
0x60: {  	_ =	shalt  }
0x61: {  	_ =	shalt  }
0x62: {  	_ =	shalt  }
0x63: {  	_ =	shalt  }
0x64: {  	_ =	shalt  }
0x65: {  	_ =	shalt  }
0x66: {  	_ =	shalt  }
0x67: {  	_ =	shalt  }
0x68: {  	_ =	shalt  }
0x69: {  	_ =	shalt  }
0x6a: {  	_ =	shalt  }
0x6b: {  	_ =	shalt  }
0x6c: {  	_ =	shalt  }
0x6d: {  	_ =	shalt  }
0x6e: {  	_ =	shalt  }
0x6f: {  	_ =	shalt  }
0x70: {  	_ =	shalt  }
0x71: {  	_ =	shalt  }
0x72: {  	_ =	shalt  }
0x73: {  	_ =	shalt  }
0x74: {  	_ =	shalt  }
0x75: {  	_ =	shalt  }
0x76: {  	_ =	shalt  }
0x77: {  	_ =	shalt  }
0x78: {  	_ =	shalt  }
0x79: {  	_ =	shalt  }
0x7a: {  	_ =	shalt  }
0x7b: {  	_ =	shalt  }
0x7c: {  	_ =	shalt  }
0x7d: {  	_ =	shalt  }
0x7e: {  	_ =	shalt  }
0x7f: {  	_ =	shalt  }
0x80: {  	_ =	shalt  }
0x81: {  	_ =	shalt  }
0x82: {  	_ =	shalt  }
0x83: {  	_ =	shalt  }
0x84: {  	_ =	shalt  }
0x85: {  	_ =	shalt  }
0x86: {  	_ =	shalt  }
0x87: {  	_ =	shalt  }
.Lfunc_end0:
.L_simem_size_0:
called_computation_lowered:
.L_overlay_start_0:
0x88: {  	s2 =	sld [smem:$0x3FD9]  }
0x89: {  	s3 =	sld [smem:$0x3FFE];
	_ =	sdelay $0x1  }
0x8a: {  	s1 =	srdreg.scid  }
0x8b: {  	s0 =	sand.u32 $0x1, s1  }
0x8c: {  	s17 =	sshll.u32 s0, $0xA;
	s2 =	sadd.s32 s3, s2  }
0x8d: {  	s2 =	sadd.s32 s2, s17  }
0x8e: {  	[smem:$0x3FBE] =	sst s2  }
0x8f: {  	_ = 	snop  }
0x90: {  	s2 =	sld [smem:$0x3FD0];
	(tm) =	ssettm $0x1  }
0x91: {  	s18 =	sld [smem:$0x3FFB];
	_ =	sdelay $0x3  }
0x92: {  	_ =	strace s18  }
0x93: {  	s3 =	sld [smem:$0x3FFC];
	_ =	sdelay $0x3  }
0x94: {  	_ =	strace s3  }
0x95: {  	s3 =	sld [smem:$0x3FFD];
	_ =	sdelay $0x3  }
0x96: {  	_ =	strace s3  }
0x97: {  	_ =	strace $0x8FFFFFFF  }
0x98: {  	s19 =	sld [smem:$0x3FDB];
	_ =	sdelay $0x1  }
0x99: {  	s4 =	simm.s32 $_scs_section_size  }
0x9a: {  	s5 =	simm.s32 $_size__tile_overlayer_lowered;
	s6 =	simm.s32 $_tile_overlayer_lowered  }
0x9b: {  	s22 =	simm.s32 $0x1BFF;
	s21 =	sshll.u32 s6, $0x1;
	s3 =	sadd.s32 s4, s19  }
0x9c: {  	s7 =	simm.s32 $0x0;
	s20 =	sshll.u32 s5, $0x1;
	s5 =	sadd.s32 s21, s3  }
0x9d: {  	[timem:s7], [sflag:s22] =	dma.local [hbm:s5], s20  }
0x9e: {  	_ =	swait.ge [sflag:s22], s20  }
0x9f: {  	s4 =	ssub.s32 $0x0, s20;
	[sflag:s22] =	ssyncset.done $0x0  }
0xa0: {  	[sflag:s22] =	ssyncadd.s32 s4;
	_ =	sdelay $0x1  }
0xa1: {  	s23 =	simm.s32 $0x1B8B  }
0xa2: {  	_ =	swait.ge [sflag:s23], $0x1  }
0xa3: {  	[sflag:s23] =	ssyncset.done $0x0  }
0xa4: {  	s25 =	simm.s32 $0x1B8E;
	s24 =	sld [smem:$0x3FFE];
	[sflag:s23] =	ssyncadd.s32 $0xFFFFFFFF  }
0xa5: {  	s26 =	simm.s32 $execute0_lowered;
	[smem:$0x3FD2] =	sst s25  }
0xa6: {  	s5 =	sshll.u32 s26, $0x1;
	_ =	strace $0x80000046;
	[dreg:$0x1] =	wrdreg $0xFFFFFFFF  }
0xa7: {  	s28 =	simm.s32 $_size_execute0_lowered;
	s3 =	sadd.s32 s3, s5;
	[dreg:$0x0] =	wrdreg $0x0  }
0xa8: {  	s5 =	sshll.u32 s28, $0x1;
	[dreg:$0x2] =	wrdreg s3  }
0xa9: {  	[dreg:$0x3] =	wrdreg s5  }
0xaa: {  	[dreg:$0x4] =	wrdreg $0xC0  }
0xab: {  	_ =	task [dreg:s7], $0x5FFFF  }
0xac: {  	[dreg:$0x1] =	wrdreg $0xFFFFFFFF  }
0xad: {  	[dreg:$0x0] =	wrdreg $0x60  }
0xae: {  	[dreg:$0x2] =	wrdreg s2  }
0xaf: {  	[dreg:$0x3] =	wrdreg s24  }
0xb0: {  	[dreg:$0x4] =	wrdreg $0x0  }
0xb1: {  	[dreg:$0x5] =	wrdreg $0x9  }
0xb2: {  	_ =	task.clear_ibuf [dreg:s7], $0x6FFFF;
	_ =	strace $0x90000046  }
0xb3: {  	s29 =	simm.s32 $0x9;
	_ =	strace $0x80000048  }
0xb4: {  	_ =	swait.ge [sflag:s29], $0x1  }
0xb5: {  	[sflag:s29] =	ssyncadd.s32 $0xFFFFFFFF  }
0xb6: {  	_ =	strace $0x90000048  }
0xb7: {  	_ =	sfence  }
0xb8: {  	s30 =	sld [smem:$0x0];
	_ =	sdelay $0x2  }
0xb9: {  	s31 =	sshll.u32 s1, $0xD;
	s1 =	sshrl.u32 s1, $0x2  }
0xba: {  	s3 =	sand.u32 $0x4000, s31;
	s1 =	sadd.s32 s1, s30  }
0xbb: {  	s0 =	sor.u32 s3, s0;
	s1 =	sshll.u32 s1, $0x11  }
0xbc: {  	s0 =	sor.u32 s1, s0  }
0xbd: {  	s0 =	sadd.s32 $0x8F2B, s0  }
0xbe: {  	[sflag:s0] =	ssyncadd.remote.s32 $0x1  }
0xbf: {  	_ =	sfence.sel $0xFFFF  }
0xc0: {  	[dreg:$0x0] =	wrdreg $0xFFFFFFFF;
	(pc) =	sbr.abs _section_cstart, $3  }
0xc1: {  	[dreg:$0x1] =	wrdreg $0xFFFFFFFF  }
0xc2: {  	_ =	task.clear_ibuf [dreg:s7], $0x2FFFF;
	_ =	strace $0x9FFFFFFF  }
0xc3: {  	(tm) =	ssettm $0x7FFFFFFF  }
tec
execute0_lowered:
.L_overlay_start_1:
0x0: {  	(tag) =	ssettag $0x1  }
0x1: {  	s1 =	rddreg [dreg:$0x0]  }
0x2: {  	s0 =	rddreg [dreg:$0x1]  }
0x3: {  	s3 =	rddreg [dreg:$0x2]  }
0x4: {  	s4 =	simm.s32 $0x0;
	s23 =	stileid.u32;
	s2 =	srdreg.scid  }
0x5: {  	s28 =	simm.s32 $0x14000;
	s29 =	simm.s32 $0x16800;
	s30 =	simm.s32 $0x1B800  }
0x6: {  	s31 =	simm.s32 $0x1B880;
	[smem:$0x7FF] =	sst s4;
	s6 =	smul.u32 $0x50000, s23  }
0x7: {  	s5 =	sadd.s32 $0xA4800, s0;
	s11 =	sadd.s32 $0xA2000, s0;
	s12 =	sand.u32 $0x1, s2  }
0x8: {  	s13 =	sadd.s32 $0x2000, s0;
	s16 =	sadd.s32 $0xC3000, s0;
	s0 =	sadd.s32 $0xAF000, s0  }
0x9: {  	s14 =	smul.u32 $0x14000, s23;
	s19 =	sshrl.u32 s23, $0x3;
	s20 =	sshll.u32 s23, $0x7  }
0xa: {  	s2 =	sshll.u32 s2, $0x5;
	_ =	strace $0x80000047;
	s18 =	smul.u32 $0x280000, s12  }
0xb: {  	s7 =	ssub.s32 $0x2, s12;
	s15 =	sshll.u32 s12, $0x5;
	s19 =	smul.u32 $0x14000, s19  }
0xc: {  	s2 =	sand.u32 $0x20, s2;
	s20 =	sand.u32 $0x380, s20;
	s6 =	sshrl.u32 s6, $0x2  }
0xd: {  	s8 =	sshrl.u32 s7, $0x1;
	s24 =	sadd.s32 s11, s15;
	s15 =	smul.u32 $0x50000, s12  }
0xe: {  	s12 =	sshllo.u32 s12, $0x1;
	s2 =	sadd.s32 s2, s11;
	s6 =	sadd.s32 s6, s3  }
0xf: {  	s17 =	ssub.s32 s7, s8;
	s18 =	sadd.s32 s14, s18;
	s21 =	smul.u32 $0x28000, s12  }
0x10: {  	s22 =	sshll.u32 s12, $0x4;
	s12 =	smul.u32 $0x140000, s12;
	[dreg:$0x4] =	wrdreg s24  }
0x11: {  	s26 =	sadd.s32 $0x40, s24;
	s2 =	sadd.s32 $0x50, s2;
	s7 =	sadd.s32 $0x4000, s6  }
0x12: {  	s8 =	sadd.s32 $0x8000, s6;
	s9 =	sadd.s32 $0xC000, s6;
	[dreg:$0x6] =	wrdreg s26  }
0x13: {  	s10 =	sadd.s32 $0x10000, s6;
	s22 =	sadd.s32 s11, s22;
	[dreg:$0x9] =	wrdreg s2  }
0x14: {  	s18 =	sshrl.u32 s18, $0x3;
	s26 =	smax.u32 s17, $0x1;
	[dreg:$0x5] =	wrdreg s22  }
0x15: {  	s22 =	sadd.s32 s15, s19;
	s12 =	sadd.s32 s14, s12;
	s25 =	sadd.s32 s19, s21  }
0x16: {  	s14 =	smul.u32 $0xA8, s23;
	s15 =	sadd.s32 s13, s15;
	s18 =	sadd.s32 s16, s18  }
0x17: {  	s19 =	sadd.s32 s13, s21;
	[dreg:$0xc] =	wrdreg s26;
	s23 =	simm.s32 $0x1B980  }
0x18: {  	s26 =	simm.s32 $0x400;
	s11 =	sor.u32 s20, s22;
	s22 =	sor.u32 s20, s25  }
0x19: {  	[dreg:$0x7] =	wrdreg s18;
	s24 =	sshrl.u32 s12, $0x3;
	s12 =	simm.s32 $0x1B900  }
0x1a: {  	s11 =	sshrl.u32 s11, $0x3;
	s25 =	sshrl.u32 s22, $0x3;
	s2 =	sadd.s32 s16, s24  }
0x1b: {  	s24 =	simm.s32 $0x2;
	s11 =	sadd.s32 s0, s11;
	[dreg:$0xa] =	wrdreg s2  }
0x1c: {  	s0 =	sadd.s32 s0, s25;
	s25 =	simm.s32 $0x80;
	[dreg:$0x8] =	wrdreg s11  }
0x1d: {  	v0 =	vimm.f32 $0.0e+00;
	s2 =	simm.s32 $0x1;
	[dreg:$0xb] =	wrdreg s0;
	s0 =	simm.s32 $0x19000  }
.LBB2_1:
0x1e: {  	s11 =	simm.s32 $0x0;
	s13 =	simm.s32 $0x200  }
.LBB2_2:
0x1f: {  	p0 =	sne.s32 s13, $0xFE00;
	[tilespmem:s11+$0x1B9F0] =	vst v0  }
0x20: {  	[tilespmem:s11+$0x1B980] =	vst v0  }
0x21: {  	[tilespmem:s11+$0x1B990] =	vst v0  }
.Ltmp0:
0x22: {  	[tilespmem:s11+$0x1B9A0] =	vst v0;
	(pc) =	sbr.rel @p0 .LBB2_2-.Ltmp0, $4  }
0x23: {  	[tilespmem:s11+$0x1B9B0] =	vst v0  }
0x24: {  	[tilespmem:s11+$0x1B9C0] =	vst v0  }
0x25: {  	[tilespmem:s11+$0x1B9D0] =	vst v0  }
0x26: {  	[tilespmem:s11+$0x1B9E0] =	vst v0;
	s11 =	sshra.s32 s13, $0x2;
	s13 =	sadd.s32 $0x200, s13  }
0x27: {  	[tilespmem:s11+$0x1B9F0] =	vst v0  }
0x28: {  	[tilespmem:s11+$0x1B980] =	vst v0  }
0x29: {  	[tilespmem:s11+$0x1B990] =	vst v0  }
0x2a: {  	[tilespmem:s11+$0x1B9A0] =	vst v0  }
0x2b: {  	[tilespmem:s11+$0x1B9B0] =	vst v0  }
0x2c: {  	[tilespmem:s11+$0x1B9C0] =	vst v0  }
0x2d: {  	[tilespmem:s11+$0x1B9D0] =	vst v0  }
0x2e: {  	[tilespmem:s11+$0x1B9E0] =	vst v0  }
0x2f: {  	[spmem:s6] =	stream.linear.scatter [tilespmem:s23], [sflag:$0x2], $0x4000, $0x38;
	[tilespmem:$0x1F980] =	vst v63  }
0x30: {  	_ =	swait.ge [sflag:s24], $0x4000  }
0x31: {  	[sflag:s24] =	ssyncset.done $0x0  }
0x32: {  	[sflag:s24] =	ssyncadd.s32 $0xFFFFC000  }
0x33: {  	[spmem:s7] =	stream.linear.scatter [tilespmem:s23], [sflag:$0x2], $0x4000, $0x38;
	[tilespmem:$0x1F980] =	vst v63  }
0x34: {  	_ =	swait.ge [sflag:s24], $0x4000  }
0x35: {  	[sflag:s24] =	ssyncset.done $0x0  }
0x36: {  	[sflag:s24] =	ssyncadd.s32 $0xFFFFC000  }
0x37: {  	[spmem:s8] =	stream.linear.scatter [tilespmem:s23], [sflag:$0x2], $0x4000, $0x38;
	[tilespmem:$0x1F980] =	vst v63  }
0x38: {  	_ =	swait.ge [sflag:s24], $0x4000  }
0x39: {  	[sflag:s24] =	ssyncset.done $0x0  }
0x3a: {  	[sflag:s24] =	ssyncadd.s32 $0xFFFFC000  }
0x3b: {  	[spmem:s9] =	stream.linear.scatter [tilespmem:s23], [sflag:$0x2], $0x4000, $0x38;
	[tilespmem:$0x1F980] =	vst v63  }
0x3c: {  	_ =	swait.ge [sflag:s24], $0x4000  }
0x3d: {  	[sflag:s24] =	ssyncset.done $0x0  }
0x3e: {  	[sflag:s24] =	ssyncadd.s32 $0xFFFFC000  }
0x3f: {  	[spmem:s10] =	stream.linear.scatter [tilespmem:s23], [sflag:$0x2], $0x4000, $0x38;
	[tilespmem:$0x1F980] =	vst v63  }
0x40: {  	_ =	swait.ge [sflag:s24], $0x4000  }
0x41: {  	[sflag:s24] =	ssyncset.done $0x0  }
0x42: {  	s11 =	simm.s32 $0x40;
	s13 =	simm.s32 $0x0;
	[sflag:s24] =	ssyncadd.s32 $0xFFFFC000  }
.LBB2_4:
0x43: {  	p0 =	sne.s32 s11, $0x9FC0;
	[tilespmem:s13+$0x19000] =	vst v0;
	s13 =	smov.u32 s11;
	s11 =	sadd.s32 $0x40, s11  }
.Ltmp1:
0x44: {  	(pc) =	sbr.rel @p0 .LBB2_4-.Ltmp1, $2  }
0x45: {  	_ =	sdelay $0x2  }
0x46: {  	s13 =	sshra.s32 s13, $0x2  }
0x47: {  	[tilespmem:s13+$0x19000] =	vst v0;
	s11 =	rddreg [dreg:$0x4]  }
0x48: {  	[tilespmem:s28], [sflag:$0x2] =	stream.strided.gather [hbm4b:s11+s25], $0x2800, s26, s25, $0x38;
	[tilespmem:$0x1F980] =	vst v63  }
0x49: {  	_ =	swait.ge [sflag:s24], $0x2800  }
0x4a: {  	[sflag:s24] =	ssyncset.done $0x0  }
0x4b: {  	s22 =	rddreg [dreg:$0x6];
	[sflag:s24] =	ssyncadd.s32 $0xFFFFD800  }
0x4c: {  	[tilespmem:s29], [sflag:$0x2] =	stream.strided.gather [hbm4b:s22+s25], $0x2800, s26, s25, $0x38;
	[tilespmem:$0x1F980] =	vst v63  }
0x4d: {  	_ =	swait.ge [sflag:s24], $0x2800  }
0x4e: {  	[sflag:s24] =	ssyncset.done $0x0  }
0x4f: {  	[sflag:s24] =	ssyncadd.s32 $0xFFFFD800  }
0x50: {  	s13 =	simm.s32 $0x0;
	s11 =	simm.s32 $0x0;
	[bflag:$0x0] =	sbarrier.arrive $0xFFFF  }
.LBB2_6:
0x51: {  	s16 =	sadd.s32 s14, s13  }
0x52: {  	s16 =	sshll.u32 s16, $0x4  }
0x53: {  	s17 =	sadd.s32 s1, s16  }
0x54: {  	[tilespmem:s30], [sflag:$0x2] =	stream.linear.gather [hbm4b:s17+s11], $0x80, $0x38;
	[tilespmem:$0x1F980] =	vst v63  }
0x55: {  	_ =	swait.ge [sflag:s24], $0x80  }
0x56: {  	[sflag:s24] =	ssyncset.done $0x0  }
0x57: {  	s16 =	sadd.s32 s5, s16;
	[sflag:s24] =	ssyncadd.s32 $0xFFFFFF80  }
0x58: {  	[tilespmem:s31], [sflag:$0x2] =	stream.linear.gather [hbm4b:s16+s11], $0x80, $0x38;
	[tilespmem:$0x1F980] =	vst v63  }
0x59: {  	_ =	swait.ge [sflag:s24], $0x80  }
0x5a: {  	[sflag:s24] =	ssyncset.done $0x0  }
0x5b: {  	[sflag:s24] =	ssyncadd.s32 $0xFFFFFF80  }
0x5c: {  	[tilespmem:s23], [sflag:$0x1] =	stream.indirect.gather [hbm4b:s15+s25], $0x80, s30, s25, $0xb8;
	[tilespmem:$0x1F980] =	vst v63  }
0x5d: {  	v1 =	vld [tilespmem:$0x1B800]  }
0x5e: {  	v2 =	vld [tilespmem:$0x1B880];
	_ =	sdelay $0x6  }
0x5f: {  	v1 =	vld.idx.msk [tilespmem:v1+s28+$0x0], $0xffff  }
0x60: {  	v3 =	vld.idx.msk [tilespmem:v2+s29+$0x0], $0xffff;
	_ =	sdelay $0x4  }
0x61: {  	v1 =	vadd.f32 v3, v1;
	_ =	sdelay $0x1  }
0x62: {  	v3 =	vmul.f32 $2.000000030e-01, v1;
	_ =	sdelay $0x1  }
0x63: {  	v1 =	vmax.f32 v1, v3  }
0x64: {  	v1 =	vmul.f32 $1.442695020e+00, v1;
	_ =	sdelay $0x1  }
0x65: {  	(erf) = vpow2.f32 v1;
	_ =	sdelay $0x8  }
0x66: {  	v1 =	vpop (erf)  }
0x67: {  	[tilespmem:$0x1B900] =	vst v1  }
0x68: {  	[tilespmem:v2+s0+$0x0] =	vst.idx.add.f32.msk $0xffff, v1  }
0x69: {  	v1 =	vld [tilespmem:$0x1B810]  }
0x6a: {  	v2 =	vld [tilespmem:$0x1B890];
	_ =	sdelay $0x6  }
0x6b: {  	v1 =	vld.idx.msk [tilespmem:v1+s28+$0x0], $0xffff  }
0x6c: {  	v3 =	vld.idx.msk [tilespmem:v2+s29+$0x0], $0xffff;
	_ =	sdelay $0x4  }
0x6d: {  	v1 =	vadd.f32 v3, v1;
	_ =	sdelay $0x1  }
0x6e: {  	v3 =	vmul.f32 $2.000000030e-01, v1;
	_ =	sdelay $0x1  }
0x6f: {  	v1 =	vmax.f32 v1, v3  }
0x70: {  	v1 =	vmul.f32 $1.442695020e+00, v1;
	_ =	sdelay $0x1  }
0x71: {  	(erf) = vpow2.f32 v1;
	_ =	sdelay $0x8  }
0x72: {  	v1 =	vpop (erf)  }
0x73: {  	[tilespmem:$0x1B910] =	vst v1  }
0x74: {  	[tilespmem:v2+s0+$0x0] =	vst.idx.add.f32.msk $0xffff, v1  }
0x75: {  	v1 =	vld [tilespmem:$0x1B820]  }
0x76: {  	v2 =	vld [tilespmem:$0x1B8A0];
	_ =	sdelay $0x6  }
0x77: {  	v1 =	vld.idx.msk [tilespmem:v1+s28+$0x0], $0xffff  }
0x78: {  	v3 =	vld.idx.msk [tilespmem:v2+s29+$0x0], $0xffff;
	_ =	sdelay $0x4  }
0x79: {  	v1 =	vadd.f32 v3, v1;
	_ =	sdelay $0x1  }
0x7a: {  	v3 =	vmul.f32 $2.000000030e-01, v1;
	_ =	sdelay $0x1  }
0x7b: {  	v1 =	vmax.f32 v1, v3  }
0x7c: {  	v1 =	vmul.f32 $1.442695020e+00, v1;
	_ =	sdelay $0x1  }
0x7d: {  	(erf) = vpow2.f32 v1;
	_ =	sdelay $0x8  }
0x7e: {  	v1 =	vpop (erf)  }
0x7f: {  	[tilespmem:$0x1B920] =	vst v1  }
0x80: {  	[tilespmem:v2+s0+$0x0] =	vst.idx.add.f32.msk $0xffff, v1  }
0x81: {  	v1 =	vld [tilespmem:$0x1B830]  }
0x82: {  	v2 =	vld [tilespmem:$0x1B8B0];
	_ =	sdelay $0x6  }
0x83: {  	v1 =	vld.idx.msk [tilespmem:v1+s28+$0x0], $0xffff  }
0x84: {  	v3 =	vld.idx.msk [tilespmem:v2+s29+$0x0], $0xffff;
	_ =	sdelay $0x4  }
0x85: {  	v1 =	vadd.f32 v3, v1;
	_ =	sdelay $0x1  }
0x86: {  	v3 =	vmul.f32 $2.000000030e-01, v1;
	_ =	sdelay $0x1  }
0x87: {  	v1 =	vmax.f32 v1, v3  }
0x88: {  	v1 =	vmul.f32 $1.442695020e+00, v1;
	_ =	sdelay $0x1  }
0x89: {  	(erf) = vpow2.f32 v1;
	_ =	sdelay $0x8  }
0x8a: {  	v1 =	vpop (erf)  }
0x8b: {  	[tilespmem:$0x1B930] =	vst v1  }
0x8c: {  	[tilespmem:v2+s0+$0x0] =	vst.idx.add.f32.msk $0xffff, v1  }
0x8d: {  	v1 =	vld [tilespmem:$0x1B840]  }
0x8e: {  	v2 =	vld [tilespmem:$0x1B8C0];
	_ =	sdelay $0x6  }
0x8f: {  	v1 =	vld.idx.msk [tilespmem:v1+s28+$0x0], $0xffff  }
0x90: {  	v3 =	vld.idx.msk [tilespmem:v2+s29+$0x0], $0xffff;
	_ =	sdelay $0x4  }
0x91: {  	v1 =	vadd.f32 v3, v1;
	_ =	sdelay $0x1  }
0x92: {  	v3 =	vmul.f32 $2.000000030e-01, v1;
	_ =	sdelay $0x1  }
0x93: {  	v1 =	vmax.f32 v1, v3  }
0x94: {  	v1 =	vmul.f32 $1.442695020e+00, v1;
	_ =	sdelay $0x1  }
0x95: {  	(erf) = vpow2.f32 v1;
	_ =	sdelay $0x8  }
0x96: {  	v1 =	vpop (erf)  }
0x97: {  	[tilespmem:$0x1B940] =	vst v1  }
0x98: {  	[tilespmem:v2+s0+$0x0] =	vst.idx.add.f32.msk $0xffff, v1  }
0x99: {  	v1 =	vld [tilespmem:$0x1B850]  }
0x9a: {  	v2 =	vld [tilespmem:$0x1B8D0];
	_ =	sdelay $0x6  }
0x9b: {  	v1 =	vld.idx.msk [tilespmem:v1+s28+$0x0], $0xffff  }
0x9c: {  	v3 =	vld.idx.msk [tilespmem:v2+s29+$0x0], $0xffff;
	_ =	sdelay $0x4  }
0x9d: {  	v1 =	vadd.f32 v3, v1;
	_ =	sdelay $0x1  }
0x9e: {  	v3 =	vmul.f32 $2.000000030e-01, v1;
	_ =	sdelay $0x1  }
0x9f: {  	v1 =	vmax.f32 v1, v3  }
0xa0: {  	v1 =	vmul.f32 $1.442695020e+00, v1;
	_ =	sdelay $0x1  }
0xa1: {  	(erf) = vpow2.f32 v1;
	_ =	sdelay $0x8  }
0xa2: {  	v1 =	vpop (erf)  }
0xa3: {  	[tilespmem:$0x1B950] =	vst v1  }
0xa4: {  	[tilespmem:v2+s0+$0x0] =	vst.idx.add.f32.msk $0xffff, v1  }
0xa5: {  	v1 =	vld [tilespmem:$0x1B860]  }
0xa6: {  	v2 =	vld [tilespmem:$0x1B8E0];
	_ =	sdelay $0x6  }
0xa7: {  	v1 =	vld.idx.msk [tilespmem:v1+s28+$0x0], $0xffff  }
0xa8: {  	v3 =	vld.idx.msk [tilespmem:v2+s29+$0x0], $0xffff;
	_ =	sdelay $0x4  }
0xa9: {  	v1 =	vadd.f32 v3, v1;
	_ =	sdelay $0x1  }
0xaa: {  	v3 =	vmul.f32 $2.000000030e-01, v1;
	_ =	sdelay $0x1  }
0xab: {  	v1 =	vmax.f32 v1, v3  }
0xac: {  	v1 =	vmul.f32 $1.442695020e+00, v1;
	_ =	sdelay $0x1  }
0xad: {  	(erf) = vpow2.f32 v1;
	_ =	sdelay $0x8  }
0xae: {  	v1 =	vpop (erf)  }
0xaf: {  	[tilespmem:$0x1B960] =	vst v1  }
0xb0: {  	[tilespmem:v2+s0+$0x0] =	vst.idx.add.f32.msk $0xffff, v1  }
0xb1: {  	v1 =	vld [tilespmem:$0x1B870]  }
0xb2: {  	v2 =	vld [tilespmem:$0x1B8F0];
	_ =	sdelay $0x6  }
0xb3: {  	v1 =	vld.idx.msk [tilespmem:v1+s28+$0x0], $0xffff  }
0xb4: {  	v3 =	vld.idx.msk [tilespmem:v2+s29+$0x0], $0xffff;
	_ =	sdelay $0x4  }
0xb5: {  	v1 =	vadd.f32 v3, v1;
	_ =	sdelay $0x1  }
0xb6: {  	v3 =	vmul.f32 $2.000000030e-01, v1;
	_ =	sdelay $0x1  }
0xb7: {  	v1 =	vmax.f32 v1, v3  }
0xb8: {  	v1 =	vmul.f32 $1.442695020e+00, v1;
	_ =	sdelay $0x1  }
0xb9: {  	(erf) = vpow2.f32 v1;
	_ =	sdelay $0x8  }
0xba: {  	v1 =	vpop (erf)  }
0xbb: {  	[tilespmem:$0x1B970] =	vst v1  }
0xbc: {  	[tilespmem:v2+s0+$0x0] =	vst.idx.add.f32.msk $0xffff, v1  }
0xbd: {  	_ =	swait.ge [sflag:s2], $0x4000  }
0xbe: {  	v1 =	vmov s11;
	[sflag:s2] =	ssyncset.done $0x0  }
0xbf: {  	s16 =	simm.s32 $0x1B9C0;
	[sflag:s2] =	ssyncadd.s32 $0xFFFFC000  }
0xc0: {  	v5 =	vld [tilespmem:s16+$0x30]  }
0xc1: {  	v8 =	vld [tilespmem:s16+$0x10]  }
0xc2: {  	v6 =	vld [tilespmem:s16+$0xFFFFFFC0]  }
0xc3: {  	v2 =	vld.idx.msk [tilespmem:v1+s12+$0x0], $0xffff  }
0xc4: {  	v10 =	vld [tilespmem:s16+$0xFFFFFFE0]  }
0xc5: {  	v3 =	vld [tilespmem:s16+$0x20]  }
0xc6: {  	v4 =	vld [tilespmem:s16+$0xFFFFFFD0]  }
0xc7: {  	v1 =	vld [tilespmem:s16+$0xFFFFFFF0]  }
0xc8: {  	v9 =	vmul.f32 v5, v2;
	v5 =	vld [tilespmem:s16+$0x0]  }
0xc9: {  	v7 =	vmul.f32 v6, v2  }
0xca: {  	s18 =	simm.s32 $0x1B9C0;
	s17 =	simm.s32 $0x1;
	v6 =	vmul.f32 v10, v2;
	v8 =	vmul.f32 v8, v2  }
.LBB2_7:
0xcb: {  	p0 =	sne.s32 s17, $0x7F  }
0xcc: {  	v4 =	vmul.f32 v4, v2;
	v3 =	vmul.f32 v3, v2;
	[tilespmem:s16+$0x30] =	vst v9;
	s18 =	sadd.s32 $0x80, s18;
	s20 =	smov.u32 s17;
	s17 =	sadd.s32 $0x1, s17  }
0xcd: {  	[tilespmem:s16+$0xFFFFFFC0] =	vst v7;
	v7 =	vmul.f32 v1, v2;
	v2 =	vmul.f32 v5, v2  }
0xce: {  	[tilespmem:s16+$0x10] =	vst v8  }
0xcf: {  	v5 =	vmov s20;
	[tilespmem:s16+$0xFFFFFFE0] =	vst v6  }
0xd0: {  	v1 =	vld [tilespmem:s18+$0xFFFFFFF0];
	[tilespmem:s16+$0xFFFFFFF0] =	vst v7  }
0xd1: {  	v6 =	vld [tilespmem:s18+$0x30];
	[tilespmem:s16+$0x0] =	vst v2  }
0xd2: {  	v8 =	vld [tilespmem:s18+$0x10];
	[tilespmem:s16+$0x20] =	vst v3  }
0xd3: {  	v7 =	vld [tilespmem:s18+$0xFFFFFFC0];
	[tilespmem:s16+$0xFFFFFFD0] =	vst v4;
	s16 =	smov.u32 s18  }
0xd4: {  	v2 =	vld.idx.msk [tilespmem:v5+s12+$0x0], $0xffff  }
0xd5: {  	v10 =	vld [tilespmem:s18+$0xFFFFFFE0]  }
0xd6: {  	v3 =	vld [tilespmem:s18+$0x20]  }
.Ltmp2:
0xd7: {  	v4 =	vld [tilespmem:s18+$0xFFFFFFD0];
	(pc) =	sbr.rel @p0 .LBB2_7-.Ltmp2, $3  }
0xd8: {  	v5 =	vld [tilespmem:s18+$0x0];
	_ =	sdelay $0x1  }
0xd9: {  	v7 =	vmul.f32 v7, v2;
	v9 =	vmul.f32 v6, v2  }
0xda: {  	v8 =	vmul.f32 v8, v2;
	v6 =	vmul.f32 v10, v2  }
0xdb: {  	[tilespmem:s16+$0x30] =	vst v9  }
0xdc: {  	[tilespmem:s16+$0xFFFFFFC0] =	vst v7  }
0xdd: {  	v1 =	vmul.f32 v1, v2;
	[tilespmem:s16+$0x10] =	vst v8  }
0xde: {  	v3 =	vmul.f32 v3, v2;
	[tilespmem:s16+$0xFFFFFFE0] =	vst v6  }
0xdf: {  	v5 =	vmul.f32 v5, v2;
	[tilespmem:s16+$0xFFFFFFF0] =	vst v1  }
0xe0: {  	s13 =	sadd.s32 $0x1, s13;
	v1 =	vmul.f32 v4, v2;
	[tilespmem:s16+$0x20] =	vst v3  }
0xe1: {  	p0 =	sne.s32 s13, $0xA8;
	[tilespmem:s16+$0x0] =	vst v5  }
.Ltmp3:
0xe2: {  	[tilespmem:s16+$0xFFFFFFD0] =	vst v1;
	(pc) =	sbr.rel @p0 .LBB2_6-.Ltmp3, $4  }
0xe3: {  	[spmem:s3] =	stream.indirect.scatter.add.f32 [tilespmem:s23], [sflag:$0x2], $0x80, s31, s25, $0xb8;
	[tilespmem:$0x1F980] =	vst v63  }
0xe4: {  	_ =	swait.ge [sflag:s24], $0x4000  }
0xe5: {  	[sflag:s24] =	ssyncset.done $0x0  }
0xe6: {  	[sflag:s24] =	ssyncadd.s32 $0xFFFFC000  }
0xe7: {  	s11 =	stileid.u32  }
0xe8: {  	[bflag:$0x0] =	sbarrier.arrive $0xFFFF;
	s11 =	sshll.u32 s11, $0x6  }
0xe9: {  	s16 =	rddreg [dreg:$0x7];
	s13 =	sor.u32 $0x1C02, s11;
	s11 =	sshrl.u32 s6, $0x3  }
0xea: {  	[hbm:s16], [sflag:s13] =	dma.local [spmem:s11], $0x2800  }
0xeb: {  	_ =	swait.ge [sflag:s24], $0x2800  }
0xec: {  	[sflag:s24] =	ssyncset.done $0x0  }
0xed: {  	s22 =	rddreg [dreg:$0x8];
	[sflag:s24] =	ssyncadd.s32 $0xFFFFD800  }
0xee: {  	[hbm4b:s22+s25] =	stream.strided.scatter [tilespmem:s0], [sflag:$0x2], $0x2800, s26, s25, $0x38;
	[tilespmem:$0x1F980] =	vst v63  }
0xef: {  	_ =	swait.ge [sflag:s24], $0x2800  }
0xf0: {  	[sflag:s24] =	ssyncset.done $0x0  }
0xf1: {  	s17 =	simm.s32 $0x200;
	s16 =	simm.s32 $0x0;
	[sflag:s24] =	ssyncadd.s32 $0xFFFFD800  }
.LBB2_10:
0xf2: {  	p0 =	sne.s32 s17, $0xFE00;
	[tilespmem:s16+$0x1B9F0] =	vst v0  }
0xf3: {  	[tilespmem:s16+$0x1B980] =	vst v0  }
0xf4: {  	[tilespmem:s16+$0x1B990] =	vst v0  }
.Ltmp4:
0xf5: {  	[tilespmem:s16+$0x1B9A0] =	vst v0;
	(pc) =	sbr.rel @p0 .LBB2_10-.Ltmp4, $4  }
0xf6: {  	[tilespmem:s16+$0x1B9B0] =	vst v0  }
0xf7: {  	[tilespmem:s16+$0x1B9C0] =	vst v0  }
0xf8: {  	[tilespmem:s16+$0x1B9D0] =	vst v0  }
0xf9: {  	[tilespmem:s16+$0x1B9E0] =	vst v0;
	s16 =	sshra.s32 s17, $0x2;
	s17 =	sadd.s32 $0x200, s17  }
0xfa: {  	[tilespmem:s16+$0x1B9F0] =	vst v0  }
0xfb: {  	[tilespmem:s16+$0x1B980] =	vst v0  }
0xfc: {  	[tilespmem:s16+$0x1B990] =	vst v0  }
0xfd: {  	[tilespmem:s16+$0x1B9A0] =	vst v0  }
0xfe: {  	[tilespmem:s16+$0x1B9B0] =	vst v0  }
0xff: {  	[tilespmem:s16+$0x1B9C0] =	vst v0  }
0x100: {  	[tilespmem:s16+$0x1B9D0] =	vst v0  }
0x101: {  	[tilespmem:s16+$0x1B9E0] =	vst v0  }
0x102: {  	[spmem:s6] =	stream.linear.scatter [tilespmem:s23], [sflag:$0x2], $0x4000, $0x38;
	[tilespmem:$0x1F980] =	vst v63  }
0x103: {  	_ =	swait.ge [sflag:s24], $0x4000  }
0x104: {  	[sflag:s24] =	ssyncset.done $0x0  }
0x105: {  	[sflag:s24] =	ssyncadd.s32 $0xFFFFC000  }
0x106: {  	[spmem:s7] =	stream.linear.scatter [tilespmem:s23], [sflag:$0x2], $0x4000, $0x38;
	[tilespmem:$0x1F980] =	vst v63  }
0x107: {  	_ =	swait.ge [sflag:s24], $0x4000  }
0x108: {  	[sflag:s24] =	ssyncset.done $0x0  }
0x109: {  	[sflag:s24] =	ssyncadd.s32 $0xFFFFC000  }
0x10a: {  	[spmem:s8] =	stream.linear.scatter [tilespmem:s23], [sflag:$0x2], $0x4000, $0x38;
	[tilespmem:$0x1F980] =	vst v63  }
0x10b: {  	_ =	swait.ge [sflag:s24], $0x4000  }
0x10c: {  	[sflag:s24] =	ssyncset.done $0x0  }
0x10d: {  	[sflag:s24] =	ssyncadd.s32 $0xFFFFC000  }
0x10e: {  	[spmem:s9] =	stream.linear.scatter [tilespmem:s23], [sflag:$0x2], $0x4000, $0x38;
	[tilespmem:$0x1F980] =	vst v63  }
0x10f: {  	_ =	swait.ge [sflag:s24], $0x4000  }
0x110: {  	[sflag:s24] =	ssyncset.done $0x0  }
0x111: {  	[sflag:s24] =	ssyncadd.s32 $0xFFFFC000  }
0x112: {  	[spmem:s10] =	stream.linear.scatter [tilespmem:s23], [sflag:$0x2], $0x4000, $0x38;
	[tilespmem:$0x1F980] =	vst v63  }
0x113: {  	_ =	swait.ge [sflag:s24], $0x4000  }
0x114: {  	[sflag:s24] =	ssyncset.done $0x0  }
0x115: {  	s16 =	simm.s32 $0x40;
	s17 =	simm.s32 $0x0;
	[sflag:s24] =	ssyncadd.s32 $0xFFFFC000  }
.LBB2_12:
0x116: {  	p0 =	sne.s32 s16, $0x9FC0;
	[tilespmem:s17+$0x19000] =	vst v0;
	s17 =	smov.u32 s16;
	s16 =	sadd.s32 $0x40, s16  }
.Ltmp5:
0x117: {  	(pc) =	sbr.rel @p0 .LBB2_12-.Ltmp5, $2  }
0x118: {  	_ =	sdelay $0x2  }
0x119: {  	s17 =	sshra.s32 s17, $0x2  }
0x11a: {  	[tilespmem:s17+$0x19000] =	vst v0;
	s16 =	rddreg [dreg:$0x5]  }
0x11b: {  	[tilespmem:s28], [sflag:$0x2] =	stream.strided.gather [hbm4b:s16+s25], $0x2800, s26, s25, $0x38;
	[tilespmem:$0x1F980] =	vst v63  }
0x11c: {  	_ =	swait.ge [sflag:s24], $0x2800  }
0x11d: {  	[sflag:s24] =	ssyncset.done $0x0  }
0x11e: {  	s22 =	rddreg [dreg:$0x9];
	[sflag:s24] =	ssyncadd.s32 $0xFFFFD800  }
0x11f: {  	[tilespmem:s29], [sflag:$0x2] =	stream.strided.gather [hbm4b:s22+s25], $0x2800, s26, s25, $0x38;
	[tilespmem:$0x1F980] =	vst v63  }
0x120: {  	_ =	swait.ge [sflag:s24], $0x2800  }
0x121: {  	[sflag:s24] =	ssyncset.done $0x0  }
0x122: {  	[sflag:s24] =	ssyncadd.s32 $0xFFFFD800  }
0x123: {  	s17 =	simm.s32 $0x0;
	s16 =	simm.s32 $0x0;
	[bflag:$0x0] =	sbarrier.arrive $0xFFFF  }
.LBB2_14:
0x124: {  	s18 =	sadd.s32 s14, s17  }
0x125: {  	s18 =	sshll.u32 s18, $0x4  }
0x126: {  	s20 =	sadd.s32 s1, s18  }
0x127: {  	[tilespmem:s30], [sflag:$0x2] =	stream.linear.gather [hbm4b:s20+s16], $0x80, $0x38;
	[tilespmem:$0x1F980] =	vst v63  }
0x128: {  	_ =	swait.ge [sflag:s24], $0x80  }
0x129: {  	[sflag:s24] =	ssyncset.done $0x0  }
0x12a: {  	s18 =	sadd.s32 s5, s18;
	[sflag:s24] =	ssyncadd.s32 $0xFFFFFF80  }
0x12b: {  	[tilespmem:s31], [sflag:$0x2] =	stream.linear.gather [hbm4b:s18+s16], $0x80, $0x38;
	[tilespmem:$0x1F980] =	vst v63  }
0x12c: {  	_ =	swait.ge [sflag:s24], $0x80  }
0x12d: {  	[sflag:s24] =	ssyncset.done $0x0  }
0x12e: {  	[sflag:s24] =	ssyncadd.s32 $0xFFFFFF80  }
0x12f: {  	[tilespmem:s23], [sflag:$0x1] =	stream.indirect.gather [hbm4b:s19+s25], $0x80, s30, s25, $0xb8;
	[tilespmem:$0x1F980] =	vst v63  }
0x130: {  	v1 =	vld [tilespmem:$0x1B800]  }
0x131: {  	v2 =	vld [tilespmem:$0x1B880];
	_ =	sdelay $0x6  }
0x132: {  	v1 =	vld.idx.msk [tilespmem:v1+s28+$0x0], $0xffff  }
0x133: {  	v3 =	vld.idx.msk [tilespmem:v2+s29+$0x0], $0xffff;
	_ =	sdelay $0x4  }
0x134: {  	v1 =	vadd.f32 v3, v1;
	_ =	sdelay $0x1  }
0x135: {  	v3 =	vmul.f32 $2.000000030e-01, v1;
	_ =	sdelay $0x1  }
0x136: {  	v1 =	vmax.f32 v1, v3  }
0x137: {  	v1 =	vmul.f32 $1.442695020e+00, v1;
	_ =	sdelay $0x1  }
0x138: {  	(erf) = vpow2.f32 v1;
	_ =	sdelay $0x8  }
0x139: {  	v1 =	vpop (erf)  }
0x13a: {  	[tilespmem:$0x1B900] =	vst v1  }
0x13b: {  	[tilespmem:v2+s0+$0x0] =	vst.idx.add.f32.msk $0xffff, v1  }
0x13c: {  	v1 =	vld [tilespmem:$0x1B810]  }
0x13d: {  	v2 =	vld [tilespmem:$0x1B890];
	_ =	sdelay $0x6  }
0x13e: {  	v1 =	vld.idx.msk [tilespmem:v1+s28+$0x0], $0xffff  }
0x13f: {  	v3 =	vld.idx.msk [tilespmem:v2+s29+$0x0], $0xffff;
	_ =	sdelay $0x4  }
0x140: {  	v1 =	vadd.f32 v3, v1;
	_ =	sdelay $0x1  }
0x141: {  	v3 =	vmul.f32 $2.000000030e-01, v1;
	_ =	sdelay $0x1  }
0x142: {  	v1 =	vmax.f32 v1, v3  }
0x143: {  	v1 =	vmul.f32 $1.442695020e+00, v1;
	_ =	sdelay $0x1  }
0x144: {  	(erf) = vpow2.f32 v1;
	_ =	sdelay $0x8  }
0x145: {  	v1 =	vpop (erf)  }
0x146: {  	[tilespmem:$0x1B910] =	vst v1  }
0x147: {  	[tilespmem:v2+s0+$0x0] =	vst.idx.add.f32.msk $0xffff, v1  }
0x148: {  	v1 =	vld [tilespmem:$0x1B820]  }
0x149: {  	v2 =	vld [tilespmem:$0x1B8A0];
	_ =	sdelay $0x6  }
0x14a: {  	v1 =	vld.idx.msk [tilespmem:v1+s28+$0x0], $0xffff  }
0x14b: {  	v3 =	vld.idx.msk [tilespmem:v2+s29+$0x0], $0xffff;
	_ =	sdelay $0x4  }
0x14c: {  	v1 =	vadd.f32 v3, v1;
	_ =	sdelay $0x1  }
0x14d: {  	v3 =	vmul.f32 $2.000000030e-01, v1;
	_ =	sdelay $0x1  }
0x14e: {  	v1 =	vmax.f32 v1, v3  }
0x14f: {  	v1 =	vmul.f32 $1.442695020e+00, v1;
	_ =	sdelay $0x1  }
0x150: {  	(erf) = vpow2.f32 v1;
	_ =	sdelay $0x8  }
0x151: {  	v1 =	vpop (erf)  }
0x152: {  	[tilespmem:$0x1B920] =	vst v1  }
0x153: {  	[tilespmem:v2+s0+$0x0] =	vst.idx.add.f32.msk $0xffff, v1  }
0x154: {  	v1 =	vld [tilespmem:$0x1B830]  }
0x155: {  	v2 =	vld [tilespmem:$0x1B8B0];
	_ =	sdelay $0x6  }
0x156: {  	v1 =	vld.idx.msk [tilespmem:v1+s28+$0x0], $0xffff  }
0x157: {  	v3 =	vld.idx.msk [tilespmem:v2+s29+$0x0], $0xffff;
	_ =	sdelay $0x4  }
0x158: {  	v1 =	vadd.f32 v3, v1;
	_ =	sdelay $0x1  }
0x159: {  	v3 =	vmul.f32 $2.000000030e-01, v1;
	_ =	sdelay $0x1  }
0x15a: {  	v1 =	vmax.f32 v1, v3  }
0x15b: {  	v1 =	vmul.f32 $1.442695020e+00, v1;
	_ =	sdelay $0x1  }
0x15c: {  	(erf) = vpow2.f32 v1;
	_ =	sdelay $0x8  }
0x15d: {  	v1 =	vpop (erf)  }
0x15e: {  	[tilespmem:$0x1B930] =	vst v1  }
0x15f: {  	[tilespmem:v2+s0+$0x0] =	vst.idx.add.f32.msk $0xffff, v1  }
0x160: {  	v1 =	vld [tilespmem:$0x1B840]  }
0x161: {  	v2 =	vld [tilespmem:$0x1B8C0];
	_ =	sdelay $0x6  }
0x162: {  	v1 =	vld.idx.msk [tilespmem:v1+s28+$0x0], $0xffff  }
0x163: {  	v3 =	vld.idx.msk [tilespmem:v2+s29+$0x0], $0xffff;
	_ =	sdelay $0x4  }
0x164: {  	v1 =	vadd.f32 v3, v1;
	_ =	sdelay $0x1  }
0x165: {  	v3 =	vmul.f32 $2.000000030e-01, v1;
	_ =	sdelay $0x1  }
0x166: {  	v1 =	vmax.f32 v1, v3  }
0x167: {  	v1 =	vmul.f32 $1.442695020e+00, v1;
	_ =	sdelay $0x1  }
0x168: {  	(erf) = vpow2.f32 v1;
	_ =	sdelay $0x8  }
0x169: {  	v1 =	vpop (erf)  }
0x16a: {  	[tilespmem:$0x1B940] =	vst v1  }
0x16b: {  	[tilespmem:v2+s0+$0x0] =	vst.idx.add.f32.msk $0xffff, v1  }
0x16c: {  	v1 =	vld [tilespmem:$0x1B850]  }
0x16d: {  	v2 =	vld [tilespmem:$0x1B8D0];
	_ =	sdelay $0x6  }
0x16e: {  	v1 =	vld.idx.msk [tilespmem:v1+s28+$0x0], $0xffff  }
0x16f: {  	v3 =	vld.idx.msk [tilespmem:v2+s29+$0x0], $0xffff;
	_ =	sdelay $0x4  }
0x170: {  	v1 =	vadd.f32 v3, v1;
	_ =	sdelay $0x1  }
0x171: {  	v3 =	vmul.f32 $2.000000030e-01, v1;
	_ =	sdelay $0x1  }
0x172: {  	v1 =	vmax.f32 v1, v3  }
0x173: {  	v1 =	vmul.f32 $1.442695020e+00, v1;
	_ =	sdelay $0x1  }
0x174: {  	(erf) = vpow2.f32 v1;
	_ =	sdelay $0x8  }
0x175: {  	v1 =	vpop (erf)  }
0x176: {  	[tilespmem:$0x1B950] =	vst v1  }
0x177: {  	[tilespmem:v2+s0+$0x0] =	vst.idx.add.f32.msk $0xffff, v1  }
0x178: {  	v1 =	vld [tilespmem:$0x1B860]  }
0x179: {  	v2 =	vld [tilespmem:$0x1B8E0];
	_ =	sdelay $0x6  }
0x17a: {  	v1 =	vld.idx.msk [tilespmem:v1+s28+$0x0], $0xffff  }
0x17b: {  	v3 =	vld.idx.msk [tilespmem:v2+s29+$0x0], $0xffff;
	_ =	sdelay $0x4  }
0x17c: {  	v1 =	vadd.f32 v3, v1;
	_ =	sdelay $0x1  }
0x17d: {  	v3 =	vmul.f32 $2.000000030e-01, v1;
	_ =	sdelay $0x1  }
0x17e: {  	v1 =	vmax.f32 v1, v3  }
0x17f: {  	v1 =	vmul.f32 $1.442695020e+00, v1;
	_ =	sdelay $0x1  }
0x180: {  	(erf) = vpow2.f32 v1;
	_ =	sdelay $0x8  }
0x181: {  	v1 =	vpop (erf)  }
0x182: {  	[tilespmem:$0x1B960] =	vst v1  }
0x183: {  	[tilespmem:v2+s0+$0x0] =	vst.idx.add.f32.msk $0xffff, v1  }
0x184: {  	v1 =	vld [tilespmem:$0x1B870]  }
0x185: {  	v2 =	vld [tilespmem:$0x1B8F0];
	_ =	sdelay $0x6  }
0x186: {  	v1 =	vld.idx.msk [tilespmem:v1+s28+$0x0], $0xffff  }
0x187: {  	v3 =	vld.idx.msk [tilespmem:v2+s29+$0x0], $0xffff;
	_ =	sdelay $0x4  }
0x188: {  	v1 =	vadd.f32 v3, v1;
	_ =	sdelay $0x1  }
0x189: {  	v3 =	vmul.f32 $2.000000030e-01, v1;
	_ =	sdelay $0x1  }
0x18a: {  	v1 =	vmax.f32 v1, v3  }
0x18b: {  	v1 =	vmul.f32 $1.442695020e+00, v1;
	_ =	sdelay $0x1  }
0x18c: {  	(erf) = vpow2.f32 v1;
	_ =	sdelay $0x8  }
0x18d: {  	v1 =	vpop (erf)  }
0x18e: {  	[tilespmem:$0x1B970] =	vst v1  }
0x18f: {  	[tilespmem:v2+s0+$0x0] =	vst.idx.add.f32.msk $0xffff, v1  }
0x190: {  	_ =	swait.ge [sflag:s2], $0x4000  }
0x191: {  	v1 =	vmov s16;
	[sflag:s2] =	ssyncset.done $0x0  }
0x192: {  	s18 =	simm.s32 $0x1B9C0;
	[sflag:s2] =	ssyncadd.s32 $0xFFFFC000  }
0x193: {  	v5 =	vld [tilespmem:s18+$0x30]  }
0x194: {  	v8 =	vld [tilespmem:s18+$0x10]  }
0x195: {  	v6 =	vld [tilespmem:s18+$0xFFFFFFC0]  }
0x196: {  	v2 =	vld.idx.msk [tilespmem:v1+s12+$0x0], $0xffff  }
0x197: {  	v10 =	vld [tilespmem:s18+$0xFFFFFFE0]  }
0x198: {  	v3 =	vld [tilespmem:s18+$0x20]  }
0x199: {  	v4 =	vld [tilespmem:s18+$0xFFFFFFD0]  }
0x19a: {  	v1 =	vld [tilespmem:s18+$0xFFFFFFF0]  }
0x19b: {  	v9 =	vmul.f32 v5, v2;
	v5 =	vld [tilespmem:s18+$0x0]  }
0x19c: {  	v7 =	vmul.f32 v6, v2  }
0x19d: {  	s21 =	simm.s32 $0x1B9C0;
	s20 =	simm.s32 $0x1;
	v6 =	vmul.f32 v10, v2;
	v8 =	vmul.f32 v8, v2  }
.LBB2_15:
0x19e: {  	p0 =	sne.s32 s20, $0x7F  }
0x19f: {  	v4 =	vmul.f32 v4, v2;
	v3 =	vmul.f32 v3, v2;
	[tilespmem:s18+$0x30] =	vst v9;
	s21 =	sadd.s32 $0x80, s21;
	s22 =	smov.u32 s20;
	s20 =	sadd.s32 $0x1, s20  }
0x1a0: {  	[tilespmem:s18+$0xFFFFFFC0] =	vst v7;
	v7 =	vmul.f32 v1, v2;
	v2 =	vmul.f32 v5, v2  }
0x1a1: {  	[tilespmem:s18+$0x10] =	vst v8  }
0x1a2: {  	v5 =	vmov s22;
	[tilespmem:s18+$0xFFFFFFE0] =	vst v6  }
0x1a3: {  	v1 =	vld [tilespmem:s21+$0xFFFFFFF0];
	[tilespmem:s18+$0xFFFFFFF0] =	vst v7  }
0x1a4: {  	v6 =	vld [tilespmem:s21+$0x30];
	[tilespmem:s18+$0x0] =	vst v2  }
0x1a5: {  	v8 =	vld [tilespmem:s21+$0x10];
	[tilespmem:s18+$0x20] =	vst v3  }
0x1a6: {  	v7 =	vld [tilespmem:s21+$0xFFFFFFC0];
	[tilespmem:s18+$0xFFFFFFD0] =	vst v4;
	s18 =	smov.u32 s21  }
0x1a7: {  	v2 =	vld.idx.msk [tilespmem:v5+s12+$0x0], $0xffff  }
0x1a8: {  	v10 =	vld [tilespmem:s21+$0xFFFFFFE0]  }
0x1a9: {  	v3 =	vld [tilespmem:s21+$0x20]  }
.Ltmp6:
0x1aa: {  	v4 =	vld [tilespmem:s21+$0xFFFFFFD0];
	(pc) =	sbr.rel @p0 .LBB2_15-.Ltmp6, $3  }
0x1ab: {  	v5 =	vld [tilespmem:s21+$0x0];
	_ =	sdelay $0x1  }
0x1ac: {  	v7 =	vmul.f32 v7, v2;
	v9 =	vmul.f32 v6, v2  }
0x1ad: {  	v8 =	vmul.f32 v8, v2;
	v6 =	vmul.f32 v10, v2  }
0x1ae: {  	[tilespmem:s18+$0x30] =	vst v9  }
0x1af: {  	[tilespmem:s18+$0xFFFFFFC0] =	vst v7  }
0x1b0: {  	v1 =	vmul.f32 v1, v2;
	[tilespmem:s18+$0x10] =	vst v8  }
0x1b1: {  	v3 =	vmul.f32 v3, v2;
	[tilespmem:s18+$0xFFFFFFE0] =	vst v6  }
0x1b2: {  	v5 =	vmul.f32 v5, v2;
	[tilespmem:s18+$0xFFFFFFF0] =	vst v1  }
0x1b3: {  	s17 =	sadd.s32 $0x1, s17;
	v1 =	vmul.f32 v4, v2;
	[tilespmem:s18+$0x20] =	vst v3  }
0x1b4: {  	p0 =	sne.s32 s17, $0xA8;
	[tilespmem:s18+$0x0] =	vst v5  }
.Ltmp7:
0x1b5: {  	[tilespmem:s18+$0xFFFFFFD0] =	vst v1;
	(pc) =	sbr.rel @p0 .LBB2_14-.Ltmp7, $4  }
0x1b6: {  	[spmem:s3] =	stream.indirect.scatter.add.f32 [tilespmem:s23], [sflag:$0x2], $0x80, s31, s25, $0xb8;
	[tilespmem:$0x1F980] =	vst v63  }
0x1b7: {  	_ =	swait.ge [sflag:s24], $0x4000  }
0x1b8: {  	[sflag:s24] =	ssyncset.done $0x0  }
0x1b9: {  	[sflag:s24] =	ssyncadd.s32 $0xFFFFC000  }
0x1ba: {  	[bflag:$0x0] =	sbarrier.arrive $0xFFFF  }
0x1bb: {  	s16 =	rddreg [dreg:$0xa]  }
0x1bc: {  	[hbm:s16], [sflag:s13] =	dma.local [spmem:s11], $0x2800  }
0x1bd: {  	_ =	swait.ge [sflag:s24], $0x2800  }
0x1be: {  	[sflag:s24] =	ssyncset.done $0x0  }
0x1bf: {  	s21 =	rddreg [dreg:$0xb];
	[sflag:s24] =	ssyncadd.s32 $0xFFFFD800  }
0x1c0: {  	[hbm4b:s21+s25] =	stream.strided.scatter [tilespmem:s0], [sflag:$0x2], $0x2800, s26, s25, $0x38;
	[tilespmem:$0x1F980] =	vst v63  }
0x1c1: {  	_ =	swait.ge [sflag:s24], $0x2800  }
0x1c2: {  	s4 =	sadd.s32 $0x1, s4;
	s22 =	rddreg [dreg:$0xc]  }
0x1c3: {  	p0 =	sne.s32 s4, s22  }
.Ltmp8:
0x1c4: {  	_ = 	snop;
	(pc) =	sbr.rel @p0 .LBB2_1-.Ltmp8, $3  }
0x1c5: {  	_ =	sdelay $0x1  }
0x1c6: {  	[sflag:s24] =	ssyncset.done $0x0  }
0x1c7: {  	[sflag:s24] =	ssyncadd.s32 $0xFFFFD800  }
0x1c8: {  	_ =	sfence.sel $0x180000  }
0x1c9: {  	[bflag:$0x0] =	sbarrier.arrive $0xFFFF  }
0x1ca: {  	_ =	strace $0x90000047  }
0x1cb: {  	s0 =	stileid.u32;
	[bflag:$0x2] =	sbarrier.arrive $0xFFFF  }
0x1cc: {  	p0 =	sne.s32 s0, $0x0;
	s0 =	rddreg [dreg:$0x3]  }
0x1cd: {  	s0 =	sadd.s32 @!p0 $0x100000, s0  }
0x1ce: {  	[sflag:s0] =	ssyncadd.tile.s32 @!p0 $0x1;
	_ =	shalt  }
.Lfunc_end2:
_tile_overlayer_lowered:
.L_overlay_start_2:
0x1cf: {  	(tag) =	ssettag $0x2  }
0x1d0: {  	s0 =	rddreg [dreg:$0x0];
	s2 =	stileid.u32  }
0x1d1: {  	s1 =	rddreg [dreg:$0x1];
	p0 =	sne.s32 s2, $0x0  }
0x1d2: {  	s3 =	rddreg [dreg:$0x2];
	[bflag:$0x3] =	sbarrier.arrive $0xFFFF;
	s2 =	simm.s32 @!p0 $0x1C02  }
0x1d3: {  	[timem:s3], [sflag:s2] =	dma.local @!p0 [hbm:s0], s1  }
0x1d4: {  	s0 =	simm.s32 @!p0 $0x2  }
0x1d5: {  	_ =	swait.ge @!p0 [sflag:s0], s1  }
0x1d6: {  	s1 =	ssub.s32 @!p0 $0x0, s1;
	[sflag:s0] =	ssyncset.done @!p0 $0x0  }
0x1d7: {  	[sflag:s0] =	ssyncadd.s32 @!p0 s1  }
0x1d8: {  	[bflag:$0x3] =	sbarrier.arrive $0xFFFF  }
0x1d9: {  	_ =	shalt  }

</sc_bundles>
